<compile_context>
chip_gen: v7x
topology: tpu7x:2x2x1
jax: 0.10.2.dev20260603
libtpu: 0.0.44.dev20260713+nightly
codegen_flags: <defaults>
</compile_context>

<pallas_src>
import jax
import jax.numpy as jnp
from jax import lax
from jax.experimental import pallas as pl
from jax.experimental.pallas import tpu as pltpu
from jax.experimental.pallas import tpu_sc as plsc

N = 10000
E = 320000
D = 128

NC = 2
NS = 16
L = 16
NW = NC * NS
EPW = E // NW
CB = 64
GCH = 40
SGB = GCH * CB
NSG = 4
EPWP = NSG * SGB
NP = 10112
RPT = NP // NS

_mesh = plsc.VectorSubcoreMesh(core_axis_name="c", subcore_axis_name="s")


def _sc_hop_body(tab_hbm, src_hbm, dst_hbm, ew_hbm, zeros_hbm, out_hbm,
                 acc, src_v, dst_v, ew_v, in0, in1, out0, out1,
                 sg0, sg1, ss0, ss1):
    c = lax.axis_index("c")
    t = lax.axis_index("s")
    w = c * NS + t
    r0 = t * RPT

    pltpu.sync_copy(zeros_hbm, acc.at[pl.ds(r0, RPT)])
    plsc.subcore_barrier()

    ins = (in0, in1)
    outs = (out0, out1)
    sgs = (sg0, sg1)
    sss = (ss0, ss1)

    def scale(j, bi):
        @plsc.parallel_loop(0, CB, unroll=4)
        def _(i):
            wv = plsc.load_gather(
                ew_v, [jnp.full((L,), j * CB + i, jnp.int32)])
            for q in range(D // (2 * L)):
                v = ins[bi][i, pl.ds(q * L, L)]
                u = plsc.bitcast(v, jnp.uint32)
                lo = plsc.bitcast(lax.shift_left(u, jnp.uint32(16)), jnp.float32)
                hi = plsc.bitcast(u & jnp.uint32(0xFFFF0000), jnp.float32)
                outs[bi][i, pl.ds(q * L, L)] = lo * wv
                outs[bi][i, pl.ds(D // 2 + q * L, L)] = hi * wv

    def start_gather(j, bi):
        pltpu.async_copy(tab_hbm.at[src_v.at[j]], ins[bi], sgs[bi])

    def wait_gather(j, bi):
        pltpu.make_async_copy(tab_hbm.at[src_v.at[j]], ins[bi],
                              sgs[bi]).wait()

    def start_scatter(j, bi):
        pltpu.async_copy(outs[bi], acc.at[dst_v.at[j]], sss[bi], add=True)

    def wait_scatter(j, bi):
        pltpu.make_async_copy(outs[bi], acc.at[dst_v.at[j]], sss[bi]).wait()

    def group(g, carry):
        pltpu.sync_copy(src_hbm.at[w].at[g], src_v)
        pltpu.sync_copy(dst_hbm.at[w].at[g], dst_v)
        pltpu.sync_copy(ew_hbm.at[w].at[g].at[0], ew_v)

        start_gather(0, 0)
        start_gather(1, 1)
        def pair(jp, cc):
            for b in (0, 1):
                j = 2 * jp + b
                wait_gather(j, b)


                scale(j, b)

                @pl.when(jp < GCH // 2 - 1)
                def _():
                    start_gather(j + 2, b)

                start_scatter(j, b)
            return cc

        lax.fori_loop(0, GCH // 2, pair, 0)
        wait_scatter(GCH - 2, 0)
        wait_scatter(GCH - 1, 1)
        return carry

    lax.fori_loop(0, NSG, group, 0)
    plsc.subcore_barrier()

    pltpu.sync_copy(acc.at[pl.ds(r0, RPT)], out_hbm.at[c].at[pl.ds(r0, RPT)])


_sc_hop = pl.kernel(
    _sc_hop_body,
    out_type=jax.ShapeDtypeStruct((NC, NP, D), jnp.float32),
    mesh=_mesh,
    compiler_params=pltpu.CompilerParams(needs_layout_passes=False,
                                         use_tc_tiling_on_sc=False),
    scratch_types=[
        pltpu.VMEM_SHARED((NP, D), jnp.float32),
        pltpu.VMEM((GCH, CB), jnp.int32),
        pltpu.VMEM((GCH, CB), jnp.int32),
        pltpu.VMEM((SGB,), jnp.float32),
        pltpu.VMEM((CB, D // 2), jnp.int32),
        pltpu.VMEM((CB, D // 2), jnp.int32),
        pltpu.VMEM((CB, D), jnp.float32),
        pltpu.VMEM((CB, D), jnp.float32),
        pltpu.SemaphoreType.DMA,
        pltpu.SemaphoreType.DMA,
        pltpu.SemaphoreType.DMA,
        pltpu.SemaphoreType.DMA,
    ],
)


def _tc_sum_body(p_ref, out_ref, outbf_ref):
    x = p_ref[0] + p_ref[1]
    out_ref[...] = x
    def _rnd(f):
        u = lax.bitcast_convert_type(f, jnp.uint32)
        return (u + 0x7FFF + ((u >> 16) & 1)) >> 16
    packed = (_rnd(x[:, D // 2:]) << 16) | _rnd(x[:, :D // 2])
    outbf_ref[...] = lax.bitcast_convert_type(packed, jnp.int32)


_tc_sum = pl.pallas_call(
    _tc_sum_body,
    out_shape=[jax.ShapeDtypeStruct((NP, D), jnp.float32),
               jax.ShapeDtypeStruct((NP, D // 2), jnp.int32)],
)


def _tc_body(y_ref, x1_ref, p2_ref, w0_ref, w1_ref, w2_ref, b_ref, g_ref,
             be_ref, out_ref):
    y = y_ref[...]
    x2 = p2_ref[0, :N, :] + p2_ref[1, :N, :]
    h = jnp.dot(y, w0_ref[...], preferred_element_type=jnp.float32)
    h += jnp.dot(x1_ref[:N, :], w1_ref[...], preferred_element_type=jnp.float32)
    h += jnp.dot(x2, w2_ref[...], preferred_element_type=jnp.float32)
    h += b_ref[...]
    mean = jnp.mean(h, axis=0, keepdims=True)
    var = jnp.mean(jnp.square(h - mean), axis=0, keepdims=True)
    hn = (h - mean) * lax.rsqrt(var + 1e-5)
    hb = g_ref[...] * hn + be_ref[...]
    out_ref[...] = y + jnp.where(hb >= 0, hb, 0.01 * hb)


_tc_call = pl.pallas_call(
    _tc_body,
    out_shape=jax.ShapeDtypeStruct((N, D), jnp.float32),
)


@jax.jit
def kernel(y, edge_index, edge_weight, W0, W1, W2, bias, gamma, beta):
    y_pad = jnp.pad(y, ((0, NP - N), (0, 0)))
    pad = ((0, 0), (0, EPWP - EPW))
    src = jnp.pad(edge_index[0].reshape(NW, EPW), pad, constant_values=N)
    dst = jnp.pad(edge_index[1].reshape(NW, EPW), pad, constant_values=N)
    ew = jnp.pad(edge_weight.reshape(NW, EPW), pad)
    src = src.reshape(NW, NSG, GCH, CB)
    dst = dst.reshape(NW, NSG, GCH, CB)
    ew = ew.reshape(NW, NSG, 1, SGB)
    zeros = jnp.zeros((RPT, D), jnp.float32)
    y_bf = y_pad.astype(jnp.bfloat16)
    y_sw = lax.bitcast_convert_type(
        jnp.stack([y_bf[:, :D // 2], y_bf[:, D // 2:]], axis=-1), jnp.int32)
    p1 = _sc_hop(y_sw, src, dst, ew, zeros)
    x1p, x1sw = _tc_sum(p1)
    p2 = _sc_hop(x1sw, src, dst, ew, zeros)
    return _tc_call(y, x1p, p2, W0, W1, W2,
                    bias.reshape(1, D), gamma.reshape(1, D),
                    beta.reshape(1, D))

# --- scband reference (transcript-rebuilt; emitter-appended) ---
"""Pipeline reference for scband-res-gnn-backbone-35880156791096 (READ-ONLY COPY).

The authoritative reference and input builder live on the scoring server;
editing this copy changes nothing except your own understanding.
"""

import jax, jax.numpy as jnp
import numpy as np

N = 10000
E = 320000
D = 128
K = 2


def setup_inputs(seed: int = 0) -> dict:
    key = jax.random.key(seed)
    ks = jax.random.split(key, 8)
    y = jax.random.normal(ks[0], (N, D), dtype=jnp.float32)
    edge_index = jax.random.randint(ks[1], (2, E), 0, N, dtype=jnp.int32)
    edge_weight = jax.random.uniform(ks[2], (E,), dtype=jnp.float32)
    scale = 1.0 / np.sqrt(D)
    W0 = jax.random.normal(ks[3], (D, D), dtype=jnp.float32) * scale
    W1 = jax.random.normal(ks[4], (D, D), dtype=jnp.float32) * scale
    W2 = jax.random.normal(ks[5], (D, D), dtype=jnp.float32) * scale
    bias = jnp.zeros((D,), dtype=jnp.float32)
    gamma = jnp.ones((D,), dtype=jnp.float32)
    beta = jnp.zeros((D,), dtype=jnp.float32)
    return {
        "y": y,
        "edge_index": edge_index,
        "edge_weight": edge_weight,
        "W0": W0,
        "W1": W1,
        "W2": W2,
        "bias": bias,
        "gamma": gamma,
        "beta": beta,
    }


def _tagconv(x, src, dst, ew, Ws, bias):
    # TAGConv with normalize=False: out = sum_k lin_k(A^k x), A weighted adjacency
    out = x @ Ws[0]
    xk = x
    for Wk in Ws[1:]:
        msg = xk[src] * ew[:, None]
        xk = jax.ops.segment_sum(msg, dst, num_segments=N)
        out = out + xk @ Wk
    return out + bias


def _batchnorm(h, gamma, beta, eps=1e-5):
    mean = jnp.mean(h, axis=0)
    var = jnp.var(h, axis=0)
    hn = (h - mean) / jnp.sqrt(var + eps)
    return gamma * hn + beta


def _leaky_relu(h, slope=0.01):
    return jnp.where(h >= 0, h, slope * h)


def reference(y, edge_index, edge_weight, W0, W1, W2, bias, gamma, beta):
    src = edge_index[0]
    dst = edge_index[1]
    # Single ResGraphConvBlock: conv -> norm -> act -> (dropout p=0) + identity residual
    h = _tagconv(y, src, dst, edge_weight, (W0, W1, W2), bias)
    h = _batchnorm(h, gamma, beta)
    h = _leaky_relu(h)
    out = y + h
    return out

if __name__ == "__main__":
    import jax
    _d = setup_inputs()
    print(jax.jit(kernel)(*tuple(_d.values())))

</pallas_src>

<mosaic_0001>
#map = affine_map<(d0, d1) -> (0, 0)>
#map1 = affine_map<(d0, d1) -> (0, 0, 0, 0)>
#map2 = affine_map<(d0, d1) -> (0, 0, 0)>
module attributes {stable_mosaic.version = 14 : i64} {
  func.func @_sc_hop_body(%arg0: i32, %arg1: i32, %arg2: memref<10112x64xi32, #tpu.memory_space<hbm>>, %arg3: memref<32x4x40x64xi32, #tpu.memory_space<hbm>>, %arg4: memref<32x4x40x64xi32, #tpu.memory_space<hbm>>, %arg5: memref<32x4x1x2560xf32, #tpu.memory_space<hbm>>, %arg6: memref<632x128xf32, #tpu.memory_space<hbm>>, %arg7: memref<2x10112x128xf32, #tpu.memory_space<hbm>>, %arg8: memref<10112x128xf32, #tpu.memory_space<vmem_shared>>, %arg9: memref<40x64xi32, #tpu.memory_space<vmem>>, %arg10: memref<40x64xi32, #tpu.memory_space<vmem>>, %arg11: memref<2560xf32, #tpu.memory_space<vmem>>, %arg12: memref<64x64xi32, #tpu.memory_space<vmem>>, %arg13: memref<64x64xi32, #tpu.memory_space<vmem>>, %arg14: memref<64x128xf32, #tpu.memory_space<vmem>>, %arg15: memref<64x128xf32, #tpu.memory_space<vmem>>, %arg16: memref<!tpu.dma_semaphore, #tpu.memory_space<semaphore_mem>>, %arg17: memref<!tpu.dma_semaphore, #tpu.memory_space<semaphore_mem>>, %arg18: memref<!tpu.dma_semaphore, #tpu.memory_space<semaphore_mem>>, %arg19: memref<!tpu.dma_semaphore, #tpu.memory_space<semaphore_mem>>) attributes {dimension_semantics = [#tpu.dimension_semantics<core_parallel>, #tpu.dimension_semantics<subcore_parallel>], iteration_bounds = array<i64: 2, 16>, scalar_prefetch = 0 : i64, scratch_operands = 12 : i64, tpu.core_type = #tpu.core_type<sc_vector_subcore>, window_params = [{transform_indices = #map}, {transform_indices = #map1}, {transform_indices = #map1}, {transform_indices = #map1}, {transform_indices = #map}, {transform_indices = #map2}]} {
    %mul3A = arith.constant 16 : i32
    %mul3A_0 = arith.muli %arg0, %mul3A : i32
    %add3A = arith.addi %mul3A_0, %arg1 : i32
    %mul3A_1 = arith.constant 632 : i32
    %mul3A_2 = arith.muli %arg1, %mul3A_1 : i32
    "tpu.region"() ({
      %run_scoped3A = tpu.sem_alloc : memref<!tpu.dma_semaphore, #tpu.memory_space<semaphore_mem>>
      %dma_start3A = arith.constant 0 : i32
      %dma_start3A_9 = tpu.memref_slice %arg8[%mul3A_2, %dma_start3A] : memref<10112x128xf32, #tpu.memory_space<vmem_shared>> -> memref<632x128xf32, #tpu.memory_space<vmem_shared>>
      tpu.enqueue_dma source(%arg6 : memref<632x128xf32, #tpu.memory_space<hbm>>) target(%dma_start3A_9 : memref<632x128xf32, #tpu.memory_space<vmem_shared>>) target_semaphore(%run_scoped3A : memref<!tpu.dma_semaphore, #tpu.memory_space<semaphore_mem>>)
      %dma_wait3A = arith.constant 0 : i32
      %dma_wait3A_10 = tpu.memref_slice %arg8[%mul3A_2, %dma_wait3A] : memref<10112x128xf32, #tpu.memory_space<vmem_shared>> -> memref<632x128xf32, #tpu.memory_space<vmem_shared>>
      tpu.wait_dma2 semaphore(%run_scoped3A : memref<!tpu.dma_semaphore, #tpu.memory_space<semaphore_mem>>) src(%arg6 : memref<632x128xf32, #tpu.memory_space<hbm>>) dst(%dma_wait3A_10 : memref<632x128xf32, #tpu.memory_space<vmem_shared>>)
      tpu.yield
    }) : () -> ()
    %barrier3A = arith.constant 0 : index
    tpu.barrier barrier_id(%barrier3A)
    %scan3A = arith.constant 0 : i32
    %scan3A_3 = arith.constant 0 : i32
    %scan3A_4 = arith.constant 4 : i32
    %scan3A_5 = arith.addi %scan3A_3, %scan3A_4 : i32
    %scan3A_6 = arith.constant 1 : i32
    scf.for %scan3A_9 = %scan3A_3 to %scan3A_5 step %scan3A_6  : i32 {
      "tpu.region"() ({
        %run_scoped3A_42 = tpu.sem_alloc : memref<!tpu.dma_semaphore, #tpu.memory_space<semaphore_mem>>
        %dma_start3A_43 = arith.constant 0 : i32
        %dma_start3A_44 = arith.constant 0 : i32
        %dma_start3A_45 = arith.constant 0 : i32
        %dma_start3A_46 = tpu.memref_slice %arg3[%add3A, %dma_start3A_43, %dma_start3A_44, %dma_start3A_45] : memref<32x4x40x64xi32, #tpu.memory_space<hbm>> -> memref<1x4x40x64xi32, #tpu.memory_space<hbm>>
        %dma_start3A_47 = tpu.memref_squeeze %dma_start3A_46 : memref<1x4x40x64xi32, #tpu.memory_space<hbm>> -> memref<4x40x64xi32, #tpu.memory_space<hbm>>
        %dma_start3A_48 = arith.constant 0 : i32
        %dma_start3A_49 = arith.constant 0 : i32
        %dma_start3A_50 = tpu.memref_slice %dma_start3A_47[%scan3A_9, %dma_start3A_48, %dma_start3A_49] : memref<4x40x64xi32, #tpu.memory_space<hbm>> -> memref<1x40x64xi32, #tpu.memory_space<hbm>>
        %dma_start3A_51 = tpu.memref_squeeze %dma_start3A_50 : memref<1x40x64xi32, #tpu.memory_space<hbm>> -> memref<40x64xi32, #tpu.memory_space<hbm>>
        %dma_start3A_52 = arith.constant 0 : i32
        %dma_start3A_53 = arith.constant 0 : i32
        %dma_start3A_54 = arith.constant 0 : i32
        %dma_start3A_55 = tpu.memref_slice %arg3[%add3A, %dma_start3A_52, %dma_start3A_53, %dma_start3A_54] : memref<32x4x40x64xi32, #tpu.memory_space<hbm>> -> memref<1x4x40x64xi32, #tpu.memory_space<hbm>>
        %dma_start3A_56 = tpu.memref_squeeze %dma_start3A_55 : memref<1x4x40x64xi32, #tpu.memory_space<hbm>> -> memref<4x40x64xi32, #tpu.memory_space<hbm>>
        %dma_start3A_57 = arith.constant 0 : i32
        %dma_start3A_58 = arith.constant 0 : i32
        %dma_start3A_59 = tpu.memref_slice %dma_start3A_56[%scan3A_9, %dma_start3A_57, %dma_start3A_58] : memref<4x40x64xi32, #tpu.memory_space<hbm>> -> memref<1x40x64xi32, #tpu.memory_space<hbm>>
        %dma_start3A_60 = tpu.memref_squeeze %dma_start3A_59 : memref<1x40x64xi32, #tpu.memory_space<hbm>> -> memref<40x64xi32, #tpu.memory_space<hbm>>
        tpu.enqueue_dma source(%dma_start3A_60 : memref<40x64xi32, #tpu.memory_space<hbm>>) target(%arg9 : memref<40x64xi32, #tpu.memory_space<vmem>>) target_semaphore(%run_scoped3A_42 : memref<!tpu.dma_semaphore, #tpu.memory_space<semaphore_mem>>)
        %dma_wait3A_61 = arith.constant 0 : i32
        %dma_wait3A_62 = arith.constant 0 : i32
        %dma_wait3A_63 = arith.constant 0 : i32
        %dma_wait3A_64 = tpu.memref_slice %arg3[%add3A, %dma_wait3A_61, %dma_wait3A_62, %dma_wait3A_63] : memref<32x4x40x64xi32, #tpu.memory_space<hbm>> -> memref<1x4x40x64xi32, #tpu.memory_space<hbm>>
        %dma_wait3A_65 = tpu.memref_squeeze %dma_wait3A_64 : memref<1x4x40x64xi32, #tpu.memory_space<hbm>> -> memref<4x40x64xi32, #tpu.memory_space<hbm>>
        %dma_wait3A_66 = arith.constant 0 : i32
        %dma_wait3A_67 = arith.constant 0 : i32
        %dma_wait3A_68 = tpu.memref_slice %dma_wait3A_65[%scan3A_9, %dma_wait3A_66, %dma_wait3A_67] : memref<4x40x64xi32, #tpu.memory_space<hbm>> -> memref<1x40x64xi32, #tpu.memory_space<hbm>>
        %dma_wait3A_69 = tpu.memref_squeeze %dma_wait3A_68 : memref<1x40x64xi32, #tpu.memory_space<hbm>> -> memref<40x64xi32, #tpu.memory_space<hbm>>
        %dma_wait3A_70 = arith.constant 0 : i32
        %dma_wait3A_71 = arith.constant 0 : i32
        %dma_wait3A_72 = arith.constant 0 : i32
        %dma_wait3A_73 = tpu.memref_slice %arg3[%add3A, %dma_wait3A_70, %dma_wait3A_71, %dma_wait3A_72] : memref<32x4x40x64xi32, #tpu.memory_space<hbm>> -> memref<1x4x40x64xi32, #tpu.memory_space<hbm>>
        %dma_wait3A_74 = tpu.memref_squeeze %dma_wait3A_73 : memref<1x4x40x64xi32, #tpu.memory_space<hbm>> -> memref<4x40x64xi32, #tpu.memory_space<hbm>>
        %dma_wait3A_75 = arith.constant 0 : i32
        %dma_wait3A_76 = arith.constant 0 : i32
        %dma_wait3A_77 = tpu.memref_slice %dma_wait3A_74[%scan3A_9, %dma_wait3A_75, %dma_wait3A_76] : memref<4x40x64xi32, #tpu.memory_space<hbm>> -> memref<1x40x64xi32, #tpu.memory_space<hbm>>
        %dma_wait3A_78 = tpu.memref_squeeze %dma_wait3A_77 : memref<1x40x64xi32, #tpu.memory_space<hbm>> -> memref<40x64xi32, #tpu.memory_space<hbm>>
        tpu.wait_dma2 semaphore(%run_scoped3A_42 : memref<!tpu.dma_semaphore, #tpu.memory_space<semaphore_mem>>) src(%dma_wait3A_78 : memref<40x64xi32, #tpu.memory_space<hbm>>) dst(%arg9 : memref<40x64xi32, #tpu.memory_space<vmem>>)
        tpu.yield
      }) : () -> ()
      "tpu.region"() ({
        %run_scoped3A_42 = tpu.sem_alloc : memref<!tpu.dma_semaphore, #tpu.memory_space<semaphore_mem>>
        %dma_start3A_43 = arith.constant 0 : i32
        %dma_start3A_44 = arith.constant 0 : i32
        %dma_start3A_45 = arith.constant 0 : i32
        %dma_start3A_46 = tpu.memref_slice %arg4[%add3A, %dma_start3A_43, %dma_start3A_44, %dma_start3A_45] : memref<32x4x40x64xi32, #tpu.memory_space<hbm>> -> memref<1x4x40x64xi32, #tpu.memory_space<hbm>>
        %dma_start3A_47 = tpu.memref_squeeze %dma_start3A_46 : memref<1x4x40x64xi32, #tpu.memory_space<hbm>> -> memref<4x40x64xi32, #tpu.memory_space<hbm>>
        %dma_start3A_48 = arith.constant 0 : i32
        %dma_start3A_49 = arith.constant 0 : i32
        %dma_start3A_50 = tpu.memref_slice %dma_start3A_47[%scan3A_9, %dma_start3A_48, %dma_start3A_49] : memref<4x40x64xi32, #tpu.memory_space<hbm>> -> memref<1x40x64xi32, #tpu.memory_space<hbm>>
        %dma_start3A_51 = tpu.memref_squeeze %dma_start3A_50 : memref<1x40x64xi32, #tpu.memory_space<hbm>> -> memref<40x64xi32, #tpu.memory_space<hbm>>
        %dma_start3A_52 = arith.constant 0 : i32
        %dma_start3A_53 = arith.constant 0 : i32
        %dma_start3A_54 = arith.constant 0 : i32
        %dma_start3A_55 = tpu.memref_slice %arg4[%add3A, %dma_start3A_52, %dma_start3A_53, %dma_start3A_54] : memref<32x4x40x64xi32, #tpu.memory_space<hbm>> -> memref<1x4x40x64xi32, #tpu.memory_space<hbm>>
        %dma_start3A_56 = tpu.memref_squeeze %dma_start3A_55 : memref<1x4x40x64xi32, #tpu.memory_space<hbm>> -> memref<4x40x64xi32, #tpu.memory_space<hbm>>
        %dma_start3A_57 = arith.constant 0 : i32
        %dma_start3A_58 = arith.constant 0 : i32
        %dma_start3A_59 = tpu.memref_slice %dma_start3A_56[%scan3A_9, %dma_start3A_57, %dma_start3A_58] : memref<4x40x64xi32, #tpu.memory_space<hbm>> -> memref<1x40x64xi32, #tpu.memory_space<hbm>>
        %dma_start3A_60 = tpu.memref_squeeze %dma_start3A_59 : memref<1x40x64xi32, #tpu.memory_space<hbm>> -> memref<40x64xi32, #tpu.memory_space<hbm>>
        tpu.enqueue_dma source(%dma_start3A_60 : memref<40x64xi32, #tpu.memory_space<hbm>>) target(%arg10 : memref<40x64xi32, #tpu.memory_space<vmem>>) target_semaphore(%run_scoped3A_42 : memref<!tpu.dma_semaphore, #tpu.memory_space<semaphore_mem>>)
        %dma_wait3A_61 = arith.constant 0 : i32
        %dma_wait3A_62 = arith.constant 0 : i32
        %dma_wait3A_63 = arith.constant 0 : i32
        %dma_wait3A_64 = tpu.memref_slice %arg4[%add3A, %dma_wait3A_61, %dma_wait3A_62, %dma_wait3A_63] : memref<32x4x40x64xi32, #tpu.memory_space<hbm>> -> memref<1x4x40x64xi32, #tpu.memory_space<hbm>>
        %dma_wait3A_65 = tpu.memref_squeeze %dma_wait3A_64 : memref<1x4x40x64xi32, #tpu.memory_space<hbm>> -> memref<4x40x64xi32, #tpu.memory_space<hbm>>
        %dma_wait3A_66 = arith.constant 0 : i32
        %dma_wait3A_67 = arith.constant 0 : i32
        %dma_wait3A_68 = tpu.memref_slice %dma_wait3A_65[%scan3A_9, %dma_wait3A_66, %dma_wait3A_67] : memref<4x40x64xi32, #tpu.memory_space<hbm>> -> memref<1x40x64xi32, #tpu.memory_space<hbm>>
        %dma_wait3A_69 = tpu.memref_squeeze %dma_wait3A_68 : memref<1x40x64xi32, #tpu.memory_space<hbm>> -> memref<40x64xi32, #tpu.memory_space<hbm>>
        %dma_wait3A_70 = arith.constant 0 : i32
        %dma_wait3A_71 = arith.constant 0 : i32
        %dma_wait3A_72 = arith.constant 0 : i32
        %dma_wait3A_73 = tpu.memref_slice %arg4[%add3A, %dma_wait3A_70, %dma_wait3A_71, %dma_wait3A_72] : memref<32x4x40x64xi32, #tpu.memory_space<hbm>> -> memref<1x4x40x64xi32, #tpu.memory_space<hbm>>
        %dma_wait3A_74 = tpu.memref_squeeze %dma_wait3A_73 : memref<1x4x40x64xi32, #tpu.memory_space<hbm>> -> memref<4x40x64xi32, #tpu.memory_space<hbm>>
        %dma_wait3A_75 = arith.constant 0 : i32
        %dma_wait3A_76 = arith.constant 0 : i32
        %dma_wait3A_77 = tpu.memref_slice %dma_wait3A_74[%scan3A_9, %dma_wait3A_75, %dma_wait3A_76] : memref<4x40x64xi32, #tpu.memory_space<hbm>> -> memref<1x40x64xi32, #tpu.memory_space<hbm>>
        %dma_wait3A_78 = tpu.memref_squeeze %dma_wait3A_77 : memref<1x40x64xi32, #tpu.memory_space<hbm>> -> memref<40x64xi32, #tpu.memory_space<hbm>>
        tpu.wait_dma2 semaphore(%run_scoped3A_42 : memref<!tpu.dma_semaphore, #tpu.memory_space<semaphore_mem>>) src(%dma_wait3A_78 : memref<40x64xi32, #tpu.memory_space<hbm>>) dst(%arg10 : memref<40x64xi32, #tpu.memory_space<vmem>>)
        tpu.yield
      }) : () -> ()
      %run_scoped3A = arith.constant 0 : i32
      "tpu.region"() ({
        %run_scoped3A_42 = tpu.sem_alloc : memref<!tpu.dma_semaphore, #tpu.memory_space<semaphore_mem>>
        %dma_start3A_43 = arith.constant 0 : i32
        %dma_start3A_44 = arith.constant 0 : i32
        %dma_start3A_45 = arith.constant 0 : i32
        %dma_start3A_46 = tpu.memref_slice %arg5[%add3A, %dma_start3A_43, %dma_start3A_44, %dma_start3A_45] : memref<32x4x1x2560xf32, #tpu.memory_space<hbm>> -> memref<1x4x1x2560xf32, #tpu.memory_space<hbm>>
        %dma_start3A_47 = tpu.memref_squeeze %dma_start3A_46 : memref<1x4x1x2560xf32, #tpu.memory_space<hbm>> -> memref<4x1x2560xf32, #tpu.memory_space<hbm>>
        %dma_start3A_48 = arith.constant 0 : i32
        %dma_start3A_49 = arith.constant 0 : i32
        %dma_start3A_50 = tpu.memref_slice %dma_start3A_47[%scan3A_9, %dma_start3A_48, %dma_start3A_49] : memref<4x1x2560xf32, #tpu.memory_space<hbm>> -> memref<1x1x2560xf32, #tpu.memory_space<hbm>>
        %dma_start3A_51 = tpu.memref_squeeze %dma_start3A_50 : memref<1x1x2560xf32, #tpu.memory_space<hbm>> -> memref<1x2560xf32, #tpu.memory_space<hbm>>
        %dma_start3A_52 = arith.constant 0 : i32
        %dma_start3A_53 = tpu.memref_slice %dma_start3A_51[%run_scoped3A, %dma_start3A_52] : memref<1x2560xf32, #tpu.memory_space<hbm>> -> memref<1x2560xf32, #tpu.memory_space<hbm>>
        %dma_start3A_54 = tpu.memref_squeeze %dma_start3A_53 : memref<1x2560xf32, #tpu.memory_space<hbm>> -> memref<2560xf32, #tpu.memory_space<hbm>>
        %dma_start3A_55 = arith.constant 0 : i32
        %dma_start3A_56 = arith.constant 0 : i32
        %dma_start3A_57 = arith.constant 0 : i32
        %dma_start3A_58 = tpu.memref_slice %arg5[%add3A, %dma_start3A_55, %dma_start3A_56, %dma_start3A_57] : memref<32x4x1x2560xf32, #tpu.memory_space<hbm>> -> memref<1x4x1x2560xf32, #tpu.memory_space<hbm>>
        %dma_start3A_59 = tpu.memref_squeeze %dma_start3A_58 : memref<1x4x1x2560xf32, #tpu.memory_space<hbm>> -> memref<4x1x2560xf32, #tpu.memory_space<hbm>>
        %dma_start3A_60 = arith.constant 0 : i32
        %dma_start3A_61 = arith.constant 0 : i32
        %dma_start3A_62 = tpu.memref_slice %dma_start3A_59[%scan3A_9, %dma_start3A_60, %dma_start3A_61] : memref<4x1x2560xf32, #tpu.memory_space<hbm>> -> memref<1x1x2560xf32, #tpu.memory_space<hbm>>
        %dma_start3A_63 = tpu.memref_squeeze %dma_start3A_62 : memref<1x1x2560xf32, #tpu.memory_space<hbm>> -> memref<1x2560xf32, #tpu.memory_space<hbm>>
        %dma_start3A_64 = arith.constant 0 : i32
        %dma_start3A_65 = tpu.memref_slice %dma_start3A_63[%run_scoped3A, %dma_start3A_64] : memref<1x2560xf32, #tpu.memory_space<hbm>> -> memref<1x2560xf32, #tpu.memory_space<hbm>>
        %dma_start3A_66 = tpu.memref_squeeze %dma_start3A_65 : memref<1x2560xf32, #tpu.memory_space<hbm>> -> memref<2560xf32, #tpu.memory_space<hbm>>
        tpu.enqueue_dma source(%dma_start3A_66 : memref<2560xf32, #tpu.memory_space<hbm>>) target(%arg11 : memref<2560xf32, #tpu.memory_space<vmem>>) target_semaphore(%run_scoped3A_42 : memref<!tpu.dma_semaphore, #tpu.memory_space<semaphore_mem>>)
        %dma_wait3A_67 = arith.constant 0 : i32
        %dma_wait3A_68 = arith.constant 0 : i32
        %dma_wait3A_69 = arith.constant 0 : i32
        %dma_wait3A_70 = tpu.memref_slice %arg5[%add3A, %dma_wait3A_67, %dma_wait3A_68, %dma_wait3A_69] : memref<32x4x1x2560xf32, #tpu.memory_space<hbm>> -> memref<1x4x1x2560xf32, #tpu.memory_space<hbm>>
        %dma_wait3A_71 = tpu.memref_squeeze %dma_wait3A_70 : memref<1x4x1x2560xf32, #tpu.memory_space<hbm>> -> memref<4x1x2560xf32, #tpu.memory_space<hbm>>
        %dma_wait3A_72 = arith.constant 0 : i32
        %dma_wait3A_73 = arith.constant 0 : i32
        %dma_wait3A_74 = tpu.memref_slice %dma_wait3A_71[%scan3A_9, %dma_wait3A_72, %dma_wait3A_73] : memref<4x1x2560xf32, #tpu.memory_space<hbm>> -> memref<1x1x2560xf32, #tpu.memory_space<hbm>>
        %dma_wait3A_75 = tpu.memref_squeeze %dma_wait3A_74 : memref<1x1x2560xf32, #tpu.memory_space<hbm>> -> memref<1x2560xf32, #tpu.memory_space<hbm>>
        %dma_wait3A_76 = arith.constant 0 : i32
        %dma_wait3A_77 = tpu.memref_slice %dma_wait3A_75[%run_scoped3A, %dma_wait3A_76] : memref<1x2560xf32, #tpu.memory_space<hbm>> -> memref<1x2560xf32, #tpu.memory_space<hbm>>
        %dma_wait3A_78 = tpu.memref_squeeze %dma_wait3A_77 : memref<1x2560xf32, #tpu.memory_space<hbm>> -> memref<2560xf32, #tpu.memory_space<hbm>>
        %dma_wait3A_79 = arith.constant 0 : i32
        %dma_wait3A_80 = arith.constant 0 : i32
        %dma_wait3A_81 = arith.constant 0 : i32
        %dma_wait3A_82 = tpu.memref_slice %arg5[%add3A, %dma_wait3A_79, %dma_wait3A_80, %dma_wait3A_81] : memref<32x4x1x2560xf32, #tpu.memory_space<hbm>> -> memref<1x4x1x2560xf32, #tpu.memory_space<hbm>>
        %dma_wait3A_83 = tpu.memref_squeeze %dma_wait3A_82 : memref<1x4x1x2560xf32, #tpu.memory_space<hbm>> -> memref<4x1x2560xf32, #tpu.memory_space<hbm>>
        %dma_wait3A_84 = arith.constant 0 : i32
        %dma_wait3A_85 = arith.constant 0 : i32
        %dma_wait3A_86 = tpu.memref_slice %dma_wait3A_83[%scan3A_9, %dma_wait3A_84, %dma_wait3A_85] : memref<4x1x2560xf32, #tpu.memory_space<hbm>> -> memref<1x1x2560xf32, #tpu.memory_space<hbm>>
        %dma_wait3A_87 = tpu.memref_squeeze %dma_wait3A_86 : memref<1x1x2560xf32, #tpu.memory_space<hbm>> -> memref<1x2560xf32, #tpu.memory_space<hbm>>
        %dma_wait3A_88 = arith.constant 0 : i32
        %dma_wait3A_89 = tpu.memref_slice %dma_wait3A_87[%run_scoped3A, %dma_wait3A_88] : memref<1x2560xf32, #tpu.memory_space<hbm>> -> memref<1x2560xf32, #tpu.memory_space<hbm>>
        %dma_wait3A_90 = tpu.memref_squeeze %dma_wait3A_89 : memref<1x2560xf32, #tpu.memory_space<hbm>> -> memref<2560xf32, #tpu.memory_space<hbm>>
        tpu.wait_dma2 semaphore(%run_scoped3A_42 : memref<!tpu.dma_semaphore, #tpu.memory_space<semaphore_mem>>) src(%dma_wait3A_90 : memref<2560xf32, #tpu.memory_space<hbm>>) dst(%arg11 : memref<2560xf32, #tpu.memory_space<vmem>>)
        tpu.yield
      }) : () -> ()
      %dma_start3A = arith.constant 0 : i32
      %dma_start3A_10 = arith.constant 0 : i32
      %dma_start3A_11 = tpu.memref_slice %arg9[%dma_start3A, %dma_start3A_10] : memref<40x64xi32, #tpu.memory_space<vmem>> -> memref<1x64xi32, #tpu.memory_space<vmem>>
      %dma_start3A_12 = tpu.memref_squeeze %dma_start3A_11 : memref<1x64xi32, #tpu.memory_space<vmem>> -> memref<64xi32, #tpu.memory_space<vmem>>
      %dma_start3A_13 = arith.constant 0 : i32
      %dma_start3A_14 = arith.constant 0 : i32
      %dma_start3A_15 = tpu.memref_slice %arg2[%dma_start3A_13, %dma_start3A_14] : memref<10112x64xi32, #tpu.memory_space<hbm>> -> memref<10112x64xi32, #tpu.memory_space<hbm>>
      tpu.enqueue_indirect_dma source(%dma_start3A_15 : memref<10112x64xi32, #tpu.memory_space<hbm>>) target(%arg12 : memref<64x64xi32, #tpu.memory_space<vmem>>) offsets(%dma_start3A_12 : memref<64xi32, #tpu.memory_space<vmem>>) semaphore(%arg16 : memref<!tpu.dma_semaphore, #tpu.memory_space<semaphore_mem>>)
      %dma_start3A_16 = arith.constant 1 : i32
      %dma_start3A_17 = arith.constant 0 : i32
      %dma_start3A_18 = tpu.memref_slice %arg9[%dma_start3A_16, %dma_start3A_17] : memref<40x64xi32, #tpu.memory_space<vmem>> -> memref<1x64xi32, #tpu.memory_space<vmem>>
      %dma_start3A_19 = tpu.memref_squeeze %dma_start3A_18 : memref<1x64xi32, #tpu.memory_space<vmem>> -> memref<64xi32, #tpu.memory_space<vmem>>
      %dma_start3A_20 = arith.constant 0 : i32
      %dma_start3A_21 = arith.constant 0 : i32
      %dma_start3A_22 = tpu.memref_slice %arg2[%dma_start3A_20, %dma_start3A_21] : memref<10112x64xi32, #tpu.memory_space<hbm>> -> memref<10112x64xi32, #tpu.memory_space<hbm>>
      tpu.enqueue_indirect_dma source(%dma_start3A_22 : memref<10112x64xi32, #tpu.memory_space<hbm>>) target(%arg13 : memref<64x64xi32, #tpu.memory_space<vmem>>) offsets(%dma_start3A_19 : memref<64xi32, #tpu.memory_space<vmem>>) semaphore(%arg17 : memref<!tpu.dma_semaphore, #tpu.memory_space<semaphore_mem>>)
      %scan3A_23 = arith.constant 0 : i32
      %scan3A_24 = arith.constant 0 : i32
      %scan3A_25 = arith.constant 20 : i32
      %scan3A_26 = arith.addi %scan3A_24, %scan3A_25 : i32
      %scan3A_27 = arith.constant 1 : i32
      scf.for %scan3A_42 = %scan3A_24 to %scan3A_26 step %scan3A_27  : i32 {
        %mul3A_43 = arith.constant 2 : i32
        %mul3A_44 = arith.muli %mul3A_43, %scan3A_42 : i32
        %add3A_45 = arith.constant 0 : i32
        %add3A_46 = arith.addi %mul3A_44, %add3A_45 : i32
        %dma_wait3A_47 = arith.constant 0 : i32
        %dma_wait3A_48 = tpu.memref_slice %arg9[%add3A_46, %dma_wait3A_47] : memref<40x64xi32, #tpu.memory_space<vmem>> -> memref<1x64xi32, #tpu.memory_space<vmem>>
        %dma_wait3A_49 = tpu.memref_squeeze %dma_wait3A_48 : memref<1x64xi32, #tpu.memory_space<vmem>> -> memref<64xi32, #tpu.memory_space<vmem>>
        %dma_wait3A_50 = arith.constant 0 : i32
        %dma_wait3A_51 = arith.constant 0 : i32
        %dma_wait3A_52 = tpu.memref_slice %arg2[%dma_wait3A_50, %dma_wait3A_51] : memref<10112x64xi32, #tpu.memory_space<hbm>> -> memref<10112x64xi32, #tpu.memory_space<hbm>>
        tpu.wait_indirect_dma semaphore(%arg16 : memref<!tpu.dma_semaphore, #tpu.memory_space<semaphore_mem>>) src(%dma_wait3A_52 : memref<10112x64xi32, #tpu.memory_space<hbm>>) dst(%arg12 : memref<64x64xi32, #tpu.memory_space<vmem>>)
        %parallel_loop3A = arith.constant 0 : i32
        %parallel_loop3A_53 = arith.constant 64 : i32
        %parallel_loop3A_54 = arith.constant 1 : i32
        scf.for %parallel_loop3A_87 = %parallel_loop3A to %parallel_loop3A_53 step %parallel_loop3A_54  : i32 {
          %parallel_loop3A_88 = arith.constant 64 : i32
          %parallel_loop3A_89 = arith.muli %add3A_46, %parallel_loop3A_88 : i32
          %parallel_loop3A_90 = arith.addi %parallel_loop3A_89, %parallel_loop3A_87 : i32
          %parallel_loop3A_91 = vector.broadcast %parallel_loop3A_90 : i32 to vector<16xi32>
          %parallel_loop3A_92 = tpu.vector_load_idx %arg11[%parallel_loop3A_91] : memref<2560xf32, #tpu.memory_space<vmem>>[vector<16xi32>], vector<16xf32>,
          %parallel_loop3A_93 = arith.index_cast %parallel_loop3A_87 : i32 to index
          %parallel_loop3A_94 = arith.constant 0 : index
          %parallel_loop3A_95 = tpu.vector_load %arg12[%parallel_loop3A_93, %parallel_loop3A_94] {strides = array<i32>} : memref<64x64xi32, #tpu.memory_space<vmem>>, vector<16xi32>,
          %parallel_loop3A_96 = vector.bitcast %parallel_loop3A_95 : vector<16xi32> to vector<16xi32>
          %parallel_loop3A_97 = arith.constant 16 : i32
          %parallel_loop3A_98 = vector.broadcast %parallel_loop3A_97 : i32 to vector<16xi32>
          %parallel_loop3A_99 = arith.shli %parallel_loop3A_96, %parallel_loop3A_98 : vector<16xi32>
          %parallel_loop3A_100 = vector.bitcast %parallel_loop3A_99 : vector<16xi32> to vector<16xf32>
          %parallel_loop3A_101 = arith.constant -65536 : i32
          %parallel_loop3A_102 = vector.broadcast %parallel_loop3A_101 : i32 to vector<16xi32>
          %parallel_loop3A_103 = arith.andi %parallel_loop3A_96, %parallel_loop3A_102 : vector<16xi32>
          %parallel_loop3A_104 = vector.bitcast %parallel_loop3A_103 : vector<16xi32> to vector<16xf32>
          %parallel_loop3A_105 = arith.mulf %parallel_loop3A_100, %parallel_loop3A_92 : vector<16xf32>
          %parallel_loop3A_106 = arith.index_cast %parallel_loop3A_87 : i32 to index
          %parallel_loop3A_107 = arith.constant 0 : index
          %parallel_loop3A_108 = tpu.vector_load %arg14[%parallel_loop3A_106, %parallel_loop3A_107] {strides = array<i32>} : memref<64x128xf32, #tpu.memory_space<vmem>>, vector<16xf32>,
          tpu.vector_store %arg14[%parallel_loop3A_106, %parallel_loop3A_107], %parallel_loop3A_105 {strides = array<i32>} : memref<64x128xf32, #tpu.memory_space<vmem>>, vector<16xf32>,
          %parallel_loop3A_109 = arith.mulf %parallel_loop3A_104, %parallel_loop3A_92 : vector<16xf32>
          %parallel_loop3A_110 = arith.index_cast %parallel_loop3A_87 : i32 to index
          %parallel_loop3A_111 = arith.constant 64 : index
          %parallel_loop3A_112 = tpu.vector_load %arg14[%parallel_loop3A_110, %parallel_loop3A_111] {strides = array<i32>} : memref<64x128xf32, #tpu.memory_space<vmem>>, vector<16xf32>,
          tpu.vector_store %arg14[%parallel_loop3A_110, %parallel_loop3A_111], %parallel_loop3A_109 {strides = array<i32>} : memref<64x128xf32, #tpu.memory_space<vmem>>, vector<16xf32>,
          %parallel_loop3A_113 = arith.index_cast %parallel_loop3A_87 : i32 to index
          %parallel_loop3A_114 = arith.constant 16 : index
          %parallel_loop3A_115 = tpu.vector_load %arg12[%parallel_loop3A_113, %parallel_loop3A_114] {strides = array<i32>} : memref<64x64xi32, #tpu.memory_space<vmem>>, vector<16xi32>,
          %parallel_loop3A_116 = vector.bitcast %parallel_loop3A_115 : vector<16xi32> to vector<16xi32>
          %parallel_loop3A_117 = arith.constant 16 : i32
          %parallel_loop3A_118 = vector.broadcast %parallel_loop3A_117 : i32 to vector<16xi32>
          %parallel_loop3A_119 = arith.shli %parallel_loop3A_116, %parallel_loop3A_118 : vector<16xi32>
          %parallel_loop3A_120 = vector.bitcast %parallel_loop3A_119 : vector<16xi32> to vector<16xf32>
          %parallel_loop3A_121 = arith.constant -65536 : i32
          %parallel_loop3A_122 = vector.broadcast %parallel_loop3A_121 : i32 to vector<16xi32>
          %parallel_loop3A_123 = arith.andi %parallel_loop3A_116, %parallel_loop3A_122 : vector<16xi32>
          %parallel_loop3A_124 = vector.bitcast %parallel_loop3A_123 : vector<16xi32> to vector<16xf32>
          %parallel_loop3A_125 = arith.mulf %parallel_loop3A_120, %parallel_loop3A_92 : vector<16xf32>
          %parallel_loop3A_126 = arith.index_cast %parallel_loop3A_87 : i32 to index
          %parallel_loop3A_127 = arith.constant 16 : index
          %parallel_loop3A_128 = tpu.vector_load %arg14[%parallel_loop3A_126, %parallel_loop3A_127] {strides = array<i32>} : memref<64x128xf32, #tpu.memory_space<vmem>>, vector<16xf32>,
          tpu.vector_store %arg14[%parallel_loop3A_126, %parallel_loop3A_127], %parallel_loop3A_125 {strides = array<i32>} : memref<64x128xf32, #tpu.memory_space<vmem>>, vector<16xf32>,
          %parallel_loop3A_129 = arith.mulf %parallel_loop3A_124, %parallel_loop3A_92 : vector<16xf32>
          %parallel_loop3A_130 = arith.index_cast %parallel_loop3A_87 : i32 to index
          %parallel_loop3A_131 = arith.constant 80 : index
          %parallel_loop3A_132 = tpu.vector_load %arg14[%parallel_loop3A_130, %parallel_loop3A_131] {strides = array<i32>} : memref<64x128xf32, #tpu.memory_space<vmem>>, vector<16xf32>,
          tpu.vector_store %arg14[%parallel_loop3A_130, %parallel_loop3A_131], %parallel_loop3A_129 {strides = array<i32>} : memref<64x128xf32, #tpu.memory_space<vmem>>, vector<16xf32>,
          %parallel_loop3A_133 = arith.index_cast %parallel_loop3A_87 : i32 to index
          %parallel_loop3A_134 = arith.constant 32 : index
          %parallel_loop3A_135 = tpu.vector_load %arg12[%parallel_loop3A_133, %parallel_loop3A_134] {strides = array<i32>} : memref<64x64xi32, #tpu.memory_space<vmem>>, vector<16xi32>,
          %parallel_loop3A_136 = vector.bitcast %parallel_loop3A_135 : vector<16xi32> to vector<16xi32>
          %parallel_loop3A_137 = arith.constant 16 : i32
          %parallel_loop3A_138 = vector.broadcast %parallel_loop3A_137 : i32 to vector<16xi32>
          %parallel_loop3A_139 = arith.shli %parallel_loop3A_136, %parallel_loop3A_138 : vector<16xi32>
          %parallel_loop3A_140 = vector.bitcast %parallel_loop3A_139 : vector<16xi32> to vector<16xf32>
          %parallel_loop3A_141 = arith.constant -65536 : i32
          %parallel_loop3A_142 = vector.broadcast %parallel_loop3A_141 : i32 to vector<16xi32>
          %parallel_loop3A_143 = arith.andi %parallel_loop3A_136, %parallel_loop3A_142 : vector<16xi32>
          %parallel_loop3A_144 = vector.bitcast %parallel_loop3A_143 : vector<16xi32> to vector<16xf32>
          %parallel_loop3A_145 = arith.mulf %parallel_loop3A_140, %parallel_loop3A_92 : vector<16xf32>
          %parallel_loop3A_146 = arith.index_cast %parallel_loop3A_87 : i32 to index
          %parallel_loop3A_147 = arith.constant 32 : index
          %parallel_loop3A_148 = tpu.vector_load %arg14[%parallel_loop3A_146, %parallel_loop3A_147] {strides = array<i32>} : memref<64x128xf32, #tpu.memory_space<vmem>>, vector<16xf32>,
          tpu.vector_store %arg14[%parallel_loop3A_146, %parallel_loop3A_147], %parallel_loop3A_145 {strides = array<i32>} : memref<64x128xf32, #tpu.memory_space<vmem>>, vector<16xf32>,
          %parallel_loop3A_149 = arith.mulf %parallel_loop3A_144, %parallel_loop3A_92 : vector<16xf32>
          %parallel_loop3A_150 = arith.index_cast %parallel_loop3A_87 : i32 to index
          %parallel_loop3A_151 = arith.constant 96 : index
          %parallel_loop3A_152 = tpu.vector_load %arg14[%parallel_loop3A_150, %parallel_loop3A_151] {strides = array<i32>} : memref<64x128xf32, #tpu.memory_space<vmem>>, vector<16xf32>,
          tpu.vector_store %arg14[%parallel_loop3A_150, %parallel_loop3A_151], %parallel_loop3A_149 {strides = array<i32>} : memref<64x128xf32, #tpu.memory_space<vmem>>, vector<16xf32>,
          %parallel_loop3A_153 = arith.index_cast %parallel_loop3A_87 : i32 to index
          %parallel_loop3A_154 = arith.constant 48 : index
          %parallel_loop3A_155 = tpu.vector_load %arg12[%parallel_loop3A_153, %parallel_loop3A_154] {strides = array<i32>} : memref<64x64xi32, #tpu.memory_space<vmem>>, vector<16xi32>,
          %parallel_loop3A_156 = vector.bitcast %parallel_loop3A_155 : vector<16xi32> to vector<16xi32>
          %parallel_loop3A_157 = arith.constant 16 : i32
          %parallel_loop3A_158 = vector.broadcast %parallel_loop3A_157 : i32 to vector<16xi32>
          %parallel_loop3A_159 = arith.shli %parallel_loop3A_156, %parallel_loop3A_158 : vector<16xi32>
          %parallel_loop3A_160 = vector.bitcast %parallel_loop3A_159 : vector<16xi32> to vector<16xf32>
          %parallel_loop3A_161 = arith.constant -65536 : i32
          %parallel_loop3A_162 = vector.broadcast %parallel_loop3A_161 : i32 to vector<16xi32>
          %parallel_loop3A_163 = arith.andi %parallel_loop3A_156, %parallel_loop3A_162 : vector<16xi32>
          %parallel_loop3A_164 = vector.bitcast %parallel_loop3A_163 : vector<16xi32> to vector<16xf32>
          %parallel_loop3A_165 = arith.mulf %parallel_loop3A_160, %parallel_loop3A_92 : vector<16xf32>
          %parallel_loop3A_166 = arith.index_cast %parallel_loop3A_87 : i32 to index
          %parallel_loop3A_167 = arith.constant 48 : index
          %parallel_loop3A_168 = tpu.vector_load %arg14[%parallel_loop3A_166, %parallel_loop3A_167] {strides = array<i32>} : memref<64x128xf32, #tpu.memory_space<vmem>>, vector<16xf32>,
          tpu.vector_store %arg14[%parallel_loop3A_166, %parallel_loop3A_167], %parallel_loop3A_165 {strides = array<i32>} : memref<64x128xf32, #tpu.memory_space<vmem>>, vector<16xf32>,
          %parallel_loop3A_169 = arith.mulf %parallel_loop3A_164, %parallel_loop3A_92 : vector<16xf32>
          %parallel_loop3A_170 = arith.index_cast %parallel_loop3A_87 : i32 to index
          %parallel_loop3A_171 = arith.constant 112 : index
          %parallel_loop3A_172 = tpu.vector_load %arg14[%parallel_loop3A_170, %parallel_loop3A_171] {strides = array<i32>} : memref<64x128xf32, #tpu.memory_space<vmem>>, vector<16xf32>,
          tpu.vector_store %arg14[%parallel_loop3A_170, %parallel_loop3A_171], %parallel_loop3A_169 {strides = array<i32>} : memref<64x128xf32, #tpu.memory_space<vmem>>, vector<16xf32>,
        } {sc.loop_unroll_factor = 4 : i64, sc.parallel_access}
        %lt3A = arith.constant 19 : i32
        %lt3A_55 = arith.cmpi slt, %scan3A_42, %lt3A : i32
        %convert_element_type3A = arith.extui %lt3A_55 : i1 to i32
        %cond3A = arith.constant 0 : i32
        %cond3A_56 = arith.cmpi ne, %convert_element_type3A, %cond3A : i32
        scf.if %cond3A_56 {
          %add3A_87 = arith.constant 2 : i32
          %add3A_88 = arith.addi %add3A_46, %add3A_87 : i32
          %dma_start3A_89 = arith.constant 0 : i32
          %dma_start3A_90 = tpu.memref_slice %arg9[%add3A_88, %dma_start3A_89] : memref<40x64xi32, #tpu.memory_space<vmem>> -> memref<1x64xi32, #tpu.memory_space<vmem>>
          %dma_start3A_91 = tpu.memref_squeeze %dma_start3A_90 : memref<1x64xi32, #tpu.memory_space<vmem>> -> memref<64xi32, #tpu.memory_space<vmem>>
          %dma_start3A_92 = arith.constant 0 : i32
          %dma_start3A_93 = arith.constant 0 : i32
          %dma_start3A_94 = tpu.memref_slice %arg2[%dma_start3A_92, %dma_start3A_93] : memref<10112x64xi32, #tpu.memory_space<hbm>> -> memref<10112x64xi32, #tpu.memory_space<hbm>>
          tpu.enqueue_indirect_dma source(%dma_start3A_94 : memref<10112x64xi32, #tpu.memory_space<hbm>>) target(%arg12 : memref<64x64xi32, #tpu.memory_space<vmem>>) offsets(%dma_start3A_91 : memref<64xi32, #tpu.memory_space<vmem>>) semaphore(%arg16 : memref<!tpu.dma_semaphore, #tpu.memory_space<semaphore_mem>>)
        } else {
        }
        %dma_start3A_57 = arith.constant 0 : i32
        %dma_start3A_58 = tpu.memref_slice %arg10[%add3A_46, %dma_start3A_57] : memref<40x64xi32, #tpu.memory_space<vmem>> -> memref<1x64xi32, #tpu.memory_space<vmem>>
        %dma_start3A_59 = tpu.memref_squeeze %dma_start3A_58 : memref<1x64xi32, #tpu.memory_space<vmem>> -> memref<64xi32, #tpu.memory_space<vmem>>
        %dma_start3A_60 = arith.constant 0 : i32
        %dma_start3A_61 = arith.constant 0 : i32
        %dma_start3A_62 = tpu.memref_slice %arg8[%dma_start3A_60, %dma_start3A_61] : memref<10112x128xf32, #tpu.memory_space<vmem_shared>> -> memref<10112x128xf32, #tpu.memory_space<vmem_shared>>
        tpu.enqueue_indirect_dma source(%arg14 : memref<64x128xf32, #tpu.memory_space<vmem>>) target(%dma_start3A_62 : memref<10112x128xf32, #tpu.memory_space<vmem_shared>>) offsets(%dma_start3A_59 : memref<64xi32, #tpu.memory_space<vmem>>) semaphore(%arg18 : memref<!tpu.dma_semaphore, #tpu.memory_space<semaphore_mem>>) {add = true}
        %mul3A_63 = arith.constant 2 : i32
        %mul3A_64 = arith.muli %mul3A_63, %scan3A_42 : i32
        %add3A_65 = arith.constant 1 : i32
        %add3A_66 = arith.addi %mul3A_64, %add3A_65 : i32
        %dma_wait3A_67 = arith.constant 0 : i32
        %dma_wait3A_68 = tpu.memref_slice %arg9[%add3A_66, %dma_wait3A_67] : memref<40x64xi32, #tpu.memory_space<vmem>> -> memref<1x64xi32, #tpu.memory_space<vmem>>
        %dma_wait3A_69 = tpu.memref_squeeze %dma_wait3A_68 : memref<1x64xi32, #tpu.memory_space<vmem>> -> memref<64xi32, #tpu.memory_space<vmem>>
        %dma_wait3A_70 = arith.constant 0 : i32
        %dma_wait3A_71 = arith.constant 0 : i32
        %dma_wait3A_72 = tpu.memref_slice %arg2[%dma_wait3A_70, %dma_wait3A_71] : memref<10112x64xi32, #tpu.memory_space<hbm>> -> memref<10112x64xi32, #tpu.memory_space<hbm>>
        tpu.wait_indirect_dma semaphore(%arg17 : memref<!tpu.dma_semaphore, #tpu.memory_space<semaphore_mem>>) src(%dma_wait3A_72 : memref<10112x64xi32, #tpu.memory_space<hbm>>) dst(%arg13 : memref<64x64xi32, #tpu.memory_space<vmem>>)
        %parallel_loop3A_73 = arith.constant 0 : i32
        %parallel_loop3A_74 = arith.constant 64 : i32
        %parallel_loop3A_75 = arith.constant 1 : i32
        scf.for %parallel_loop3A_87 = %parallel_loop3A_73 to %parallel_loop3A_74 step %parallel_loop3A_75  : i32 {
          %parallel_loop3A_88 = arith.constant 64 : i32
          %parallel_loop3A_89 = arith.muli %add3A_66, %parallel_loop3A_88 : i32
          %parallel_loop3A_90 = arith.addi %parallel_loop3A_89, %parallel_loop3A_87 : i32
          %parallel_loop3A_91 = vector.broadcast %parallel_loop3A_90 : i32 to vector<16xi32>
          %parallel_loop3A_92 = tpu.vector_load_idx %arg11[%parallel_loop3A_91] : memref<2560xf32, #tpu.memory_space<vmem>>[vector<16xi32>], vector<16xf32>,
          %parallel_loop3A_93 = arith.index_cast %parallel_loop3A_87 : i32 to index
          %parallel_loop3A_94 = arith.constant 0 : index
          %parallel_loop3A_95 = tpu.vector_load %arg13[%parallel_loop3A_93, %parallel_loop3A_94] {strides = array<i32>} : memref<64x64xi32, #tpu.memory_space<vmem>>, vector<16xi32>,
          %parallel_loop3A_96 = vector.bitcast %parallel_loop3A_95 : vector<16xi32> to vector<16xi32>
          %parallel_loop3A_97 = arith.constant 16 : i32
          %parallel_loop3A_98 = vector.broadcast %parallel_loop3A_97 : i32 to vector<16xi32>
          %parallel_loop3A_99 = arith.shli %parallel_loop3A_96, %parallel_loop3A_98 : vector<16xi32>
          %parallel_loop3A_100 = vector.bitcast %parallel_loop3A_99 : vector<16xi32> to vector<16xf32>
          %parallel_loop3A_101 = arith.constant -65536 : i32
          %parallel_loop3A_102 = vector.broadcast %parallel_loop3A_101 : i32 to vector<16xi32>
          %parallel_loop3A_103 = arith.andi %parallel_loop3A_96, %parallel_loop3A_102 : vector<16xi32>
          %parallel_loop3A_104 = vector.bitcast %parallel_loop3A_103 : vector<16xi32> to vector<16xf32>
          %parallel_loop3A_105 = arith.mulf %parallel_loop3A_100, %parallel_loop3A_92 : vector<16xf32>
          %parallel_loop3A_106 = arith.index_cast %parallel_loop3A_87 : i32 to index
          %parallel_loop3A_107 = arith.constant 0 : index
          %parallel_loop3A_108 = tpu.vector_load %arg15[%parallel_loop3A_106, %parallel_loop3A_107] {strides = array<i32>} : memref<64x128xf32, #tpu.memory_space<vmem>>, vector<16xf32>,
          tpu.vector_store %arg15[%parallel_loop3A_106, %parallel_loop3A_107], %parallel_loop3A_105 {strides = array<i32>} : memref<64x128xf32, #tpu.memory_space<vmem>>, vector<16xf32>,
          %parallel_loop3A_109 = arith.mulf %parallel_loop3A_104, %parallel_loop3A_92 : vector<16xf32>
          %parallel_loop3A_110 = arith.index_cast %parallel_loop3A_87 : i32 to index
          %parallel_loop3A_111 = arith.constant 64 : index
          %parallel_loop3A_112 = tpu.vector_load %arg15[%parallel_loop3A_110, %parallel_loop3A_111] {strides = array<i32>} : memref<64x128xf32, #tpu.memory_space<vmem>>, vector<16xf32>,
          tpu.vector_store %arg15[%parallel_loop3A_110, %parallel_loop3A_111], %parallel_loop3A_109 {strides = array<i32>} : memref<64x128xf32, #tpu.memory_space<vmem>>, vector<16xf32>,
          %parallel_loop3A_113 = arith.index_cast %parallel_loop3A_87 : i32 to index
          %parallel_loop3A_114 = arith.constant 16 : index
          %parallel_loop3A_115 = tpu.vector_load %arg13[%parallel_loop3A_113, %parallel_loop3A_114] {strides = array<i32>} : memref<64x64xi32, #tpu.memory_space<vmem>>, vector<16xi32>,
          %parallel_loop3A_116 = vector.bitcast %parallel_loop3A_115 : vector<16xi32> to vector<16xi32>
          %parallel_loop3A_117 = arith.constant 16 : i32
          %parallel_loop3A_118 = vector.broadcast %parallel_loop3A_117 : i32 to vector<16xi32>
          %parallel_loop3A_119 = arith.shli %parallel_loop3A_116, %parallel_loop3A_118 : vector<16xi32>
          %parallel_loop3A_120 = vector.bitcast %parallel_loop3A_119 : vector<16xi32> to vector<16xf32>
          %parallel_loop3A_121 = arith.constant -65536 : i32
          %parallel_loop3A_122 = vector.broadcast %parallel_loop3A_121 : i32 to vector<16xi32>
          %parallel_loop3A_123 = arith.andi %parallel_loop3A_116, %parallel_loop3A_122 : vector<16xi32>
          %parallel_loop3A_124 = vector.bitcast %parallel_loop3A_123 : vector<16xi32> to vector<16xf32>
          %parallel_loop3A_125 = arith.mulf %parallel_loop3A_120, %parallel_loop3A_92 : vector<16xf32>
          %parallel_loop3A_126 = arith.index_cast %parallel_loop3A_87 : i32 to index
          %parallel_loop3A_127 = arith.constant 16 : index
          %parallel_loop3A_128 = tpu.vector_load %arg15[%parallel_loop3A_126, %parallel_loop3A_127] {strides = array<i32>} : memref<64x128xf32, #tpu.memory_space<vmem>>, vector<16xf32>,
          tpu.vector_store %arg15[%parallel_loop3A_126, %parallel_loop3A_127], %parallel_loop3A_125 {strides = array<i32>} : memref<64x128xf32, #tpu.memory_space<vmem>>, vector<16xf32>,
          %parallel_loop3A_129 = arith.mulf %parallel_loop3A_124, %parallel_loop3A_92 : vector<16xf32>
          %parallel_loop3A_130 = arith.index_cast %parallel_loop3A_87 : i32 to index
          %parallel_loop3A_131 = arith.constant 80 : index
          %parallel_loop3A_132 = tpu.vector_load %arg15[%parallel_loop3A_130, %parallel_loop3A_131] {strides = array<i32>} : memref<64x128xf32, #tpu.memory_space<vmem>>, vector<16xf32>,
          tpu.vector_store %arg15[%parallel_loop3A_130, %parallel_loop3A_131], %parallel_loop3A_129 {strides = array<i32>} : memref<64x128xf32, #tpu.memory_space<vmem>>, vector<16xf32>,
          %parallel_loop3A_133 = arith.index_cast %parallel_loop3A_87 : i32 to index
          %parallel_loop3A_134 = arith.constant 32 : index
          %parallel_loop3A_135 = tpu.vector_load %arg13[%parallel_loop3A_133, %parallel_loop3A_134] {strides = array<i32>} : memref<64x64xi32, #tpu.memory_space<vmem>>, vector<16xi32>,
          %parallel_loop3A_136 = vector.bitcast %parallel_loop3A_135 : vector<16xi32> to vector<16xi32>
          %parallel_loop3A_137 = arith.constant 16 : i32
          %parallel_loop3A_138 = vector.broadcast %parallel_loop3A_137 : i32 to vector<16xi32>
          %parallel_loop3A_139 = arith.shli %parallel_loop3A_136, %parallel_loop3A_138 : vector<16xi32>
          %parallel_loop3A_140 = vector.bitcast %parallel_loop3A_139 : vector<16xi32> to vector<16xf32>
          %parallel_loop3A_141 = arith.constant -65536 : i32
          %parallel_loop3A_142 = vector.broadcast %parallel_loop3A_141 : i32 to vector<16xi32>
          %parallel_loop3A_143 = arith.andi %parallel_loop3A_136, %parallel_loop3A_142 : vector<16xi32>
          %parallel_loop3A_144 = vector.bitcast %parallel_loop3A_143 : vector<16xi32> to vector<16xf32>
          %parallel_loop3A_145 = arith.mulf %parallel_loop3A_140, %parallel_loop3A_92 : vector<16xf32>
          %parallel_loop3A_146 = arith.index_cast %parallel_loop3A_87 : i32 to index
          %parallel_loop3A_147 = arith.constant 32 : index
          %parallel_loop3A_148 = tpu.vector_load %arg15[%parallel_loop3A_146, %parallel_loop3A_147] {strides = array<i32>} : memref<64x128xf32, #tpu.memory_space<vmem>>, vector<16xf32>,
          tpu.vector_store %arg15[%parallel_loop3A_146, %parallel_loop3A_147], %parallel_loop3A_145 {strides = array<i32>} : memref<64x128xf32, #tpu.memory_space<vmem>>, vector<16xf32>,
          %parallel_loop3A_149 = arith.mulf %parallel_loop3A_144, %parallel_loop3A_92 : vector<16xf32>
          %parallel_loop3A_150 = arith.index_cast %parallel_loop3A_87 : i32 to index
          %parallel_loop3A_151 = arith.constant 96 : index
          %parallel_loop3A_152 = tpu.vector_load %arg15[%parallel_loop3A_150, %parallel_loop3A_151] {strides = array<i32>} : memref<64x128xf32, #tpu.memory_space<vmem>>, vector<16xf32>,
          tpu.vector_store %arg15[%parallel_loop3A_150, %parallel_loop3A_151], %parallel_loop3A_149 {strides = array<i32>} : memref<64x128xf32, #tpu.memory_space<vmem>>, vector<16xf32>,
          %parallel_loop3A_153 = arith.index_cast %parallel_loop3A_87 : i32 to index
          %parallel_loop3A_154 = arith.constant 48 : index
          %parallel_loop3A_155 = tpu.vector_load %arg13[%parallel_loop3A_153, %parallel_loop3A_154] {strides = array<i32>} : memref<64x64xi32, #tpu.memory_space<vmem>>, vector<16xi32>,
          %parallel_loop3A_156 = vector.bitcast %parallel_loop3A_155 : vector<16xi32> to vector<16xi32>
          %parallel_loop3A_157 = arith.constant 16 : i32
          %parallel_loop3A_158 = vector.broadcast %parallel_loop3A_157 : i32 to vector<16xi32>
          %parallel_loop3A_159 = arith.shli %parallel_loop3A_156, %parallel_loop3A_158 : vector<16xi32>
          %parallel_loop3A_160 = vector.bitcast %parallel_loop3A_159 : vector<16xi32> to vector<16xf32>
          %parallel_loop3A_161 = arith.constant -65536 : i32
          %parallel_loop3A_162 = vector.broadcast %parallel_loop3A_161 : i32 to vector<16xi32>
          %parallel_loop3A_163 = arith.andi %parallel_loop3A_156, %parallel_loop3A_162 : vector<16xi32>
          %parallel_loop3A_164 = vector.bitcast %parallel_loop3A_163 : vector<16xi32> to vector<16xf32>
          %parallel_loop3A_165 = arith.mulf %parallel_loop3A_160, %parallel_loop3A_92 : vector<16xf32>
          %parallel_loop3A_166 = arith.index_cast %parallel_loop3A_87 : i32 to index
          %parallel_loop3A_167 = arith.constant 48 : index
          %parallel_loop3A_168 = tpu.vector_load %arg15[%parallel_loop3A_166, %parallel_loop3A_167] {strides = array<i32>} : memref<64x128xf32, #tpu.memory_space<vmem>>, vector<16xf32>,
          tpu.vector_store %arg15[%parallel_loop3A_166, %parallel_loop3A_167], %parallel_loop3A_165 {strides = array<i32>} : memref<64x128xf32, #tpu.memory_space<vmem>>, vector<16xf32>,
          %parallel_loop3A_169 = arith.mulf %parallel_loop3A_164, %parallel_loop3A_92 : vector<16xf32>
          %parallel_loop3A_170 = arith.index_cast %parallel_loop3A_87 : i32 to index
          %parallel_loop3A_171 = arith.constant 112 : index
          %parallel_loop3A_172 = tpu.vector_load %arg15[%parallel_loop3A_170, %parallel_loop3A_171] {strides = array<i32>} : memref<64x128xf32, #tpu.memory_space<vmem>>, vector<16xf32>,
          tpu.vector_store %arg15[%parallel_loop3A_170, %parallel_loop3A_171], %parallel_loop3A_169 {strides = array<i32>} : memref<64x128xf32, #tpu.memory_space<vmem>>, vector<16xf32>,
        } {sc.loop_unroll_factor = 4 : i64, sc.parallel_access}
        %lt3A_76 = arith.constant 19 : i32
        %lt3A_77 = arith.cmpi slt, %scan3A_42, %lt3A_76 : i32
        %convert_element_type3A_78 = arith.extui %lt3A_77 : i1 to i32
        %cond3A_79 = arith.constant 0 : i32
        %cond3A_80 = arith.cmpi ne, %convert_element_type3A_78, %cond3A_79 : i32
        scf.if %cond3A_80 {
          %add3A_87 = arith.constant 2 : i32
          %add3A_88 = arith.addi %add3A_66, %add3A_87 : i32
          %dma_start3A_89 = arith.constant 0 : i32
          %dma_start3A_90 = tpu.memref_slice %arg9[%add3A_88, %dma_start3A_89] : memref<40x64xi32, #tpu.memory_space<vmem>> -> memref<1x64xi32, #tpu.memory_space<vmem>>
          %dma_start3A_91 = tpu.memref_squeeze %dma_start3A_90 : memref<1x64xi32, #tpu.memory_space<vmem>> -> memref<64xi32, #tpu.memory_space<vmem>>
          %dma_start3A_92 = arith.constant 0 : i32
          %dma_start3A_93 = arith.constant 0 : i32
          %dma_start3A_94 = tpu.memref_slice %arg2[%dma_start3A_92, %dma_start3A_93] : memref<10112x64xi32, #tpu.memory_space<hbm>> -> memref<10112x64xi32, #tpu.memory_space<hbm>>
          tpu.enqueue_indirect_dma source(%dma_start3A_94 : memref<10112x64xi32, #tpu.memory_space<hbm>>) target(%arg13 : memref<64x64xi32, #tpu.memory_space<vmem>>) offsets(%dma_start3A_91 : memref<64xi32, #tpu.memory_space<vmem>>) semaphore(%arg17 : memref<!tpu.dma_semaphore, #tpu.memory_space<semaphore_mem>>)
        } else {
        }
        %dma_start3A_81 = arith.constant 0 : i32
        %dma_start3A_82 = tpu.memref_slice %arg10[%add3A_66, %dma_start3A_81] : memref<40x64xi32, #tpu.memory_space<vmem>> -> memref<1x64xi32, #tpu.memory_space<vmem>>
        %dma_start3A_83 = tpu.memref_squeeze %dma_start3A_82 : memref<1x64xi32, #tpu.memory_space<vmem>> -> memref<64xi32, #tpu.memory_space<vmem>>
        %dma_start3A_84 = arith.constant 0 : i32
        %dma_start3A_85 = arith.constant 0 : i32
        %dma_start3A_86 = tpu.memref_slice %arg8[%dma_start3A_84, %dma_start3A_85] : memref<10112x128xf32, #tpu.memory_space<vmem_shared>> -> memref<10112x128xf32, #tpu.memory_space<vmem_shared>>
        tpu.enqueue_indirect_dma source(%arg15 : memref<64x128xf32, #tpu.memory_space<vmem>>) target(%dma_start3A_86 : memref<10112x128xf32, #tpu.memory_space<vmem_shared>>) offsets(%dma_start3A_83 : memref<64xi32, #tpu.memory_space<vmem>>) semaphore(%arg19 : memref<!tpu.dma_semaphore, #tpu.memory_space<semaphore_mem>>) {add = true}
      }
      %scan3A_28 = arith.constant 20 : i32
      %dma_wait3A = arith.constant 38 : i32
      %dma_wait3A_29 = arith.constant 0 : i32
      %dma_wait3A_30 = tpu.memref_slice %arg10[%dma_wait3A, %dma_wait3A_29] : memref<40x64xi32, #tpu.memory_space<vmem>> -> memref<1x64xi32, #tpu.memory_space<vmem>>
      %dma_wait3A_31 = tpu.memref_squeeze %dma_wait3A_30 : memref<1x64xi32, #tpu.memory_space<vmem>> -> memref<64xi32, #tpu.memory_space<vmem>>
      %dma_wait3A_32 = arith.constant 0 : i32
      %dma_wait3A_33 = arith.constant 0 : i32
      %dma_wait3A_34 = tpu.memref_slice %arg8[%dma_wait3A_32, %dma_wait3A_33] : memref<10112x128xf32, #tpu.memory_space<vmem_shared>> -> memref<10112x128xf32, #tpu.memory_space<vmem_shared>>
      tpu.wait_indirect_dma semaphore(%arg18 : memref<!tpu.dma_semaphore, #tpu.memory_space<semaphore_mem>>) src(%arg14 : memref<64x128xf32, #tpu.memory_space<vmem>>) dst(%dma_wait3A_34 : memref<10112x128xf32, #tpu.memory_space<vmem_shared>>)
      %dma_wait3A_35 = arith.constant 39 : i32
      %dma_wait3A_36 = arith.constant 0 : i32
      %dma_wait3A_37 = tpu.memref_slice %arg10[%dma_wait3A_35, %dma_wait3A_36] : memref<40x64xi32, #tpu.memory_space<vmem>> -> memref<1x64xi32, #tpu.memory_space<vmem>>
      %dma_wait3A_38 = tpu.memref_squeeze %dma_wait3A_37 : memref<1x64xi32, #tpu.memory_space<vmem>> -> memref<64xi32, #tpu.memory_space<vmem>>
      %dma_wait3A_39 = arith.constant 0 : i32
      %dma_wait3A_40 = arith.constant 0 : i32
      %dma_wait3A_41 = tpu.memref_slice %arg8[%dma_wait3A_39, %dma_wait3A_40] : memref<10112x128xf32, #tpu.memory_space<vmem_shared>> -> memref<10112x128xf32, #tpu.memory_space<vmem_shared>>
      tpu.wait_indirect_dma semaphore(%arg19 : memref<!tpu.dma_semaphore, #tpu.memory_space<semaphore_mem>>) src(%arg15 : memref<64x128xf32, #tpu.memory_space<vmem>>) dst(%dma_wait3A_41 : memref<10112x128xf32, #tpu.memory_space<vmem_shared>>)
    }
    %scan3A_7 = arith.constant 4 : i32
    %barrier3A_8 = arith.constant 0 : index
    tpu.barrier barrier_id(%barrier3A_8)
    "tpu.region"() ({
      %run_scoped3A = tpu.sem_alloc : memref<!tpu.dma_semaphore, #tpu.memory_space<semaphore_mem>>
      %dma_start3A = arith.constant 0 : i32
      %dma_start3A_9 = arith.constant 0 : i32
      %dma_start3A_10 = tpu.memref_slice %arg7[%arg0, %dma_start3A, %dma_start3A_9] : memref<2x10112x128xf32, #tpu.memory_space<hbm>> -> memref<1x10112x128xf32, #tpu.memory_space<hbm>>
      %dma_start3A_11 = tpu.memref_squeeze %dma_start3A_10 : memref<1x10112x128xf32, #tpu.memory_space<hbm>> -> memref<10112x128xf32, #tpu.memory_space<hbm>>
      %dma_start3A_12 = arith.constant 0 : i32
      %dma_start3A_13 = tpu.memref_slice %dma_start3A_11[%mul3A_2, %dma_start3A_12] : memref<10112x128xf32, #tpu.memory_space<hbm>> -> memref<632x128xf32, #tpu.memory_space<hbm>>
      %dma_start3A_14 = arith.constant 0 : i32
      %dma_start3A_15 = tpu.memref_slice %arg8[%mul3A_2, %dma_start3A_14] : memref<10112x128xf32, #tpu.memory_space<vmem_shared>> -> memref<632x128xf32, #tpu.memory_space<vmem_shared>>
      tpu.enqueue_dma source(%dma_start3A_15 : memref<632x128xf32, #tpu.memory_space<vmem_shared>>) target(%dma_start3A_13 : memref<632x128xf32, #tpu.memory_space<hbm>>) target_semaphore(%run_scoped3A : memref<!tpu.dma_semaphore, #tpu.memory_space<semaphore_mem>>)
      %dma_wait3A = arith.constant 0 : i32
      %dma_wait3A_16 = arith.constant 0 : i32
      %dma_wait3A_17 = tpu.memref_slice %arg7[%arg0, %dma_wait3A, %dma_wait3A_16] : memref<2x10112x128xf32, #tpu.memory_space<hbm>> -> memref<1x10112x128xf32, #tpu.memory_space<hbm>>
      %dma_wait3A_18 = tpu.memref_squeeze %dma_wait3A_17 : memref<1x10112x128xf32, #tpu.memory_space<hbm>> -> memref<10112x128xf32, #tpu.memory_space<hbm>>
      %dma_wait3A_19 = arith.constant 0 : i32
      %dma_wait3A_20 = tpu.memref_slice %dma_wait3A_18[%mul3A_2, %dma_wait3A_19] : memref<10112x128xf32, #tpu.memory_space<hbm>> -> memref<632x128xf32, #tpu.memory_space<hbm>>
      %dma_wait3A_21 = arith.constant 0 : i32
      %dma_wait3A_22 = tpu.memref_slice %arg8[%mul3A_2, %dma_wait3A_21] : memref<10112x128xf32, #tpu.memory_space<vmem_shared>> -> memref<632x128xf32, #tpu.memory_space<vmem_shared>>
      tpu.wait_dma2 semaphore(%run_scoped3A : memref<!tpu.dma_semaphore, #tpu.memory_space<semaphore_mem>>) src(%dma_wait3A_22 : memref<632x128xf32, #tpu.memory_space<vmem_shared>>) dst(%dma_wait3A_20 : memref<632x128xf32, #tpu.memory_space<hbm>>)
      tpu.yield
    }) : () -> ()
    return
  }
}

#map = affine_map<(d0, d1) -> (0, 0)>
#map1 = affine_map<(d0, d1) -> (0, 0, 0, 0)>
#map2 = affine_map<(d0, d1) -> (0, 0, 0)>
module attributes {stable_mosaic.version = 14 : i64} {
  func.func @_sc_hop_body(%arg0: i32, %arg1: i32, %arg2: memref<10112x64xi32, #tpu.memory_space<hbm>>, %arg3: memref<32x4x40x64xi32, #tpu.memory_space<hbm>>, %arg4: memref<32x4x40x64xi32, #tpu.memory_space<hbm>>, %arg5: memref<32x4x1x2560xf32, #tpu.memory_space<hbm>>, %arg6: memref<632x128xf32, #tpu.memory_space<hbm>>, %arg7: memref<2x10112x128xf32, #tpu.memory_space<hbm>>, %arg8: memref<10112x128xf32, #tpu.memory_space<vmem_shared>>, %arg9: memref<40x64xi32, #tpu.memory_space<vmem>>, %arg10: memref<40x64xi32, #tpu.memory_space<vmem>>, %arg11: memref<2560xf32, #tpu.memory_space<vmem>>, %arg12: memref<64x64xi32, #tpu.memory_space<vmem>>, %arg13: memref<64x64xi32, #tpu.memory_space<vmem>>, %arg14: memref<64x128xf32, #tpu.memory_space<vmem>>, %arg15: memref<64x128xf32, #tpu.memory_space<vmem>>, %arg16: memref<!tpu.dma_semaphore, #tpu.memory_space<semaphore_mem>>, %arg17: memref<!tpu.dma_semaphore, #tpu.memory_space<semaphore_mem>>, %arg18: memref<!tpu.dma_semaphore, #tpu.memory_space<semaphore_mem>>, %arg19: memref<!tpu.dma_semaphore, #tpu.memory_space<semaphore_mem>>) attributes {dimension_semantics = [#tpu.dimension_semantics<core_parallel>, #tpu.dimension_semantics<subcore_parallel>], iteration_bounds = array<i64: 2, 16>, scalar_prefetch = 0 : i64, scratch_operands = 12 : i64, tpu.core_type = #tpu.core_type<sc_vector_subcore>, window_params = [{transform_indices = #map}, {transform_indices = #map1}, {transform_indices = #map1}, {transform_indices = #map1}, {transform_indices = #map}, {transform_indices = #map2}]} {
    %mul3A = arith.constant 16 : i32
    %mul3A_0 = arith.muli %arg0, %mul3A : i32
    %add3A = arith.addi %mul3A_0, %arg1 : i32
    %mul3A_1 = arith.constant 632 : i32
    %mul3A_2 = arith.muli %arg1, %mul3A_1 : i32
    "tpu.region"() ({
      %run_scoped3A = tpu.sem_alloc : memref<!tpu.dma_semaphore, #tpu.memory_space<semaphore_mem>>
      %dma_start3A = arith.constant 0 : i32
      %dma_start3A_9 = tpu.memref_slice %arg8[%mul3A_2, %dma_start3A] : memref<10112x128xf32, #tpu.memory_space<vmem_shared>> -> memref<632x128xf32, #tpu.memory_space<vmem_shared>>
      tpu.enqueue_dma source(%arg6 : memref<632x128xf32, #tpu.memory_space<hbm>>) target(%dma_start3A_9 : memref<632x128xf32, #tpu.memory_space<vmem_shared>>) target_semaphore(%run_scoped3A : memref<!tpu.dma_semaphore, #tpu.memory_space<semaphore_mem>>)
      %dma_wait3A = arith.constant 0 : i32
      %dma_wait3A_10 = tpu.memref_slice %arg8[%mul3A_2, %dma_wait3A] : memref<10112x128xf32, #tpu.memory_space<vmem_shared>> -> memref<632x128xf32, #tpu.memory_space<vmem_shared>>
      tpu.wait_dma2 semaphore(%run_scoped3A : memref<!tpu.dma_semaphore, #tpu.memory_space<semaphore_mem>>) src(%arg6 : memref<632x128xf32, #tpu.memory_space<hbm>>) dst(%dma_wait3A_10 : memref<632x128xf32, #tpu.memory_space<vmem_shared>>)
      tpu.yield
    }) : () -> ()
    %barrier3A = arith.constant 0 : index
    tpu.barrier barrier_id(%barrier3A)
    %scan3A = arith.constant 0 : i32
    %scan3A_3 = arith.constant 0 : i32
    %scan3A_4 = arith.constant 4 : i32
    %scan3A_5 = arith.addi %scan3A_3, %scan3A_4 : i32
    %scan3A_6 = arith.constant 1 : i32
    scf.for %scan3A_9 = %scan3A_3 to %scan3A_5 step %scan3A_6  : i32 {
      "tpu.region"() ({
        %run_scoped3A_42 = tpu.sem_alloc : memref<!tpu.dma_semaphore, #tpu.memory_space<semaphore_mem>>
        %dma_start3A_43 = arith.constant 0 : i32
        %dma_start3A_44 = arith.constant 0 : i32
        %dma_start3A_45 = arith.constant 0 : i32
        %dma_start3A_46 = tpu.memref_slice %arg3[%add3A, %dma_start3A_43, %dma_start3A_44, %dma_start3A_45] : memref<32x4x40x64xi32, #tpu.memory_space<hbm>> -> memref<1x4x40x64xi32, #tpu.memory_space<hbm>>
        %dma_start3A_47 = tpu.memref_squeeze %dma_start3A_46 : memref<1x4x40x64xi32, #tpu.memory_space<hbm>> -> memref<4x40x64xi32, #tpu.memory_space<hbm>>
        %dma_start3A_48 = arith.constant 0 : i32
        %dma_start3A_49 = arith.constant 0 : i32
        %dma_start3A_50 = tpu.memref_slice %dma_start3A_47[%scan3A_9, %dma_start3A_48, %dma_start3A_49] : memref<4x40x64xi32, #tpu.memory_space<hbm>> -> memref<1x40x64xi32, #tpu.memory_space<hbm>>
        %dma_start3A_51 = tpu.memref_squeeze %dma_start3A_50 : memref<1x40x64xi32, #tpu.memory_space<hbm>> -> memref<40x64xi32, #tpu.memory_space<hbm>>
        %dma_start3A_52 = arith.constant 0 : i32
        %dma_start3A_53 = arith.constant 0 : i32
        %dma_start3A_54 = arith.constant 0 : i32
        %dma_start3A_55 = tpu.memref_slice %arg3[%add3A, %dma_start3A_52, %dma_start3A_53, %dma_start3A_54] : memref<32x4x40x64xi32, #tpu.memory_space<hbm>> -> memref<1x4x40x64xi32, #tpu.memory_space<hbm>>
        %dma_start3A_56 = tpu.memref_squeeze %dma_start3A_55 : memref<1x4x40x64xi32, #tpu.memory_space<hbm>> -> memref<4x40x64xi32, #tpu.memory_space<hbm>>
        %dma_start3A_57 = arith.constant 0 : i32
        %dma_start3A_58 = arith.constant 0 : i32
        %dma_start3A_59 = tpu.memref_slice %dma_start3A_56[%scan3A_9, %dma_start3A_57, %dma_start3A_58] : memref<4x40x64xi32, #tpu.memory_space<hbm>> -> memref<1x40x64xi32, #tpu.memory_space<hbm>>
        %dma_start3A_60 = tpu.memref_squeeze %dma_start3A_59 : memref<1x40x64xi32, #tpu.memory_space<hbm>> -> memref<40x64xi32, #tpu.memory_space<hbm>>
        tpu.enqueue_dma source(%dma_start3A_60 : memref<40x64xi32, #tpu.memory_space<hbm>>) target(%arg9 : memref<40x64xi32, #tpu.memory_space<vmem>>) target_semaphore(%run_scoped3A_42 : memref<!tpu.dma_semaphore, #tpu.memory_space<semaphore_mem>>)
        %dma_wait3A_61 = arith.constant 0 : i32
        %dma_wait3A_62 = arith.constant 0 : i32
        %dma_wait3A_63 = arith.constant 0 : i32
        %dma_wait3A_64 = tpu.memref_slice %arg3[%add3A, %dma_wait3A_61, %dma_wait3A_62, %dma_wait3A_63] : memref<32x4x40x64xi32, #tpu.memory_space<hbm>> -> memref<1x4x40x64xi32, #tpu.memory_space<hbm>>
        %dma_wait3A_65 = tpu.memref_squeeze %dma_wait3A_64 : memref<1x4x40x64xi32, #tpu.memory_space<hbm>> -> memref<4x40x64xi32, #tpu.memory_space<hbm>>
        %dma_wait3A_66 = arith.constant 0 : i32
        %dma_wait3A_67 = arith.constant 0 : i32
        %dma_wait3A_68 = tpu.memref_slice %dma_wait3A_65[%scan3A_9, %dma_wait3A_66, %dma_wait3A_67] : memref<4x40x64xi32, #tpu.memory_space<hbm>> -> memref<1x40x64xi32, #tpu.memory_space<hbm>>
        %dma_wait3A_69 = tpu.memref_squeeze %dma_wait3A_68 : memref<1x40x64xi32, #tpu.memory_space<hbm>> -> memref<40x64xi32, #tpu.memory_space<hbm>>
        %dma_wait3A_70 = arith.constant 0 : i32
        %dma_wait3A_71 = arith.constant 0 : i32
        %dma_wait3A_72 = arith.constant 0 : i32
        %dma_wait3A_73 = tpu.memref_slice %arg3[%add3A, %dma_wait3A_70, %dma_wait3A_71, %dma_wait3A_72] : memref<32x4x40x64xi32, #tpu.memory_space<hbm>> -> memref<1x4x40x64xi32, #tpu.memory_space<hbm>>
        %dma_wait3A_74 = tpu.memref_squeeze %dma_wait3A_73 : memref<1x4x40x64xi32, #tpu.memory_space<hbm>> -> memref<4x40x64xi32, #tpu.memory_space<hbm>>
        %dma_wait3A_75 = arith.constant 0 : i32
        %dma_wait3A_76 = arith.constant 0 : i32
        %dma_wait3A_77 = tpu.memref_slice %dma_wait3A_74[%scan3A_9, %dma_wait3A_75, %dma_wait3A_76] : memref<4x40x64xi32, #tpu.memory_space<hbm>> -> memref<1x40x64xi32, #tpu.memory_space<hbm>>
        %dma_wait3A_78 = tpu.memref_squeeze %dma_wait3A_77 : memref<1x40x64xi32, #tpu.memory_space<hbm>> -> memref<40x64xi32, #tpu.memory_space<hbm>>
        tpu.wait_dma2 semaphore(%run_scoped3A_42 : memref<!tpu.dma_semaphore, #tpu.memory_space<semaphore_mem>>) src(%dma_wait3A_78 : memref<40x64xi32, #tpu.memory_space<hbm>>) dst(%arg9 : memref<40x64xi32, #tpu.memory_space<vmem>>)
        tpu.yield
      }) : () -> ()
      "tpu.region"() ({
        %run_scoped3A_42 = tpu.sem_alloc : memref<!tpu.dma_semaphore, #tpu.memory_space<semaphore_mem>>
        %dma_start3A_43 = arith.constant 0 : i32
        %dma_start3A_44 = arith.constant 0 : i32
        %dma_start3A_45 = arith.constant 0 : i32
        %dma_start3A_46 = tpu.memref_slice %arg4[%add3A, %dma_start3A_43, %dma_start3A_44, %dma_start3A_45] : memref<32x4x40x64xi32, #tpu.memory_space<hbm>> -> memref<1x4x40x64xi32, #tpu.memory_space<hbm>>
        %dma_start3A_47 = tpu.memref_squeeze %dma_start3A_46 : memref<1x4x40x64xi32, #tpu.memory_space<hbm>> -> memref<4x40x64xi32, #tpu.memory_space<hbm>>
        %dma_start3A_48 = arith.constant 0 : i32
        %dma_start3A_49 = arith.constant 0 : i32
        %dma_start3A_50 = tpu.memref_slice %dma_start3A_47[%scan3A_9, %dma_start3A_48, %dma_start3A_49] : memref<4x40x64xi32, #tpu.memory_space<hbm>> -> memref<1x40x64xi32, #tpu.memory_space<hbm>>
        %dma_start3A_51 = tpu.memref_squeeze %dma_start3A_50 : memref<1x40x64xi32, #tpu.memory_space<hbm>> -> memref<40x64xi32, #tpu.memory_space<hbm>>
        %dma_start3A_52 = arith.constant 0 : i32
        %dma_start3A_53 = arith.constant 0 : i32
        %dma_start3A_54 = arith.constant 0 : i32
        %dma_start3A_55 = tpu.memref_slice %arg4[%add3A, %dma_start3A_52, %dma_start3A_53, %dma_start3A_54] : memref<32x4x40x64xi32, #tpu.memory_space<hbm>> -> memref<1x4x40x64xi32, #tpu.memory_space<hbm>>
        %dma_start3A_56 = tpu.memref_squeeze %dma_start3A_55 : memref<1x4x40x64xi32, #tpu.memory_space<hbm>> -> memref<4x40x64xi32, #tpu.memory_space<hbm>>
        %dma_start3A_57 = arith.constant 0 : i32
        %dma_start3A_58 = arith.constant 0 : i32
        %dma_start3A_59 = tpu.memref_slice %dma_start3A_56[%scan3A_9, %dma_start3A_57, %dma_start3A_58] : memref<4x40x64xi32, #tpu.memory_space<hbm>> -> memref<1x40x64xi32, #tpu.memory_space<hbm>>
        %dma_start3A_60 = tpu.memref_squeeze %dma_start3A_59 : memref<1x40x64xi32, #tpu.memory_space<hbm>> -> memref<40x64xi32, #tpu.memory_space<hbm>>
        tpu.enqueue_dma source(%dma_start3A_60 : memref<40x64xi32, #tpu.memory_space<hbm>>) target(%arg10 : memref<40x64xi32, #tpu.memory_space<vmem>>) target_semaphore(%run_scoped3A_42 : memref<!tpu.dma_semaphore, #tpu.memory_space<semaphore_mem>>)
        %dma_wait3A_61 = arith.constant 0 : i32
        %dma_wait3A_62 = arith.constant 0 : i32
        %dma_wait3A_63 = arith.constant 0 : i32
        %dma_wait3A_64 = tpu.memref_slice %arg4[%add3A, %dma_wait3A_61, %dma_wait3A_62, %dma_wait3A_63] : memref<32x4x40x64xi32, #tpu.memory_space<hbm>> -> memref<1x4x40x64xi32, #tpu.memory_space<hbm>>
        %dma_wait3A_65 = tpu.memref_squeeze %dma_wait3A_64 : memref<1x4x40x64xi32, #tpu.memory_space<hbm>> -> memref<4x40x64xi32, #tpu.memory_space<hbm>>
        %dma_wait3A_66 = arith.constant 0 : i32
        %dma_wait3A_67 = arith.constant 0 : i32
        %dma_wait3A_68 = tpu.memref_slice %dma_wait3A_65[%scan3A_9, %dma_wait3A_66, %dma_wait3A_67] : memref<4x40x64xi32, #tpu.memory_space<hbm>> -> memref<1x40x64xi32, #tpu.memory_space<hbm>>
        %dma_wait3A_69 = tpu.memref_squeeze %dma_wait3A_68 : memref<1x40x64xi32, #tpu.memory_space<hbm>> -> memref<40x64xi32, #tpu.memory_space<hbm>>
        %dma_wait3A_70 = arith.constant 0 : i32
        %dma_wait3A_71 = arith.constant 0 : i32
        %dma_wait3A_72 = arith.constant 0 : i32
        %dma_wait3A_73 = tpu.memref_slice %arg4[%add3A, %dma_wait3A_70, %dma_wait3A_71, %dma_wait3A_72] : memref<32x4x40x64xi32, #tpu.memory_space<hbm>> -> memref<1x4x40x64xi32, #tpu.memory_space<hbm>>
        %dma_wait3A_74 = tpu.memref_squeeze %dma_wait3A_73 : memref<1x4x40x64xi32, #tpu.memory_space<hbm>> -> memref<4x40x64xi32, #tpu.memory_space<hbm>>
        %dma_wait3A_75 = arith.constant 0 : i32
        %dma_wait3A_76 = arith.constant 0 : i32
        %dma_wait3A_77 = tpu.memref_slice %dma_wait3A_74[%scan3A_9, %dma_wait3A_75, %dma_wait3A_76] : memref<4x40x64xi32, #tpu.memory_space<hbm>> -> memref<1x40x64xi32, #tpu.memory_space<hbm>>
        %dma_wait3A_78 = tpu.memref_squeeze %dma_wait3A_77 : memref<1x40x64xi32, #tpu.memory_space<hbm>> -> memref<40x64xi32, #tpu.memory_space<hbm>>
        tpu.wait_dma2 semaphore(%run_scoped3A_42 : memref<!tpu.dma_semaphore, #tpu.memory_space<semaphore_mem>>) src(%dma_wait3A_78 : memref<40x64xi32, #tpu.memory_space<hbm>>) dst(%arg10 : memref<40x64xi32, #tpu.memory_space<vmem>>)
        tpu.yield
      }) : () -> ()
      %run_scoped3A = arith.constant 0 : i32
      "tpu.region"() ({
        %run_scoped3A_42 = tpu.sem_alloc : memref<!tpu.dma_semaphore, #tpu.memory_space<semaphore_mem>>
        %dma_start3A_43 = arith.constant 0 : i32
        %dma_start3A_44 = arith.constant 0 : i32
        %dma_start3A_45 = arith.constant 0 : i32
        %dma_start3A_46 = tpu.memref_slice %arg5[%add3A, %dma_start3A_43, %dma_start3A_44, %dma_start3A_45] : memref<32x4x1x2560xf32, #tpu.memory_space<hbm>> -> memref<1x4x1x2560xf32, #tpu.memory_space<hbm>>
        %dma_start3A_47 = tpu.memref_squeeze %dma_start3A_46 : memref<1x4x1x2560xf32, #tpu.memory_space<hbm>> -> memref<4x1x2560xf32, #tpu.memory_space<hbm>>
        %dma_start3A_48 = arith.constant 0 : i32
        %dma_start3A_49 = arith.constant 0 : i32
        %dma_start3A_50 = tpu.memref_slice %dma_start3A_47[%scan3A_9, %dma_start3A_48, %dma_start3A_49] : memref<4x1x2560xf32, #tpu.memory_space<hbm>> -> memref<1x1x2560xf32, #tpu.memory_space<hbm>>
        %dma_start3A_51 = tpu.memref_squeeze %dma_start3A_50 : memref<1x1x2560xf32, #tpu.memory_space<hbm>> -> memref<1x2560xf32, #tpu.memory_space<hbm>>
        %dma_start3A_52 = arith.constant 0 : i32
        %dma_start3A_53 = tpu.memref_slice %dma_start3A_51[%run_scoped3A, %dma_start3A_52] : memref<1x2560xf32, #tpu.memory_space<hbm>> -> memref<1x2560xf32, #tpu.memory_space<hbm>>
        %dma_start3A_54 = tpu.memref_squeeze %dma_start3A_53 : memref<1x2560xf32, #tpu.memory_space<hbm>> -> memref<2560xf32, #tpu.memory_space<hbm>>
        %dma_start3A_55 = arith.constant 0 : i32
        %dma_start3A_56 = arith.constant 0 : i32
        %dma_start3A_57 = arith.constant 0 : i32
        %dma_start3A_58 = tpu.memref_slice %arg5[%add3A, %dma_start3A_55, %dma_start3A_56, %dma_start3A_57] : memref<32x4x1x2560xf32, #tpu.memory_space<hbm>> -> memref<1x4x1x2560xf32, #tpu.memory_space<hbm>>
        %dma_start3A_59 = tpu.memref_squeeze %dma_start3A_58 : memref<1x4x1x2560xf32, #tpu.memory_space<hbm>> -> memref<4x1x2560xf32, #tpu.memory_space<hbm>>
        %dma_start3A_60 = arith.constant 0 : i32
        %dma_start3A_61 = arith.constant 0 : i32
        %dma_start3A_62 = tpu.memref_slice %dma_start3A_59[%scan3A_9, %dma_start3A_60, %dma_start3A_61] : memref<4x1x2560xf32, #tpu.memory_space<hbm>> -> memref<1x1x2560xf32, #tpu.memory_space<hbm>>
        %dma_start3A_63 = tpu.memref_squeeze %dma_start3A_62 : memref<1x1x2560xf32, #tpu.memory_space<hbm>> -> memref<1x2560xf32, #tpu.memory_space<hbm>>
        %dma_start3A_64 = arith.constant 0 : i32
        %dma_start3A_65 = tpu.memref_slice %dma_start3A_63[%run_scoped3A, %dma_start3A_64] : memref<1x2560xf32, #tpu.memory_space<hbm>> -> memref<1x2560xf32, #tpu.memory_space<hbm>>
        %dma_start3A_66 = tpu.memref_squeeze %dma_start3A_65 : memref<1x2560xf32, #tpu.memory_space<hbm>> -> memref<2560xf32, #tpu.memory_space<hbm>>
        tpu.enqueue_dma source(%dma_start3A_66 : memref<2560xf32, #tpu.memory_space<hbm>>) target(%arg11 : memref<2560xf32, #tpu.memory_space<vmem>>) target_semaphore(%run_scoped3A_42 : memref<!tpu.dma_semaphore, #tpu.memory_space<semaphore_mem>>)
        %dma_wait3A_67 = arith.constant 0 : i32
        %dma_wait3A_68 = arith.constant 0 : i32
        %dma_wait3A_69 = arith.constant 0 : i32
        %dma_wait3A_70 = tpu.memref_slice %arg5[%add3A, %dma_wait3A_67, %dma_wait3A_68, %dma_wait3A_69] : memref<32x4x1x2560xf32, #tpu.memory_space<hbm>> -> memref<1x4x1x2560xf32, #tpu.memory_space<hbm>>
        %dma_wait3A_71 = tpu.memref_squeeze %dma_wait3A_70 : memref<1x4x1x2560xf32, #tpu.memory_space<hbm>> -> memref<4x1x2560xf32, #tpu.memory_space<hbm>>
        %dma_wait3A_72 = arith.constant 0 : i32
        %dma_wait3A_73 = arith.constant 0 : i32
        %dma_wait3A_74 = tpu.memref_slice %dma_wait3A_71[%scan3A_9, %dma_wait3A_72, %dma_wait3A_73] : memref<4x1x2560xf32, #tpu.memory_space<hbm>> -> memref<1x1x2560xf32, #tpu.memory_space<hbm>>
        %dma_wait3A_75 = tpu.memref_squeeze %dma_wait3A_74 : memref<1x1x2560xf32, #tpu.memory_space<hbm>> -> memref<1x2560xf32, #tpu.memory_space<hbm>>
        %dma_wait3A_76 = arith.constant 0 : i32
        %dma_wait3A_77 = tpu.memref_slice %dma_wait3A_75[%run_scoped3A, %dma_wait3A_76] : memref<1x2560xf32, #tpu.memory_space<hbm>> -> memref<1x2560xf32, #tpu.memory_space<hbm>>
        %dma_wait3A_78 = tpu.memref_squeeze %dma_wait3A_77 : memref<1x2560xf32, #tpu.memory_space<hbm>> -> memref<2560xf32, #tpu.memory_space<hbm>>
        %dma_wait3A_79 = arith.constant 0 : i32
        %dma_wait3A_80 = arith.constant 0 : i32
        %dma_wait3A_81 = arith.constant 0 : i32
        %dma_wait3A_82 = tpu.memref_slice %arg5[%add3A, %dma_wait3A_79, %dma_wait3A_80, %dma_wait3A_81] : memref<32x4x1x2560xf32, #tpu.memory_space<hbm>> -> memref<1x4x1x2560xf32, #tpu.memory_space<hbm>>
        %dma_wait3A_83 = tpu.memref_squeeze %dma_wait3A_82 : memref<1x4x1x2560xf32, #tpu.memory_space<hbm>> -> memref<4x1x2560xf32, #tpu.memory_space<hbm>>
        %dma_wait3A_84 = arith.constant 0 : i32
        %dma_wait3A_85 = arith.constant 0 : i32
        %dma_wait3A_86 = tpu.memref_slice %dma_wait3A_83[%scan3A_9, %dma_wait3A_84, %dma_wait3A_85] : memref<4x1x2560xf32, #tpu.memory_space<hbm>> -> memref<1x1x2560xf32, #tpu.memory_space<hbm>>
        %dma_wait3A_87 = tpu.memref_squeeze %dma_wait3A_86 : memref<1x1x2560xf32, #tpu.memory_space<hbm>> -> memref<1x2560xf32, #tpu.memory_space<hbm>>
        %dma_wait3A_88 = arith.constant 0 : i32
        %dma_wait3A_89 = tpu.memref_slice %dma_wait3A_87[%run_scoped3A, %dma_wait3A_88] : memref<1x2560xf32, #tpu.memory_space<hbm>> -> memref<1x2560xf32, #tpu.memory_space<hbm>>
        %dma_wait3A_90 = tpu.memref_squeeze %dma_wait3A_89 : memref<1x2560xf32, #tpu.memory_space<hbm>> -> memref<2560xf32, #tpu.memory_space<hbm>>
        tpu.wait_dma2 semaphore(%run_scoped3A_42 : memref<!tpu.dma_semaphore, #tpu.memory_space<semaphore_mem>>) src(%dma_wait3A_90 : memref<2560xf32, #tpu.memory_space<hbm>>) dst(%arg11 : memref<2560xf32, #tpu.memory_space<vmem>>)
        tpu.yield
      }) : () -> ()
      %dma_start3A = arith.constant 0 : i32
      %dma_start3A_10 = arith.constant 0 : i32
      %dma_start3A_11 = tpu.memref_slice %arg9[%dma_start3A, %dma_start3A_10] : memref<40x64xi32, #tpu.memory_space<vmem>> -> memref<1x64xi32, #tpu.memory_space<vmem>>
      %dma_start3A_12 = tpu.memref_squeeze %dma_start3A_11 : memref<1x64xi32, #tpu.memory_space<vmem>> -> memref<64xi32, #tpu.memory_space<vmem>>
      %dma_start3A_13 = arith.constant 0 : i32
      %dma_start3A_14 = arith.constant 0 : i32
      %dma_start3A_15 = tpu.memref_slice %arg2[%dma_start3A_13, %dma_start3A_14] : memref<10112x64xi32, #tpu.memory_space<hbm>> -> memref<10112x64xi32, #tpu.memory_space<hbm>>
      tpu.enqueue_indirect_dma source(%dma_start3A_15 : memref<10112x64xi32, #tpu.memory_space<hbm>>) target(%arg12 : memref<64x64xi32, #tpu.memory_space<vmem>>) offsets(%dma_start3A_12 : memref<64xi32, #tpu.memory_space<vmem>>) semaphore(%arg16 : memref<!tpu.dma_semaphore, #tpu.memory_space<semaphore_mem>>)
      %dma_start3A_16 = arith.constant 1 : i32
      %dma_start3A_17 = arith.constant 0 : i32
      %dma_start3A_18 = tpu.memref_slice %arg9[%dma_start3A_16, %dma_start3A_17] : memref<40x64xi32, #tpu.memory_space<vmem>> -> memref<1x64xi32, #tpu.memory_space<vmem>>
      %dma_start3A_19 = tpu.memref_squeeze %dma_start3A_18 : memref<1x64xi32, #tpu.memory_space<vmem>> -> memref<64xi32, #tpu.memory_space<vmem>>
      %dma_start3A_20 = arith.constant 0 : i32
      %dma_start3A_21 = arith.constant 0 : i32
      %dma_start3A_22 = tpu.memref_slice %arg2[%dma_start3A_20, %dma_start3A_21] : memref<10112x64xi32, #tpu.memory_space<hbm>> -> memref<10112x64xi32, #tpu.memory_space<hbm>>
      tpu.enqueue_indirect_dma source(%dma_start3A_22 : memref<10112x64xi32, #tpu.memory_space<hbm>>) target(%arg13 : memref<64x64xi32, #tpu.memory_space<vmem>>) offsets(%dma_start3A_19 : memref<64xi32, #tpu.memory_space<vmem>>) semaphore(%arg17 : memref<!tpu.dma_semaphore, #tpu.memory_space<semaphore_mem>>)
      %scan3A_23 = arith.constant 0 : i32
      %scan3A_24 = arith.constant 0 : i32
      %scan3A_25 = arith.constant 20 : i32
      %scan3A_26 = arith.addi %scan3A_24, %scan3A_25 : i32
      %scan3A_27 = arith.constant 1 : i32
      scf.for %scan3A_42 = %scan3A_24 to %scan3A_26 step %scan3A_27  : i32 {
        %mul3A_43 = arith.constant 2 : i32
        %mul3A_44 = arith.muli %mul3A_43, %scan3A_42 : i32
        %add3A_45 = arith.constant 0 : i32
        %add3A_46 = arith.addi %mul3A_44, %add3A_45 : i32
        %dma_wait3A_47 = arith.constant 0 : i32
        %dma_wait3A_48 = tpu.memref_slice %arg9[%add3A_46, %dma_wait3A_47] : memref<40x64xi32, #tpu.memory_space<vmem>> -> memref<1x64xi32, #tpu.memory_space<vmem>>
        %dma_wait3A_49 = tpu.memref_squeeze %dma_wait3A_48 : memref<1x64xi32, #tpu.memory_space<vmem>> -> memref<64xi32, #tpu.memory_space<vmem>>
        %dma_wait3A_50 = arith.constant 0 : i32
        %dma_wait3A_51 = arith.constant 0 : i32
        %dma_wait3A_52 = tpu.memref_slice %arg2[%dma_wait3A_50, %dma_wait3A_51] : memref<10112x64xi32, #tpu.memory_space<hbm>> -> memref<10112x64xi32, #tpu.memory_space<hbm>>
        tpu.wait_indirect_dma semaphore(%arg16 : memref<!tpu.dma_semaphore, #tpu.memory_space<semaphore_mem>>) src(%dma_wait3A_52 : memref<10112x64xi32, #tpu.memory_space<hbm>>) dst(%arg12 : memref<64x64xi32, #tpu.memory_space<vmem>>)
        %parallel_loop3A = arith.constant 0 : i32
        %parallel_loop3A_53 = arith.constant 64 : i32
        %parallel_loop3A_54 = arith.constant 1 : i32
        scf.for %parallel_loop3A_87 = %parallel_loop3A to %parallel_loop3A_53 step %parallel_loop3A_54  : i32 {
          %parallel_loop3A_88 = arith.constant 64 : i32
          %parallel_loop3A_89 = arith.muli %add3A_46, %parallel_loop3A_88 : i32
          %parallel_loop3A_90 = arith.addi %parallel_loop3A_89, %parallel_loop3A_87 : i32
          %parallel_loop3A_91 = vector.broadcast %parallel_loop3A_90 : i32 to vector<16xi32>
          %parallel_loop3A_92 = tpu.vector_load_idx %arg11[%parallel_loop3A_91] : memref<2560xf32, #tpu.memory_space<vmem>>[vector<16xi32>], vector<16xf32>,
          %parallel_loop3A_93 = arith.index_cast %parallel_loop3A_87 : i32 to index
          %parallel_loop3A_94 = arith.constant 0 : index
          %parallel_loop3A_95 = tpu.vector_load %arg12[%parallel_loop3A_93, %parallel_loop3A_94] {strides = array<i32>} : memref<64x64xi32, #tpu.memory_space<vmem>>, vector<16xi32>,
          %parallel_loop3A_96 = vector.bitcast %parallel_loop3A_95 : vector<16xi32> to vector<16xi32>
          %parallel_loop3A_97 = arith.constant 16 : i32
          %parallel_loop3A_98 = vector.broadcast %parallel_loop3A_97 : i32 to vector<16xi32>
          %parallel_loop3A_99 = arith.shli %parallel_loop3A_96, %parallel_loop3A_98 : vector<16xi32>
          %parallel_loop3A_100 = vector.bitcast %parallel_loop3A_99 : vector<16xi32> to vector<16xf32>
          %parallel_loop3A_101 = arith.constant -65536 : i32
          %parallel_loop3A_102 = vector.broadcast %parallel_loop3A_101 : i32 to vector<16xi32>
          %parallel_loop3A_103 = arith.andi %parallel_loop3A_96, %parallel_loop3A_102 : vector<16xi32>
          %parallel_loop3A_104 = vector.bitcast %parallel_loop3A_103 : vector<16xi32> to vector<16xf32>
          %parallel_loop3A_105 = arith.mulf %parallel_loop3A_100, %parallel_loop3A_92 : vector<16xf32>
          %parallel_loop3A_106 = arith.index_cast %parallel_loop3A_87 : i32 to index
          %parallel_loop3A_107 = arith.constant 0 : index
          %parallel_loop3A_108 = tpu.vector_load %arg14[%parallel_loop3A_106, %parallel_loop3A_107] {strides = array<i32>} : memref<64x128xf32, #tpu.memory_space<vmem>>, vector<16xf32>,
          tpu.vector_store %arg14[%parallel_loop3A_106, %parallel_loop3A_107], %parallel_loop3A_105 {strides = array<i32>} : memref<64x128xf32, #tpu.memory_space<vmem>>, vector<16xf32>,
          %parallel_loop3A_109 = arith.mulf %parallel_loop3A_104, %parallel_loop3A_92 : vector<16xf32>
          %parallel_loop3A_110 = arith.index_cast %parallel_loop3A_87 : i32 to index
          %parallel_loop3A_111 = arith.constant 64 : index
          %parallel_loop3A_112 = tpu.vector_load %arg14[%parallel_loop3A_110, %parallel_loop3A_111] {strides = array<i32>} : memref<64x128xf32, #tpu.memory_space<vmem>>, vector<16xf32>,
          tpu.vector_store %arg14[%parallel_loop3A_110, %parallel_loop3A_111], %parallel_loop3A_109 {strides = array<i32>} : memref<64x128xf32, #tpu.memory_space<vmem>>, vector<16xf32>,
          %parallel_loop3A_113 = arith.index_cast %parallel_loop3A_87 : i32 to index
          %parallel_loop3A_114 = arith.constant 16 : index
          %parallel_loop3A_115 = tpu.vector_load %arg12[%parallel_loop3A_113, %parallel_loop3A_114] {strides = array<i32>} : memref<64x64xi32, #tpu.memory_space<vmem>>, vector<16xi32>,
          %parallel_loop3A_116 = vector.bitcast %parallel_loop3A_115 : vector<16xi32> to vector<16xi32>
          %parallel_loop3A_117 = arith.constant 16 : i32
          %parallel_loop3A_118 = vector.broadcast %parallel_loop3A_117 : i32 to vector<16xi32>
          %parallel_loop3A_119 = arith.shli %parallel_loop3A_116, %parallel_loop3A_118 : vector<16xi32>
          %parallel_loop3A_120 = vector.bitcast %parallel_loop3A_119 : vector<16xi32> to vector<16xf32>
          %parallel_loop3A_121 = arith.constant -65536 : i32
          %parallel_loop3A_122 = vector.broadcast %parallel_loop3A_121 : i32 to vector<16xi32>
          %parallel_loop3A_123 = arith.andi %parallel_loop3A_116, %parallel_loop3A_122 : vector<16xi32>
          %parallel_loop3A_124 = vector.bitcast %parallel_loop3A_123 : vector<16xi32> to vector<16xf32>
          %parallel_loop3A_125 = arith.mulf %parallel_loop3A_120, %parallel_loop3A_92 : vector<16xf32>
          %parallel_loop3A_126 = arith.index_cast %parallel_loop3A_87 : i32 to index
          %parallel_loop3A_127 = arith.constant 16 : index
          %parallel_loop3A_128 = tpu.vector_load %arg14[%parallel_loop3A_126, %parallel_loop3A_127] {strides = array<i32>} : memref<64x128xf32, #tpu.memory_space<vmem>>, vector<16xf32>,
          tpu.vector_store %arg14[%parallel_loop3A_126, %parallel_loop3A_127], %parallel_loop3A_125 {strides = array<i32>} : memref<64x128xf32, #tpu.memory_space<vmem>>, vector<16xf32>,
          %parallel_loop3A_129 = arith.mulf %parallel_loop3A_124, %parallel_loop3A_92 : vector<16xf32>
          %parallel_loop3A_130 = arith.index_cast %parallel_loop3A_87 : i32 to index
          %parallel_loop3A_131 = arith.constant 80 : index
          %parallel_loop3A_132 = tpu.vector_load %arg14[%parallel_loop3A_130, %parallel_loop3A_131] {strides = array<i32>} : memref<64x128xf32, #tpu.memory_space<vmem>>, vector<16xf32>,
          tpu.vector_store %arg14[%parallel_loop3A_130, %parallel_loop3A_131], %parallel_loop3A_129 {strides = array<i32>} : memref<64x128xf32, #tpu.memory_space<vmem>>, vector<16xf32>,
          %parallel_loop3A_133 = arith.index_cast %parallel_loop3A_87 : i32 to index
          %parallel_loop3A_134 = arith.constant 32 : index
          %parallel_loop3A_135 = tpu.vector_load %arg12[%parallel_loop3A_133, %parallel_loop3A_134] {strides = array<i32>} : memref<64x64xi32, #tpu.memory_space<vmem>>, vector<16xi32>,
          %parallel_loop3A_136 = vector.bitcast %parallel_loop3A_135 : vector<16xi32> to vector<16xi32>
          %parallel_loop3A_137 = arith.constant 16 : i32
          %parallel_loop3A_138 = vector.broadcast %parallel_loop3A_137 : i32 to vector<16xi32>
          %parallel_loop3A_139 = arith.shli %parallel_loop3A_136, %parallel_loop3A_138 : vector<16xi32>
          %parallel_loop3A_140 = vector.bitcast %parallel_loop3A_139 : vector<16xi32> to vector<16xf32>
          %parallel_loop3A_141 = arith.constant -65536 : i32
          %parallel_loop3A_142 = vector.broadcast %parallel_loop3A_141 : i32 to vector<16xi32>
          %parallel_loop3A_143 = arith.andi %parallel_loop3A_136, %parallel_loop3A_142 : vector<16xi32>
          %parallel_loop3A_144 = vector.bitcast %parallel_loop3A_143 : vector<16xi32> to vector<16xf32>
          %parallel_loop3A_145 = arith.mulf %parallel_loop3A_140, %parallel_loop3A_92 : vector<16xf32>
          %parallel_loop3A_146 = arith.index_cast %parallel_loop3A_87 : i32 to index
          %parallel_loop3A_147 = arith.constant 32 : index
          %parallel_loop3A_148 = tpu.vector_load %arg14[%parallel_loop3A_146, %parallel_loop3A_147] {strides = array<i32>} : memref<64x128xf32, #tpu.memory_space<vmem>>, vector<16xf32>,
          tpu.vector_store %arg14[%parallel_loop3A_146, %parallel_loop3A_147], %parallel_loop3A_145 {strides = array<i32>} : memref<64x128xf32, #tpu.memory_space<vmem>>, vector<16xf32>,
          %parallel_loop3A_149 = arith.mulf %parallel_loop3A_144, %parallel_loop3A_92 : vector<16xf32>
          %parallel_loop3A_150 = arith.index_cast %parallel_loop3A_87 : i32 to index
          %parallel_loop3A_151 = arith.constant 96 : index
          %parallel_loop3A_152 = tpu.vector_load %arg14[%parallel_loop3A_150, %parallel_loop3A_151] {strides = array<i32>} : memref<64x128xf32, #tpu.memory_space<vmem>>, vector<16xf32>,
          tpu.vector_store %arg14[%parallel_loop3A_150, %parallel_loop3A_151], %parallel_loop3A_149 {strides = array<i32>} : memref<64x128xf32, #tpu.memory_space<vmem>>, vector<16xf32>,
          %parallel_loop3A_153 = arith.index_cast %parallel_loop3A_87 : i32 to index
          %parallel_loop3A_154 = arith.constant 48 : index
          %parallel_loop3A_155 = tpu.vector_load %arg12[%parallel_loop3A_153, %parallel_loop3A_154] {strides = array<i32>} : memref<64x64xi32, #tpu.memory_space<vmem>>, vector<16xi32>,
          %parallel_loop3A_156 = vector.bitcast %parallel_loop3A_155 : vector<16xi32> to vector<16xi32>
          %parallel_loop3A_157 = arith.constant 16 : i32
          %parallel_loop3A_158 = vector.broadcast %parallel_loop3A_157 : i32 to vector<16xi32>
          %parallel_loop3A_159 = arith.shli %parallel_loop3A_156, %parallel_loop3A_158 : vector<16xi32>
          %parallel_loop3A_160 = vector.bitcast %parallel_loop3A_159 : vector<16xi32> to vector<16xf32>
          %parallel_loop3A_161 = arith.constant -65536 : i32
          %parallel_loop3A_162 = vector.broadcast %parallel_loop3A_161 : i32 to vector<16xi32>
          %parallel_loop3A_163 = arith.andi %parallel_loop3A_156, %parallel_loop3A_162 : vector<16xi32>
          %parallel_loop3A_164 = vector.bitcast %parallel_loop3A_163 : vector<16xi32> to vector<16xf32>
          %parallel_loop3A_165 = arith.mulf %parallel_loop3A_160, %parallel_loop3A_92 : vector<16xf32>
          %parallel_loop3A_166 = arith.index_cast %parallel_loop3A_87 : i32 to index
          %parallel_loop3A_167 = arith.constant 48 : index
          %parallel_loop3A_168 = tpu.vector_load %arg14[%parallel_loop3A_166, %parallel_loop3A_167] {strides = array<i32>} : memref<64x128xf32, #tpu.memory_space<vmem>>, vector<16xf32>,
          tpu.vector_store %arg14[%parallel_loop3A_166, %parallel_loop3A_167], %parallel_loop3A_165 {strides = array<i32>} : memref<64x128xf32, #tpu.memory_space<vmem>>, vector<16xf32>,
          %parallel_loop3A_169 = arith.mulf %parallel_loop3A_164, %parallel_loop3A_92 : vector<16xf32>
          %parallel_loop3A_170 = arith.index_cast %parallel_loop3A_87 : i32 to index
          %parallel_loop3A_171 = arith.constant 112 : index
          %parallel_loop3A_172 = tpu.vector_load %arg14[%parallel_loop3A_170, %parallel_loop3A_171] {strides = array<i32>} : memref<64x128xf32, #tpu.memory_space<vmem>>, vector<16xf32>,
          tpu.vector_store %arg14[%parallel_loop3A_170, %parallel_loop3A_171], %parallel_loop3A_169 {strides = array<i32>} : memref<64x128xf32, #tpu.memory_space<vmem>>, vector<16xf32>,
        } {sc.loop_unroll_factor = 4 : i64, sc.parallel_access}
        %lt3A = arith.constant 19 : i32
        %lt3A_55 = arith.cmpi slt, %scan3A_42, %lt3A : i32
        %convert_element_type3A = arith.extui %lt3A_55 : i1 to i32
        %cond3A = arith.constant 0 : i32
        %cond3A_56 = arith.cmpi ne, %convert_element_type3A, %cond3A : i32
        scf.if %cond3A_56 {
          %add3A_87 = arith.constant 2 : i32
          %add3A_88 = arith.addi %add3A_46, %add3A_87 : i32
          %dma_start3A_89 = arith.constant 0 : i32
          %dma_start3A_90 = tpu.memref_slice %arg9[%add3A_88, %dma_start3A_89] : memref<40x64xi32, #tpu.memory_space<vmem>> -> memref<1x64xi32, #tpu.memory_space<vmem>>
          %dma_start3A_91 = tpu.memref_squeeze %dma_start3A_90 : memref<1x64xi32, #tpu.memory_space<vmem>> -> memref<64xi32, #tpu.memory_space<vmem>>
          %dma_start3A_92 = arith.constant 0 : i32
          %dma_start3A_93 = arith.constant 0 : i32
          %dma_start3A_94 = tpu.memref_slice %arg2[%dma_start3A_92, %dma_start3A_93] : memref<10112x64xi32, #tpu.memory_space<hbm>> -> memref<10112x64xi32, #tpu.memory_space<hbm>>
          tpu.enqueue_indirect_dma source(%dma_start3A_94 : memref<10112x64xi32, #tpu.memory_space<hbm>>) target(%arg12 : memref<64x64xi32, #tpu.memory_space<vmem>>) offsets(%dma_start3A_91 : memref<64xi32, #tpu.memory_space<vmem>>) semaphore(%arg16 : memref<!tpu.dma_semaphore, #tpu.memory_space<semaphore_mem>>)
        } else {
        }
        %dma_start3A_57 = arith.constant 0 : i32
        %dma_start3A_58 = tpu.memref_slice %arg10[%add3A_46, %dma_start3A_57] : memref<40x64xi32, #tpu.memory_space<vmem>> -> memref<1x64xi32, #tpu.memory_space<vmem>>
        %dma_start3A_59 = tpu.memref_squeeze %dma_start3A_58 : memref<1x64xi32, #tpu.memory_space<vmem>> -> memref<64xi32, #tpu.memory_space<vmem>>
        %dma_start3A_60 = arith.constant 0 : i32
        %dma_start3A_61 = arith.constant 0 : i32
        %dma_start3A_62 = tpu.memref_slice %arg8[%dma_start3A_60, %dma_start3A_61] : memref<10112x128xf32, #tpu.memory_space<vmem_shared>> -> memref<10112x128xf32, #tpu.memory_space<vmem_shared>>
        tpu.enqueue_indirect_dma source(%arg14 : memref<64x128xf32, #tpu.memory_space<vmem>>) target(%dma_start3A_62 : memref<10112x128xf32, #tpu.memory_space<vmem_shared>>) offsets(%dma_start3A_59 : memref<64xi32, #tpu.memory_space<vmem>>) semaphore(%arg18 : memref<!tpu.dma_semaphore, #tpu.memory_space<semaphore_mem>>) {add = true}
        %mul3A_63 = arith.constant 2 : i32
        %mul3A_64 = arith.muli %mul3A_63, %scan3A_42 : i32
        %add3A_65 = arith.constant 1 : i32
        %add3A_66 = arith.addi %mul3A_64, %add3A_65 : i32
        %dma_wait3A_67 = arith.constant 0 : i32
        %dma_wait3A_68 = tpu.memref_slice %arg9[%add3A_66, %dma_wait3A_67] : memref<40x64xi32, #tpu.memory_space<vmem>> -> memref<1x64xi32, #tpu.memory_space<vmem>>
        %dma_wait3A_69 = tpu.memref_squeeze %dma_wait3A_68 : memref<1x64xi32, #tpu.memory_space<vmem>> -> memref<64xi32, #tpu.memory_space<vmem>>
        %dma_wait3A_70 = arith.constant 0 : i32
        %dma_wait3A_71 = arith.constant 0 : i32
        %dma_wait3A_72 = tpu.memref_slice %arg2[%dma_wait3A_70, %dma_wait3A_71] : memref<10112x64xi32, #tpu.memory_space<hbm>> -> memref<10112x64xi32, #tpu.memory_space<hbm>>
        tpu.wait_indirect_dma semaphore(%arg17 : memref<!tpu.dma_semaphore, #tpu.memory_space<semaphore_mem>>) src(%dma_wait3A_72 : memref<10112x64xi32, #tpu.memory_space<hbm>>) dst(%arg13 : memref<64x64xi32, #tpu.memory_space<vmem>>)
        %parallel_loop3A_73 = arith.constant 0 : i32
        %parallel_loop3A_74 = arith.constant 64 : i32
        %parallel_loop3A_75 = arith.constant 1 : i32
        scf.for %parallel_loop3A_87 = %parallel_loop3A_73 to %parallel_loop3A_74 step %parallel_loop3A_75  : i32 {
          %parallel_loop3A_88 = arith.constant 64 : i32
          %parallel_loop3A_89 = arith.muli %add3A_66, %parallel_loop3A_88 : i32
          %parallel_loop3A_90 = arith.addi %parallel_loop3A_89, %parallel_loop3A_87 : i32
          %parallel_loop3A_91 = vector.broadcast %parallel_loop3A_90 : i32 to vector<16xi32>
          %parallel_loop3A_92 = tpu.vector_load_idx %arg11[%parallel_loop3A_91] : memref<2560xf32, #tpu.memory_space<vmem>>[vector<16xi32>], vector<16xf32>,
          %parallel_loop3A_93 = arith.index_cast %parallel_loop3A_87 : i32 to index
          %parallel_loop3A_94 = arith.constant 0 : index
          %parallel_loop3A_95 = tpu.vector_load %arg13[%parallel_loop3A_93, %parallel_loop3A_94] {strides = array<i32>} : memref<64x64xi32, #tpu.memory_space<vmem>>, vector<16xi32>,
          %parallel_loop3A_96 = vector.bitcast %parallel_loop3A_95 : vector<16xi32> to vector<16xi32>
          %parallel_loop3A_97 = arith.constant 16 : i32
          %parallel_loop3A_98 = vector.broadcast %parallel_loop3A_97 : i32 to vector<16xi32>
          %parallel_loop3A_99 = arith.shli %parallel_loop3A_96, %parallel_loop3A_98 : vector<16xi32>
          %parallel_loop3A_100 = vector.bitcast %parallel_loop3A_99 : vector<16xi32> to vector<16xf32>
          %parallel_loop3A_101 = arith.constant -65536 : i32
          %parallel_loop3A_102 = vector.broadcast %parallel_loop3A_101 : i32 to vector<16xi32>
          %parallel_loop3A_103 = arith.andi %parallel_loop3A_96, %parallel_loop3A_102 : vector<16xi32>
          %parallel_loop3A_104 = vector.bitcast %parallel_loop3A_103 : vector<16xi32> to vector<16xf32>
          %parallel_loop3A_105 = arith.mulf %parallel_loop3A_100, %parallel_loop3A_92 : vector<16xf32>
          %parallel_loop3A_106 = arith.index_cast %parallel_loop3A_87 : i32 to index
          %parallel_loop3A_107 = arith.constant 0 : index
          %parallel_loop3A_108 = tpu.vector_load %arg15[%parallel_loop3A_106, %parallel_loop3A_107] {strides = array<i32>} : memref<64x128xf32, #tpu.memory_space<vmem>>, vector<16xf32>,
          tpu.vector_store %arg15[%parallel_loop3A_106, %parallel_loop3A_107], %parallel_loop3A_105 {strides = array<i32>} : memref<64x128xf32, #tpu.memory_space<vmem>>, vector<16xf32>,
          %parallel_loop3A_109 = arith.mulf %parallel_loop3A_104, %parallel_loop3A_92 : vector<16xf32>
          %parallel_loop3A_110 = arith.index_cast %parallel_loop3A_87 : i32 to index
          %parallel_loop3A_111 = arith.constant 64 : index
          %parallel_loop3A_112 = tpu.vector_load %arg15[%parallel_loop3A_110, %parallel_loop3A_111] {strides = array<i32>} : memref<64x128xf32, #tpu.memory_space<vmem>>, vector<16xf32>,
          tpu.vector_store %arg15[%parallel_loop3A_110, %parallel_loop3A_111], %parallel_loop3A_109 {strides = array<i32>} : memref<64x128xf32, #tpu.memory_space<vmem>>, vector<16xf32>,
          %parallel_loop3A_113 = arith.index_cast %parallel_loop3A_87 : i32 to index
          %parallel_loop3A_114 = arith.constant 16 : index
          %parallel_loop3A_115 = tpu.vector_load %arg13[%parallel_loop3A_113, %parallel_loop3A_114] {strides = array<i32>} : memref<64x64xi32, #tpu.memory_space<vmem>>, vector<16xi32>,
          %parallel_loop3A_116 = vector.bitcast %parallel_loop3A_115 : vector<16xi32> to vector<16xi32>
          %parallel_loop3A_117 = arith.constant 16 : i32
          %parallel_loop3A_118 = vector.broadcast %parallel_loop3A_117 : i32 to vector<16xi32>
          %parallel_loop3A_119 = arith.shli %parallel_loop3A_116, %parallel_loop3A_118 : vector<16xi32>
          %parallel_loop3A_120 = vector.bitcast %parallel_loop3A_119 : vector<16xi32> to vector<16xf32>
          %parallel_loop3A_121 = arith.constant -65536 : i32
          %parallel_loop3A_122 = vector.broadcast %parallel_loop3A_121 : i32 to vector<16xi32>
          %parallel_loop3A_123 = arith.andi %parallel_loop3A_116, %parallel_loop3A_122 : vector<16xi32>
          %parallel_loop3A_124 = vector.bitcast %parallel_loop3A_123 : vector<16xi32> to vector<16xf32>
          %parallel_loop3A_125 = arith.mulf %parallel_loop3A_120, %parallel_loop3A_92 : vector<16xf32>
          %parallel_loop3A_126 = arith.index_cast %parallel_loop3A_87 : i32 to index
          %parallel_loop3A_127 = arith.constant 16 : index
          %parallel_loop3A_128 = tpu.vector_load %arg15[%parallel_loop3A_126, %parallel_loop3A_127] {strides = array<i32>} : memref<64x128xf32, #tpu.memory_space<vmem>>, vector<16xf32>,
          tpu.vector_store %arg15[%parallel_loop3A_126, %parallel_loop3A_127], %parallel_loop3A_125 {strides = array<i32>} : memref<64x128xf32, #tpu.memory_space<vmem>>, vector<16xf32>,
          %parallel_loop3A_129 = arith.mulf %parallel_loop3A_124, %parallel_loop3A_92 : vector<16xf32>
          %parallel_loop3A_130 = arith.index_cast %parallel_loop3A_87 : i32 to index
          %parallel_loop3A_131 = arith.constant 80 : index
          %parallel_loop3A_132 = tpu.vector_load %arg15[%parallel_loop3A_130, %parallel_loop3A_131] {strides = array<i32>} : memref<64x128xf32, #tpu.memory_space<vmem>>, vector<16xf32>,
          tpu.vector_store %arg15[%parallel_loop3A_130, %parallel_loop3A_131], %parallel_loop3A_129 {strides = array<i32>} : memref<64x128xf32, #tpu.memory_space<vmem>>, vector<16xf32>,
          %parallel_loop3A_133 = arith.index_cast %parallel_loop3A_87 : i32 to index
          %parallel_loop3A_134 = arith.constant 32 : index
          %parallel_loop3A_135 = tpu.vector_load %arg13[%parallel_loop3A_133, %parallel_loop3A_134] {strides = array<i32>} : memref<64x64xi32, #tpu.memory_space<vmem>>, vector<16xi32>,
          %parallel_loop3A_136 = vector.bitcast %parallel_loop3A_135 : vector<16xi32> to vector<16xi32>
          %parallel_loop3A_137 = arith.constant 16 : i32
          %parallel_loop3A_138 = vector.broadcast %parallel_loop3A_137 : i32 to vector<16xi32>
          %parallel_loop3A_139 = arith.shli %parallel_loop3A_136, %parallel_loop3A_138 : vector<16xi32>
          %parallel_loop3A_140 = vector.bitcast %parallel_loop3A_139 : vector<16xi32> to vector<16xf32>
          %parallel_loop3A_141 = arith.constant -65536 : i32
          %parallel_loop3A_142 = vector.broadcast %parallel_loop3A_141 : i32 to vector<16xi32>
          %parallel_loop3A_143 = arith.andi %parallel_loop3A_136, %parallel_loop3A_142 : vector<16xi32>
          %parallel_loop3A_144 = vector.bitcast %parallel_loop3A_143 : vector<16xi32> to vector<16xf32>
          %parallel_loop3A_145 = arith.mulf %parallel_loop3A_140, %parallel_loop3A_92 : vector<16xf32>
          %parallel_loop3A_146 = arith.index_cast %parallel_loop3A_87 : i32 to index
          %parallel_loop3A_147 = arith.constant 32 : index
          %parallel_loop3A_148 = tpu.vector_load %arg15[%parallel_loop3A_146, %parallel_loop3A_147] {strides = array<i32>} : memref<64x128xf32, #tpu.memory_space<vmem>>, vector<16xf32>,
          tpu.vector_store %arg15[%parallel_loop3A_146, %parallel_loop3A_147], %parallel_loop3A_145 {strides = array<i32>} : memref<64x128xf32, #tpu.memory_space<vmem>>, vector<16xf32>,
          %parallel_loop3A_149 = arith.mulf %parallel_loop3A_144, %parallel_loop3A_92 : vector<16xf32>
          %parallel_loop3A_150 = arith.index_cast %parallel_loop3A_87 : i32 to index
          %parallel_loop3A_151 = arith.constant 96 : index
          %parallel_loop3A_152 = tpu.vector_load %arg15[%parallel_loop3A_150, %parallel_loop3A_151] {strides = array<i32>} : memref<64x128xf32, #tpu.memory_space<vmem>>, vector<16xf32>,
          tpu.vector_store %arg15[%parallel_loop3A_150, %parallel_loop3A_151], %parallel_loop3A_149 {strides = array<i32>} : memref<64x128xf32, #tpu.memory_space<vmem>>, vector<16xf32>,
          %parallel_loop3A_153 = arith.index_cast %parallel_loop3A_87 : i32 to index
          %parallel_loop3A_154 = arith.constant 48 : index
          %parallel_loop3A_155 = tpu.vector_load %arg13[%parallel_loop3A_153, %parallel_loop3A_154] {strides = array<i32>} : memref<64x64xi32, #tpu.memory_space<vmem>>, vector<16xi32>,
          %parallel_loop3A_156 = vector.bitcast %parallel_loop3A_155 : vector<16xi32> to vector<16xi32>
          %parallel_loop3A_157 = arith.constant 16 : i32
          %parallel_loop3A_158 = vector.broadcast %parallel_loop3A_157 : i32 to vector<16xi32>
          %parallel_loop3A_159 = arith.shli %parallel_loop3A_156, %parallel_loop3A_158 : vector<16xi32>
          %parallel_loop3A_160 = vector.bitcast %parallel_loop3A_159 : vector<16xi32> to vector<16xf32>
          %parallel_loop3A_161 = arith.constant -65536 : i32
          %parallel_loop3A_162 = vector.broadcast %parallel_loop3A_161 : i32 to vector<16xi32>
          %parallel_loop3A_163 = arith.andi %parallel_loop3A_156, %parallel_loop3A_162 : vector<16xi32>
          %parallel_loop3A_164 = vector.bitcast %parallel_loop3A_163 : vector<16xi32> to vector<16xf32>
          %parallel_loop3A_165 = arith.mulf %parallel_loop3A_160, %parallel_loop3A_92 : vector<16xf32>
          %parallel_loop3A_166 = arith.index_cast %parallel_loop3A_87 : i32 to index
          %parallel_loop3A_167 = arith.constant 48 : index
          %parallel_loop3A_168 = tpu.vector_load %arg15[%parallel_loop3A_166, %parallel_loop3A_167] {strides = array<i32>} : memref<64x128xf32, #tpu.memory_space<vmem>>, vector<16xf32>,
          tpu.vector_store %arg15[%parallel_loop3A_166, %parallel_loop3A_167], %parallel_loop3A_165 {strides = array<i32>} : memref<64x128xf32, #tpu.memory_space<vmem>>, vector<16xf32>,
          %parallel_loop3A_169 = arith.mulf %parallel_loop3A_164, %parallel_loop3A_92 : vector<16xf32>
          %parallel_loop3A_170 = arith.index_cast %parallel_loop3A_87 : i32 to index
          %parallel_loop3A_171 = arith.constant 112 : index
          %parallel_loop3A_172 = tpu.vector_load %arg15[%parallel_loop3A_170, %parallel_loop3A_171] {strides = array<i32>} : memref<64x128xf32, #tpu.memory_space<vmem>>, vector<16xf32>,
          tpu.vector_store %arg15[%parallel_loop3A_170, %parallel_loop3A_171], %parallel_loop3A_169 {strides = array<i32>} : memref<64x128xf32, #tpu.memory_space<vmem>>, vector<16xf32>,
        } {sc.loop_unroll_factor = 4 : i64, sc.parallel_access}
        %lt3A_76 = arith.constant 19 : i32
        %lt3A_77 = arith.cmpi slt, %scan3A_42, %lt3A_76 : i32
        %convert_element_type3A_78 = arith.extui %lt3A_77 : i1 to i32
        %cond3A_79 = arith.constant 0 : i32
        %cond3A_80 = arith.cmpi ne, %convert_element_type3A_78, %cond3A_79 : i32
        scf.if %cond3A_80 {
          %add3A_87 = arith.constant 2 : i32
          %add3A_88 = arith.addi %add3A_66, %add3A_87 : i32
          %dma_start3A_89 = arith.constant 0 : i32
          %dma_start3A_90 = tpu.memref_slice %arg9[%add3A_88, %dma_start3A_89] : memref<40x64xi32, #tpu.memory_space<vmem>> -> memref<1x64xi32, #tpu.memory_space<vmem>>
          %dma_start3A_91 = tpu.memref_squeeze %dma_start3A_90 : memref<1x64xi32, #tpu.memory_space<vmem>> -> memref<64xi32, #tpu.memory_space<vmem>>
          %dma_start3A_92 = arith.constant 0 : i32
          %dma_start3A_93 = arith.constant 0 : i32
          %dma_start3A_94 = tpu.memref_slice %arg2[%dma_start3A_92, %dma_start3A_93] : memref<10112x64xi32, #tpu.memory_space<hbm>> -> memref<10112x64xi32, #tpu.memory_space<hbm>>
          tpu.enqueue_indirect_dma source(%dma_start3A_94 : memref<10112x64xi32, #tpu.memory_space<hbm>>) target(%arg13 : memref<64x64xi32, #tpu.memory_space<vmem>>) offsets(%dma_start3A_91 : memref<64xi32, #tpu.memory_space<vmem>>) semaphore(%arg17 : memref<!tpu.dma_semaphore, #tpu.memory_space<semaphore_mem>>)
        } else {
        }
        %dma_start3A_81 = arith.constant 0 : i32
        %dma_start3A_82 = tpu.memref_slice %arg10[%add3A_66, %dma_start3A_81] : memref<40x64xi32, #tpu.memory_space<vmem>> -> memref<1x64xi32, #tpu.memory_space<vmem>>
        %dma_start3A_83 = tpu.memref_squeeze %dma_start3A_82 : memref<1x64xi32, #tpu.memory_space<vmem>> -> memref<64xi32, #tpu.memory_space<vmem>>
        %dma_start3A_84 = arith.constant 0 : i32
        %dma_start3A_85 = arith.constant 0 : i32
        %dma_start3A_86 = tpu.memref_slice %arg8[%dma_start3A_84, %dma_start3A_85] : memref<10112x128xf32, #tpu.memory_space<vmem_shared>> -> memref<10112x128xf32, #tpu.memory_space<vmem_shared>>
        tpu.enqueue_indirect_dma source(%arg15 : memref<64x128xf32, #tpu.memory_space<vmem>>) target(%dma_start3A_86 : memref<10112x128xf32, #tpu.memory_space<vmem_shared>>) offsets(%dma_start3A_83 : memref<64xi32, #tpu.memory_space<vmem>>) semaphore(%arg19 : memref<!tpu.dma_semaphore, #tpu.memory_space<semaphore_mem>>) {add = true}
      }
      %scan3A_28 = arith.constant 20 : i32
      %dma_wait3A = arith.constant 38 : i32
      %dma_wait3A_29 = arith.constant 0 : i32
      %dma_wait3A_30 = tpu.memref_slice %arg10[%dma_wait3A, %dma_wait3A_29] : memref<40x64xi32, #tpu.memory_space<vmem>> -> memref<1x64xi32, #tpu.memory_space<vmem>>
      %dma_wait3A_31 = tpu.memref_squeeze %dma_wait3A_30 : memref<1x64xi32, #tpu.memory_space<vmem>> -> memref<64xi32, #tpu.memory_space<vmem>>
      %dma_wait3A_32 = arith.constant 0 : i32
      %dma_wait3A_33 = arith.constant 0 : i32
      %dma_wait3A_34 = tpu.memref_slice %arg8[%dma_wait3A_32, %dma_wait3A_33] : memref<10112x128xf32, #tpu.memory_space<vmem_shared>> -> memref<10112x128xf32, #tpu.memory_space<vmem_shared>>
      tpu.wait_indirect_dma semaphore(%arg18 : memref<!tpu.dma_semaphore, #tpu.memory_space<semaphore_mem>>) src(%arg14 : memref<64x128xf32, #tpu.memory_space<vmem>>) dst(%dma_wait3A_34 : memref<10112x128xf32, #tpu.memory_space<vmem_shared>>)
      %dma_wait3A_35 = arith.constant 39 : i32
      %dma_wait3A_36 = arith.constant 0 : i32
      %dma_wait3A_37 = tpu.memref_slice %arg10[%dma_wait3A_35, %dma_wait3A_36] : memref<40x64xi32, #tpu.memory_space<vmem>> -> memref<1x64xi32, #tpu.memory_space<vmem>>
      %dma_wait3A_38 = tpu.memref_squeeze %dma_wait3A_37 : memref<1x64xi32, #tpu.memory_space<vmem>> -> memref<64xi32, #tpu.memory_space<vmem>>
      %dma_wait3A_39 = arith.constant 0 : i32
      %dma_wait3A_40 = arith.constant 0 : i32
      %dma_wait3A_41 = tpu.memref_slice %arg8[%dma_wait3A_39, %dma_wait3A_40] : memref<10112x128xf32, #tpu.memory_space<vmem_shared>> -> memref<10112x128xf32, #tpu.memory_space<vmem_shared>>
      tpu.wait_indirect_dma semaphore(%arg19 : memref<!tpu.dma_semaphore, #tpu.memory_space<semaphore_mem>>) src(%arg15 : memref<64x128xf32, #tpu.memory_space<vmem>>) dst(%dma_wait3A_41 : memref<10112x128xf32, #tpu.memory_space<vmem_shared>>)
    }
    %scan3A_7 = arith.constant 4 : i32
    %barrier3A_8 = arith.constant 0 : index
    tpu.barrier barrier_id(%barrier3A_8)
    "tpu.region"() ({
      %run_scoped3A = tpu.sem_alloc : memref<!tpu.dma_semaphore, #tpu.memory_space<semaphore_mem>>
      %dma_start3A = arith.constant 0 : i32
      %dma_start3A_9 = arith.constant 0 : i32
      %dma_start3A_10 = tpu.memref_slice %arg7[%arg0, %dma_start3A, %dma_start3A_9] : memref<2x10112x128xf32, #tpu.memory_space<hbm>> -> memref<1x10112x128xf32, #tpu.memory_space<hbm>>
      %dma_start3A_11 = tpu.memref_squeeze %dma_start3A_10 : memref<1x10112x128xf32, #tpu.memory_space<hbm>> -> memref<10112x128xf32, #tpu.memory_space<hbm>>
      %dma_start3A_12 = arith.constant 0 : i32
      %dma_start3A_13 = tpu.memref_slice %dma_start3A_11[%mul3A_2, %dma_start3A_12] : memref<10112x128xf32, #tpu.memory_space<hbm>> -> memref<632x128xf32, #tpu.memory_space<hbm>>
      %dma_start3A_14 = arith.constant 0 : i32
      %dma_start3A_15 = tpu.memref_slice %arg8[%mul3A_2, %dma_start3A_14] : memref<10112x128xf32, #tpu.memory_space<vmem_shared>> -> memref<632x128xf32, #tpu.memory_space<vmem_shared>>
      tpu.enqueue_dma source(%dma_start3A_15 : memref<632x128xf32, #tpu.memory_space<vmem_shared>>) target(%dma_start3A_13 : memref<632x128xf32, #tpu.memory_space<hbm>>) target_semaphore(%run_scoped3A : memref<!tpu.dma_semaphore, #tpu.memory_space<semaphore_mem>>)
      %dma_wait3A = arith.constant 0 : i32
      %dma_wait3A_16 = arith.constant 0 : i32
      %dma_wait3A_17 = tpu.memref_slice %arg7[%arg0, %dma_wait3A, %dma_wait3A_16] : memref<2x10112x128xf32, #tpu.memory_space<hbm>> -> memref<1x10112x128xf32, #tpu.memory_space<hbm>>
      %dma_wait3A_18 = tpu.memref_squeeze %dma_wait3A_17 : memref<1x10112x128xf32, #tpu.memory_space<hbm>> -> memref<10112x128xf32, #tpu.memory_space<hbm>>
      %dma_wait3A_19 = arith.constant 0 : i32
      %dma_wait3A_20 = tpu.memref_slice %dma_wait3A_18[%mul3A_2, %dma_wait3A_19] : memref<10112x128xf32, #tpu.memory_space<hbm>> -> memref<632x128xf32, #tpu.memory_space<hbm>>
      %dma_wait3A_21 = arith.constant 0 : i32
      %dma_wait3A_22 = tpu.memref_slice %arg8[%mul3A_2, %dma_wait3A_21] : memref<10112x128xf32, #tpu.memory_space<vmem_shared>> -> memref<632x128xf32, #tpu.memory_space<vmem_shared>>
      tpu.wait_dma2 semaphore(%run_scoped3A : memref<!tpu.dma_semaphore, #tpu.memory_space<semaphore_mem>>) src(%dma_wait3A_22 : memref<632x128xf32, #tpu.memory_space<vmem_shared>>) dst(%dma_wait3A_20 : memref<632x128xf32, #tpu.memory_space<hbm>>)
      tpu.yield
    }) : () -> ()
    return
  }
}

module attributes {stable_mosaic.version = 14 : i64} {
  func.func @_tc_sum_body(%arg0: memref<2x10112x128xf32, #tpu.memory_space<vmem>>, %arg1: memref<10112x128xf32, #tpu.memory_space<vmem>>, %arg2: memref<10112x64xi32, #tpu.memory_space<vmem>>) attributes {dimension_semantics = [], scalar_prefetch = 0 : i64, scratch_operands = 0 : i64, tpu.core_type = #tpu.core_type<tc>} {
    %get3A = arith.constant 0 : index
    %get3A_0 = arith.constant 0 : index
    %get3A_1 = arith.constant 0 : index
    %get3A_2 = vector.load %arg0[%get3A, %get3A_0, %get3A_1] : memref<2x10112x128xf32, #tpu.memory_space<vmem>>, vector<1x10112x128xf32>
    %get3A_3 = vector.shape_cast %get3A_2 : vector<1x10112x128xf32> to vector<10112x128xf32>
    %get3A_4 = arith.constant 1 : index
    %get3A_5 = arith.constant 0 : index
    %get3A_6 = arith.constant 0 : index
    %get3A_7 = vector.load %arg0[%get3A_4, %get3A_5, %get3A_6] : memref<2x10112x128xf32, #tpu.memory_space<vmem>>, vector<1x10112x128xf32>
    %get3A_8 = vector.shape_cast %get3A_7 : vector<1x10112x128xf32> to vector<10112x128xf32>
    %add3A = arith.addf %get3A_3, %get3A_8 : vector<10112x128xf32>
    %swap3A = arith.constant 0 : index
    %swap3A_9 = arith.constant 0 : index
    %swap3A_10 = vector.load %arg1[%swap3A, %swap3A_9] : memref<10112x128xf32, #tpu.memory_space<vmem>>, vector<10112x128xf32>
    tpu.vector_store %arg1[%swap3A, %swap3A_9], %add3A {strides = array<i32>} : memref<10112x128xf32, #tpu.memory_space<vmem>>, vector<10112x128xf32>,
    %slice3A = vector.extract_strided_slice %add3A {offsets = [0, 64], sizes = [10112, 64], strides = [1, 1]} : vector<10112x128xf32> to vector<10112x64xf32>
    %bitcast_convert_type3A = tpu.bitcast %slice3A : vector<10112x64xf32> -> vector<10112x64xi32>
    %add3A_11 = arith.constant 32767 : i32
    %add3A_12 = vector.broadcast %add3A_11 : i32 to vector<10112x64xi32>
    %add3A_13 = arith.addi %bitcast_convert_type3A, %add3A_12 : vector<10112x64xi32>
    %shift_right_logical3A = arith.constant 16 : i32
    %shift_right_logical3A_14 = vector.broadcast %shift_right_logical3A : i32 to vector<10112x64xi32>
    %shift_right_logical3A_15 = arith.shrui %bitcast_convert_type3A, %shift_right_logical3A_14 : vector<10112x64xi32>
    %and3A = arith.constant 1 : i32
    %and3A_16 = vector.broadcast %and3A : i32 to vector<10112x64xi32>
    %and3A_17 = arith.andi %shift_right_logical3A_15, %and3A_16 : vector<10112x64xi32>
    %add3A_18 = arith.addi %add3A_13, %and3A_17 : vector<10112x64xi32>
    %shift_right_logical3A_19 = arith.constant 16 : i32
    %shift_right_logical3A_20 = vector.broadcast %shift_right_logical3A_19 : i32 to vector<10112x64xi32>
    %shift_right_logical3A_21 = arith.shrui %add3A_18, %shift_right_logical3A_20 : vector<10112x64xi32>
    %shift_left3A = arith.constant 16 : i32
    %shift_left3A_22 = vector.broadcast %shift_left3A : i32 to vector<10112x64xi32>
    %shift_left3A_23 = arith.shli %shift_right_logical3A_21, %shift_left3A_22 : vector<10112x64xi32>
    %slice3A_24 = vector.extract_strided_slice %add3A {offsets = [0, 0], sizes = [10112, 64], strides = [1, 1]} : vector<10112x128xf32> to vector<10112x64xf32>
    %bitcast_convert_type3A_25 = tpu.bitcast %slice3A_24 : vector<10112x64xf32> -> vector<10112x64xi32>
    %add3A_26 = arith.constant 32767 : i32
    %add3A_27 = vector.broadcast %add3A_26 : i32 to vector<10112x64xi32>
    %add3A_28 = arith.addi %bitcast_convert_type3A_25, %add3A_27 : vector<10112x64xi32>
    %shift_right_logical3A_29 = arith.constant 16 : i32
    %shift_right_logical3A_30 = vector.broadcast %shift_right_logical3A_29 : i32 to vector<10112x64xi32>
    %shift_right_logical3A_31 = arith.shrui %bitcast_convert_type3A_25, %shift_right_logical3A_30 : vector<10112x64xi32>
    %and3A_32 = arith.constant 1 : i32
    %and3A_33 = vector.broadcast %and3A_32 : i32 to vector<10112x64xi32>
    %and3A_34 = arith.andi %shift_right_logical3A_31, %and3A_33 : vector<10112x64xi32>
    %add3A_35 = arith.addi %add3A_28, %and3A_34 : vector<10112x64xi32>
    %shift_right_logical3A_36 = arith.constant 16 : i32
    %shift_right_logical3A_37 = vector.broadcast %shift_right_logical3A_36 : i32 to vector<10112x64xi32>
    %shift_right_logical3A_38 = arith.shrui %add3A_35, %shift_right_logical3A_37 : vector<10112x64xi32>
    %or3A = arith.ori %shift_left3A_23, %shift_right_logical3A_38 : vector<10112x64xi32>
    %bitcast_convert_type3A_39 = tpu.bitcast %or3A : vector<10112x64xi32> -> vector<10112x64xi32>
    %swap3A_40 = arith.constant 0 : index
    %swap3A_41 = arith.constant 0 : index
    %swap3A_42 = vector.load %arg2[%swap3A_40, %swap3A_41] : memref<10112x64xi32, #tpu.memory_space<vmem>>, vector<10112x64xi32>
    tpu.vector_store %arg2[%swap3A_40, %swap3A_41], %bitcast_convert_type3A_39 {strides = array<i32>} : memref<10112x64xi32, #tpu.memory_space<vmem>>, vector<10112x64xi32>,
    return
  }
}

module attributes {stable_mosaic.version = 14 : i64} {
  func.func @_tc_body(%arg0: memref<10000x128xf32, #tpu.memory_space<vmem>>, %arg1: memref<10112x128xf32, #tpu.memory_space<vmem>>, %arg2: memref<2x10112x128xf32, #tpu.memory_space<vmem>>, %arg3: memref<128x128xf32, #tpu.memory_space<vmem>>, %arg4: memref<128x128xf32, #tpu.memory_space<vmem>>, %arg5: memref<128x128xf32, #tpu.memory_space<vmem>>, %arg6: memref<1x128xf32, #tpu.memory_space<vmem>>, %arg7: memref<1x128xf32, #tpu.memory_space<vmem>>, %arg8: memref<1x128xf32, #tpu.memory_space<vmem>>, %arg9: memref<10000x128xf32, #tpu.memory_space<vmem>>) attributes {dimension_semantics = [], scalar_prefetch = 0 : i64, scratch_operands = 0 : i64, tpu.core_type = #tpu.core_type<tc>} {
    %get3A = arith.constant 0 : index
    %get3A_0 = arith.constant 0 : index
    %get3A_1 = vector.load %arg0[%get3A, %get3A_0] : memref<10000x128xf32, #tpu.memory_space<vmem>>, vector<10000x128xf32>
    %get3A_2 = arith.constant 0 : index
    %get3A_3 = arith.constant 0 : index
    %get3A_4 = arith.constant 0 : index
    %get3A_5 = vector.load %arg2[%get3A_2, %get3A_3, %get3A_4] : memref<2x10112x128xf32, #tpu.memory_space<vmem>>, vector<1x10000x128xf32>
    %get3A_6 = vector.shape_cast %get3A_5 : vector<1x10000x128xf32> to vector<10000x128xf32>
    %get3A_7 = arith.constant 1 : index
    %get3A_8 = arith.constant 0 : index
    %get3A_9 = arith.constant 0 : index
    %get3A_10 = vector.load %arg2[%get3A_7, %get3A_8, %get3A_9] : memref<2x10112x128xf32, #tpu.memory_space<vmem>>, vector<1x10000x128xf32>
    %get3A_11 = vector.shape_cast %get3A_10 : vector<1x10000x128xf32> to vector<10000x128xf32>
    %add3A = arith.addf %get3A_6, %get3A_11 : vector<10000x128xf32>
    %get3A_12 = arith.constant 0 : index
    %get3A_13 = arith.constant 0 : index
    %get3A_14 = vector.load %arg3[%get3A_12, %get3A_13] : memref<128x128xf32, #tpu.memory_space<vmem>>, vector<128x128xf32>
    %dot_general3A = arith.constant dense<0.000000e+00> : vector<10000x128xf32>
    %dot_general3A_15 = tpu.matmul %get3A_1, %get3A_14, %dot_general3A {dimension_numbers = #tpu.dot_dimension_numbers<[1], [0], [0], [1], [0, 0, 1, 1], [], []>, transpose_lhs_hint = false} : vector<10000x128xf32>, vector<128x128xf32>, vector<10000x128xf32> -> vector<10000x128xf32>
    %get3A_16 = arith.constant 0 : index
    %get3A_17 = arith.constant 0 : index
    %get3A_18 = vector.load %arg1[%get3A_16, %get3A_17] : memref<10112x128xf32, #tpu.memory_space<vmem>>, vector<10000x128xf32>
    %get3A_19 = arith.constant 0 : index
    %get3A_20 = arith.constant 0 : index
    %get3A_21 = vector.load %arg4[%get3A_19, %get3A_20] : memref<128x128xf32, #tpu.memory_space<vmem>>, vector<128x128xf32>
    %dot_general3A_22 = arith.constant dense<0.000000e+00> : vector<10000x128xf32>
    %dot_general3A_23 = tpu.matmul %get3A_18, %get3A_21, %dot_general3A_22 {dimension_numbers = #tpu.dot_dimension_numbers<[1], [0], [0], [1], [0, 0, 1, 1], [], []>, transpose_lhs_hint = false} : vector<10000x128xf32>, vector<128x128xf32>, vector<10000x128xf32> -> vector<10000x128xf32>
    %add3A_24 = arith.addf %dot_general3A_15, %dot_general3A_23 : vector<10000x128xf32>
    %get3A_25 = arith.constant 0 : index
    %get3A_26 = arith.constant 0 : index
    %get3A_27 = vector.load %arg5[%get3A_25, %get3A_26] : memref<128x128xf32, #tpu.memory_space<vmem>>, vector<128x128xf32>
    %dot_general3A_28 = arith.constant dense<0.000000e+00> : vector<10000x128xf32>
    %dot_general3A_29 = tpu.matmul %add3A, %get3A_27, %dot_general3A_28 {dimension_numbers = #tpu.dot_dimension_numbers<[1], [0], [0], [1], [0, 0, 1, 1], [], []>, transpose_lhs_hint = false} : vector<10000x128xf32>, vector<128x128xf32>, vector<10000x128xf32> -> vector<10000x128xf32>
    %add3A_30 = arith.addf %add3A_24, %dot_general3A_29 : vector<10000x128xf32>
    %get3A_31 = arith.constant 0 : index
    %get3A_32 = arith.constant 0 : index
    %get3A_33 = vector.load %arg6[%get3A_31, %get3A_32] : memref<1x128xf32, #tpu.memory_space<vmem>>, vector<1x128xf32>
    %add3A_34 = vector.broadcast %get3A_33 : vector<1x128xf32> to vector<10000x128xf32>
    %add3A_35 = arith.addf %add3A_30, %add3A_34 : vector<10000x128xf32>
    %reduce_sum3A = arith.constant dense<0.000000e+00> : vector<128xf32>
    %reduce_sum3A_36 = vector.multi_reduction <add>, %add3A_35, %reduce_sum3A [0] : vector<10000x128xf32> to vector<128xf32>
    %broadcast_in_dim3A = vector.shape_cast %reduce_sum3A_36 : vector<128xf32> to vector<1x128xf32>
    %div3A = arith.constant 1.000000e+04 : f32
    %div3A_37 = vector.broadcast %div3A : f32 to vector<1x128xf32>
    %div3A_38 = arith.divf %broadcast_in_dim3A, %div3A_37 : vector<1x128xf32>
    %sub3A = vector.broadcast %div3A_38 : vector<1x128xf32> to vector<10000x128xf32>
    %sub3A_39 = arith.subf %add3A_35, %sub3A : vector<10000x128xf32>
    %square3A = arith.mulf %sub3A_39, %sub3A_39 : vector<10000x128xf32>
    %reduce_sum3A_40 = arith.constant dense<0.000000e+00> : vector<128xf32>
    %reduce_sum3A_41 = vector.multi_reduction <add>, %square3A, %reduce_sum3A_40 [0] : vector<10000x128xf32> to vector<128xf32>
    %broadcast_in_dim3A_42 = vector.shape_cast %reduce_sum3A_41 : vector<128xf32> to vector<1x128xf32>
    %div3A_43 = arith.constant 1.000000e+04 : f32
    %div3A_44 = vector.broadcast %div3A_43 : f32 to vector<1x128xf32>
    %div3A_45 = arith.divf %broadcast_in_dim3A_42, %div3A_44 : vector<1x128xf32>
    %sub3A_46 = vector.broadcast %div3A_38 : vector<1x128xf32> to vector<10000x128xf32>
    %sub3A_47 = arith.subf %add3A_35, %sub3A_46 : vector<10000x128xf32>
    %add3A_48 = arith.constant 9.99999974E-6 : f32
    %add3A_49 = vector.broadcast %add3A_48 : f32 to vector<1x128xf32>
    %add3A_50 = arith.addf %div3A_45, %add3A_49 : vector<1x128xf32>
    %rsqrt3A = math.rsqrt %add3A_50 : vector<1x128xf32>
    %mul3A = vector.broadcast %rsqrt3A : vector<1x128xf32> to vector<10000x128xf32>
    %mul3A_51 = arith.mulf %sub3A_47, %mul3A : vector<10000x128xf32>
    %get3A_52 = arith.constant 0 : index
    %get3A_53 = arith.constant 0 : index
    %get3A_54 = vector.load %arg7[%get3A_52, %get3A_53] : memref<1x128xf32, #tpu.memory_space<vmem>>, vector<1x128xf32>
    %mul3A_55 = vector.broadcast %get3A_54 : vector<1x128xf32> to vector<10000x128xf32>
    %mul3A_56 = arith.mulf %mul3A_55, %mul3A_51 : vector<10000x128xf32>
    %get3A_57 = arith.constant 0 : index
    %get3A_58 = arith.constant 0 : index
    %get3A_59 = vector.load %arg8[%get3A_57, %get3A_58] : memref<1x128xf32, #tpu.memory_space<vmem>>, vector<1x128xf32>
    %add3A_60 = vector.broadcast %get3A_59 : vector<1x128xf32> to vector<10000x128xf32>
    %add3A_61 = arith.addf %mul3A_56, %add3A_60 : vector<10000x128xf32>
    %ge3A = arith.constant 0.000000e+00 : f32
    %ge3A_62 = vector.broadcast %ge3A : f32 to vector<10000x128xf32>
    %ge3A_63 = arith.cmpf oge, %add3A_61, %ge3A_62 : vector<10000x128xf32>
    %mul3A_64 = arith.constant 0.00999999977 : f32
    %mul3A_65 = vector.broadcast %mul3A_64 : f32 to vector<10000x128xf32>
    %mul3A_66 = arith.mulf %mul3A_65, %add3A_61 : vector<10000x128xf32>
    %select_n3A = arith.select %ge3A_63, %add3A_61, %mul3A_66 : vector<10000x128xi1>, vector<10000x128xf32>
    %add3A_67 = arith.addf %get3A_1, %select_n3A : vector<10000x128xf32>
    %swap3A = arith.constant 0 : index
    %swap3A_68 = arith.constant 0 : index
    %swap3A_69 = vector.load %arg9[%swap3A, %swap3A_68] : memref<10000x128xf32, #tpu.memory_space<vmem>>, vector<10000x128xf32>
    tpu.vector_store %arg9[%swap3A, %swap3A_68], %add3A_67 {strides = array<i32>} : memref<10000x128xf32, #tpu.memory_space<vmem>>, vector<10000x128xf32>,
    return
  }
}

</mosaic_0001>

<sc_bundles>
// kernel: kernel.6.cloned.1.call-start
scs
__scs_entry_jumppad:
0x0: {  	(pc) =	sbr.rel $0x88, $3  }
0x1: {  	(tag) =	ssettag $0x0;
	lr =	simm.s32 $0x1  }
0x2: {  	[smem:$0x3F98] =	sst lr;
	_ =	strace $0xD0000000  }
0x3: {  	_ = 	snop  }
0x4: {  	_ = 	snop  }
0x5: {  	_ = 	snop  }
0x6: {  	_ = 	snop  }
0x7: {  	_ = 	snop  }
__scs_overlays_trampoline_lowered:
0x8: {  	[smem:$0x3FA7] =	sst s0  }
0x9: {  	[smem:$0x3FA8] =	sst s1  }
0xa: {  	[smem:$0x3FA9] =	sst s2  }
0xb: {  	[smem:$0x3FAA] =	sst s3  }
0xc: {  	[smem:$0x3FAB] =	sst s4  }
0xd: {  	[smem:$0x3FAC] =	sst s5  }
0xe: {  	[smem:$0x3FAD] =	sst s6  }
0xf: {  	[smem:$0x3FAE] =	sst s7  }
0x10: {  	[smem:$0x3FAF] =	sst s8  }
0x11: {  	[smem:$0x3FB0] =	sst s9;
	s0 =	simm.s32 @!p0 $0x0  }
0x12: {  	s1 =	sld [smem:$0x3F96];
	s0 =	simm.s32 @p0 $0x1  }
0x13: {  	[smem:$0x3FB1] =	sst s0;
	s0 =	simm.s32 @!p1 $0x0  }
0x14: {  	s2 =	sld [smem:$0x3F95];
	s0 =	simm.s32 @p1 $0x1  }
0x15: {  	[smem:$0x3FB2] =	sst s0;
	s0 =	simm.s32 @!p2 $0x0  }
0x16: {  	s3 =	sld [smem:$0x3FDB];
	s0 =	simm.s32 @p2 $0x1  }
0x17: {  	s4 =	simm.s32 $0x1BF5;
	[smem:$0x3FB4] =	sst s0  }
0x18: {  	s0 =	sld [smem:$0x3F97];
	_ =	swait.ge [sflag:s4], $0x0  }
0x19: {  	s7 =	sld [smem:$0x3F98]  }
0x1a: {  	s8 =	sadd.s32 $0xFFFFE003, lr  }
0x1b: {  	s9 =	sadd.s32 $0xFFFFFEF7, lr;
	s5 =	simm.s32 $0xFFFFFFFF;
	p2 =	slt.u32 s8, $0xFFFFF086  }
0x1c: {  	p1 =	slt.u32 s9, $0xF7A;
	s5 =	simm.s32 @!p2 $0x0  }
0x1d: {  	s5 =	simm.s32 @p1 $0x1;
	p0 =	seq.s32 s7, s2  }
0x1e: {  	s7 =	smul.u32 @!p0 $0xF7A, s2;
	p2 =	seq.s32 @!p0 s5, $0x0  }
0x1f: {  	s9 =	smul.u32 $0xF7A, s1;
	s8 =	simm.s32 @!p0 $0x1BF5;
	p2 =	por !p2, p0  }
0x20: {  	[sflag:s8] =	ssyncset.s32 @!p0 $0xFFFFF086;
	s6 =	sadd.s32 @!p0 s3, s7;
	s7 =	simm.s32 @!p0 $0x108  }
0x21: {  	s3 =	sadd.s32 s3, s9;
	s6 =	sadd.s32 @!p0 $0x88, s6;
	s7 =	simm.s32 @p2 $0x1082  }
0x22: {  	[simem:s7], [sflag:s8] =	dma.local @!p0 [hbm:s6], $0xF7A  }
0x23: {  	s9 =	sor.u32 $0xD0000000, s2;
	s6 =	simm.s32 $0x108;
	_ =	swait.ge @!p0 [sflag:s8], $0x0  }
0x24: {  	s3 =	sadd.s32 $0x88, s3;
	s6 =	simm.s32 @!p1 $0x1082;
	[sflag:s4] =	ssyncset.s32 $0xFFFFF086  }
0x25: {  	[simem:s6], [sflag:s4] =	dma.local [hbm:s3], $0xF7A  }
0x26: {  	[smem:$0x3F98] =	sst s1;
	(tag) =	ssettag s2;
	_ =	strace s9  }
0x27: {  	s1 =	sld [smem:$0x3FA8]  }
0x28: {  	s2 =	sld [smem:$0x3FA9]  }
0x29: {  	s4 =	sld [smem:$0x3FAB]  }
0x2a: {  	p0 =	seq.s32 s5, $0x0;
	s5 =	sld [smem:$0x3FAC]  }
0x2b: {  	s6 =	sld [smem:$0x3FAD]  }
0x2c: {  	s7 =	sld [smem:$0x3FAE]  }
0x2d: {  	s3 =	simm.s32 $0x108;
	s8 =	sld [smem:$0x3FAF]  }
0x2e: {  	s3 =	simm.s32 @!p0 $0x1082;
	s9 =	sld [smem:$0x3FB0]  }
0x2f: {  	lr =	sadd.s32 s0, s3;
	s0 =	sld [smem:$0x3FA7]  }
0x30: {  	s3 =	sld [smem:$0x3FAA]  }
0x31: {  	[smem:$0x3FB3] =	sst s10  }
0x32: {  	s10 =	sld [smem:$0x3FB1];
	_ =	sdelay $0x3  }
0x33: {  	p0 =	seq.s32 s10, $0x1;
	s10 =	sld [smem:$0x3FB3];
	_ =	sdelay $0x3  }
0x34: {  	[smem:$0x3FB3] =	sst s10  }
0x35: {  	s10 =	sld [smem:$0x3FB2];
	_ =	sdelay $0x3  }
0x36: {  	p1 =	seq.s32 s10, $0x1;
	s10 =	sld [smem:$0x3FB3];
	_ =	sdelay $0x3  }
0x37: {  	[smem:$0x3FB3] =	sst s10  }
0x38: {  	s10 =	sld [smem:$0x3FB4]  }
0x39: {  	_ = 	snop;
	(pc) =	sbr.ind lr, $3  }
0x3a: {  	_ = 	snop  }
0x3b: {  	_ = 	snop  }
0x3c: {  	p2 =	seq.s32 s10, $0x1;
	s10 =	sld [smem:$0x3FB3]  }
0x3d: {  	_ =	shalt  }
0x3e: {  	_ =	shalt  }
0x3f: {  	_ =	shalt  }
0x40: {  	_ =	shalt  }
0x41: {  	_ =	shalt  }
0x42: {  	_ =	shalt  }
0x43: {  	_ =	shalt  }
0x44: {  	_ =	shalt  }
0x45: {  	_ =	shalt  }
0x46: {  	_ =	shalt  }
0x47: {  	_ =	shalt  }
0x48: {  	_ =	shalt  }
0x49: {  	_ =	shalt  }
0x4a: {  	_ =	shalt  }
0x4b: {  	_ =	shalt  }
0x4c: {  	_ =	shalt  }
0x4d: {  	_ =	shalt  }
0x4e: {  	_ =	shalt  }
0x4f: {  	_ =	shalt  }
0x50: {  	_ =	shalt  }
0x51: {  	_ =	shalt  }
0x52: {  	_ =	shalt  }
0x53: {  	_ =	shalt  }
0x54: {  	_ =	shalt  }
0x55: {  	_ =	shalt  }
0x56: {  	_ =	shalt  }
0x57: {  	_ =	shalt  }
0x58: {  	_ =	shalt  }
0x59: {  	_ =	shalt  }
0x5a: {  	_ =	shalt  }
0x5b: {  	_ =	shalt  }
0x5c: {  	_ =	shalt  }
0x5d: {  	_ =	shalt  }
0x5e: {  	_ =	shalt  }
0x5f: {  	_ =	shalt  }
0x60: {  	_ =	shalt  }
0x61: {  	_ =	shalt  }
0x62: {  	_ =	shalt  }
0x63: {  	_ =	shalt  }
0x64: {  	_ =	shalt  }
0x65: {  	_ =	shalt  }
0x66: {  	_ =	shalt  }
0x67: {  	_ =	shalt  }
0x68: {  	_ =	shalt  }
0x69: {  	_ =	shalt  }
0x6a: {  	_ =	shalt  }
0x6b: {  	_ =	shalt  }
0x6c: {  	_ =	shalt  }
0x6d: {  	_ =	shalt  }
0x6e: {  	_ =	shalt  }
0x6f: {  	_ =	shalt  }
0x70: {  	_ =	shalt  }
0x71: {  	_ =	shalt  }
0x72: {  	_ =	shalt  }
0x73: {  	_ =	shalt  }
0x74: {  	_ =	shalt  }
0x75: {  	_ =	shalt  }
0x76: {  	_ =	shalt  }
0x77: {  	_ =	shalt  }
0x78: {  	_ =	shalt  }
0x79: {  	_ =	shalt  }
0x7a: {  	_ =	shalt  }
0x7b: {  	_ =	shalt  }
0x7c: {  	_ =	shalt  }
0x7d: {  	_ =	shalt  }
0x7e: {  	_ =	shalt  }
0x7f: {  	_ =	shalt  }
0x80: {  	_ =	shalt  }
0x81: {  	_ =	shalt  }
0x82: {  	_ =	shalt  }
0x83: {  	_ =	shalt  }
0x84: {  	_ =	shalt  }
0x85: {  	_ =	shalt  }
0x86: {  	_ =	shalt  }
0x87: {  	_ =	shalt  }
.Lfunc_end0:
.L_simem_size_0:
called_computation_lowered:
.L_overlay_start_0:
0x88: {  	s2 =	sld [smem:$0x3FD9]  }
0x89: {  	s3 =	sld [smem:$0x3FFE];
	_ =	sdelay $0x1  }
0x8a: {  	s1 =	srdreg.scid  }
0x8b: {  	s0 =	sand.u32 $0x1, s1  }
0x8c: {  	s17 =	sshll.u32 s0, $0xA;
	s2 =	sadd.s32 s3, s2  }
0x8d: {  	s2 =	sadd.s32 s2, s17  }
0x8e: {  	[smem:$0x3FBF] =	sst s2  }
0x8f: {  	_ = 	snop  }
0x90: {  	s2 =	sld [smem:$0x3FD0];
	(tm) =	ssettm $0x1  }
0x91: {  	s18 =	sld [smem:$0x3FFB];
	_ =	sdelay $0x3  }
0x92: {  	_ =	strace s18  }
0x93: {  	s3 =	sld [smem:$0x3FFC];
	_ =	sdelay $0x3  }
0x94: {  	_ =	strace s3  }
0x95: {  	s3 =	sld [smem:$0x3FFD];
	_ =	sdelay $0x3  }
0x96: {  	_ =	strace s3  }
0x97: {  	_ =	strace $0x8FFFFFFF  }
0x98: {  	s19 =	sld [smem:$0x3FDB];
	_ =	sdelay $0x1  }
0x99: {  	s4 =	simm.s32 $_scs_section_size  }
0x9a: {  	s5 =	simm.s32 $_size__tile_overlayer_lowered;
	s6 =	simm.s32 $_tile_overlayer_lowered  }
0x9b: {  	s22 =	simm.s32 $0x1BFF;
	s21 =	sshll.u32 s6, $0x1;
	s3 =	sadd.s32 s4, s19  }
0x9c: {  	s7 =	simm.s32 $0x0;
	s20 =	sshll.u32 s5, $0x1;
	s5 =	sadd.s32 s21, s3  }
0x9d: {  	[timem:s7], [sflag:s22] =	dma.local [hbm:s5], s20  }
0x9e: {  	_ =	swait.ge [sflag:s22], s20  }
0x9f: {  	s4 =	ssub.s32 $0x0, s20;
	[sflag:s22] =	ssyncset.done $0x0  }
0xa0: {  	[sflag:s22] =	ssyncadd.s32 s4;
	_ =	sdelay $0x1  }
0xa1: {  	s23 =	simm.s32 $0x1B8B  }
0xa2: {  	_ =	swait.ge [sflag:s23], $0x1  }
0xa3: {  	[sflag:s23] =	ssyncset.done $0x0  }
0xa4: {  	s25 =	simm.s32 $0x1B8E;
	s24 =	sld [smem:$0x3FFE];
	[sflag:s23] =	ssyncadd.s32 $0xFFFFFFFF  }
0xa5: {  	s26 =	simm.s32 $execute0_lowered;
	[smem:$0x3FD2] =	sst s25  }
0xa6: {  	s5 =	sshll.u32 s26, $0x1;
	_ =	strace $0x80000046;
	[dreg:$0x1] =	wrdreg $0xFFFFFFFF  }
0xa7: {  	s28 =	simm.s32 $_size_execute0_lowered;
	s3 =	sadd.s32 s3, s5;
	[dreg:$0x0] =	wrdreg $0x0  }
0xa8: {  	s5 =	sshll.u32 s28, $0x1;
	[dreg:$0x2] =	wrdreg s3  }
0xa9: {  	[dreg:$0x3] =	wrdreg s5  }
0xaa: {  	[dreg:$0x4] =	wrdreg $0xC0  }
0xab: {  	_ =	task [dreg:s7], $0x5FFFF  }
0xac: {  	[dreg:$0x1] =	wrdreg $0xFFFFFFFF  }
0xad: {  	[dreg:$0x0] =	wrdreg $0x60  }
0xae: {  	[dreg:$0x2] =	wrdreg s2  }
0xaf: {  	[dreg:$0x3] =	wrdreg s24  }
0xb0: {  	[dreg:$0x4] =	wrdreg $0x0  }
0xb1: {  	[dreg:$0x5] =	wrdreg $0x9  }
0xb2: {  	_ =	task.clear_ibuf [dreg:s7], $0x6FFFF;
	_ =	strace $0x90000046  }
0xb3: {  	s29 =	simm.s32 $0x9;
	_ =	strace $0x80000048  }
0xb4: {  	_ =	swait.ge [sflag:s29], $0x1  }
0xb5: {  	[sflag:s29] =	ssyncadd.s32 $0xFFFFFFFF  }
0xb6: {  	_ =	strace $0x90000048  }
0xb7: {  	_ =	sfence  }
0xb8: {  	s30 =	sld [smem:$0x0];
	_ =	sdelay $0x2  }
0xb9: {  	s31 =	sshll.u32 s1, $0xD;
	s1 =	sshrl.u32 s1, $0x2  }
0xba: {  	s3 =	sand.u32 $0x4000, s31;
	s1 =	sadd.s32 s1, s30  }
0xbb: {  	s0 =	sor.u32 s3, s0;
	s1 =	sshll.u32 s1, $0x11  }
0xbc: {  	s0 =	sor.u32 s1, s0  }
0xbd: {  	s0 =	sadd.s32 $0x8F2B, s0  }
0xbe: {  	[sflag:s0] =	ssyncadd.remote.s32 $0x1  }
0xbf: {  	_ =	sfence.sel $0xFFFF  }
0xc0: {  	[dreg:$0x0] =	wrdreg $0xFFFFFFFF;
	(pc) =	sbr.abs _section_cstart, $3  }
0xc1: {  	[dreg:$0x1] =	wrdreg $0xFFFFFFFF  }
0xc2: {  	_ =	task.clear_ibuf [dreg:s7], $0x2FFFF;
	_ =	strace $0x9FFFFFFF  }
0xc3: {  	(tm) =	ssettm $0x7FFFFFFF  }
tec
execute0_lowered:
.L_overlay_start_1:
0x0: {  	(tag) =	ssettag $0x1  }
0x1: {  	s0 =	rddreg [dreg:$0x0]  }
0x2: {  	s1 =	srdreg.scid;
	s2 =	rddreg [dreg:$0x1]  }
0x3: {  	s3 =	rddreg [dreg:$0x2];
	s7 =	stileid.u32;
	s10 =	simm.s32 $0x0  }
0x4: {  	s12 =	simm.s32 $0x5;
	s13 =	simm.s32 $0x13C00;
	s15 =	simm.s32 $0x15000  }
0x5: {  	s16 =	simm.s32 $0x40;
	s19 =	simm.s32 $0x16A00;
	s20 =	simm.s32 $0x1  }
0x6: {  	s21 =	simm.s32 $0x17A00;
	s22 =	simm.s32 $0x2;
	s25 =	simm.s32 $0x19A00  }
0x7: {  	s28 =	simm.s32 $0x4;
	s1 =	sand.u32 $0x1, s1;
	[smem:$0x7FF] =	sst s10  }
0x8: {  	s6 =	smul.u32 $0x13C00, s7;
	s8 =	sadd.s32 $0x1F200, s2;
	s4 =	sshll.u32 s1, $0x4  }
0x9: {  	_ =	strace $0x80000047;
	s5 =	smul.u32 $0x27800, s1;
	s1 =	ssub.s32 $0x2, s1  }
0xa: {  	[dreg:$0x5] =	wrdreg s8;
	s4 =	sor.u32 s7, s4;
	s26 =	sshrl.u32 s1, $0x1  }
0xb: {  	s29 =	sadd.s32 s6, s3;
	s7 =	sshll.u32 s7, $0x6;
	s30 =	sshrl.u32 s6, $0x3  }
0xc: {  	s4 =	smul.u32 $0x500, s4;
	s1 =	ssub.s32 s1, s26;
	s11 =	sor.u32 $0x1C05, s7  }
.Ltmp0:
0xd: {  	s26 =	simm.s32 $0x3;
	s1 =	smax.u32 s1, $0x1;
	(pc) =	sbr.rel .LBB2_1-.Ltmp0, $4  }
0xe: {  	[dreg:$0x6] =	wrdreg s11;
	s4 =	sadd.s32 s4, s2;
	s2 =	sadd.s32 s5, s2  }
0xf: {  	[dreg:$0x7] =	wrdreg s1;
	s5 =	sshrl.u32 s29, $0x3;
	s2 =	sadd.s32 $0x21A00, s2  }
0x10: {  	s7 =	sadd.s32 $0x15200, s4;
	[dreg:$0x8] =	wrdreg s5;
	s31 =	sadd.s32 s30, s2  }
0x11: {  	s8 =	sadd.s32 $0xB200, s4;
	s9 =	sadd.s32 $0x1200, s4;
	[dreg:$0x9] =	wrdreg s31  }
.LBB2_10:
0x12: {  	[bflag:$0x0] =	sbarrier.arrive $0xFFFF  }
0x13: {  	s11 =	rddreg [dreg:$0x6]  }
0x14: {  	s5 =	rddreg [dreg:$0x8]  }
0x15: {  	s1 =	rddreg [dreg:$0x9]  }
0x16: {  	[hbm:s1], [sflag:s11] =	dma.local [spmem:s5], $0x2780  }
0x17: {  	_ =	swait.ge [sflag:s12], $0x2780  }
0x18: {  	s10 =	rddreg [dreg:$0x4]  }
0x19: {  	s31 =	rddreg [dreg:$0x7];
	s10 =	sadd.s32 $0x1, s10  }
0x1a: {  	p0 =	sne.s32 s10, s31  }
.Ltmp1:
0x1b: {  	_ = 	snop;
	(pc) =	sbr.rel @!p0 .LBB2_11-.Ltmp1, $3  }
0x1c: {  	_ =	sdelay $0x1  }
0x1d: {  	[sflag:s12] =	ssyncset.done $0x0  }
0x1e: {  	[sflag:s12] =	ssyncadd.s32 $0xFFFFD880  }
.LBB2_1:
0x1f: {  	[dreg:$0x4] =	wrdreg s10  }
0x20: {  	s1 =	rddreg [dreg:$0x5]  }
0x21: {  	[spmem:s5], [sflag:s11] =	dma.local [hbm:s1], $0x2780  }
.Ltmp2:
0x22: {  	_ =	swait.ge [sflag:s12], $0x2780;
	(pc) =	sbr.rel .LBB2_2-.Ltmp2, $4  }
0x23: {  	[sflag:s12] =	ssyncset.done $0x0  }
0x24: {  	[sflag:s12] =	ssyncadd.s32 $0xFFFFD880  }
0x25: {  	[bflag:$0x0] =	sbarrier.arrive $0xFFFF  }
0x26: {  	s29 =	simm.s32 $0x0  }
.LBB2_9:
0x27: {  	s1 =	simm.s32 $0x14FC0;
	s29 =	sadd.s32 $0x1, s29  }
0x28: {  	[spmem:s3] =	stream.indirect.scatter.add.f32 [tilespmem:s25], [sflag:$0x4], $0x80, s1, s16, $0xb8;
	[tilespmem:$0x1BA00] =	vst v63  }
0x29: {  	p0 =	sne.s32 s29, $0x4;
	_ =	swait.ge [sflag:s26], $0x2000  }
.Ltmp3:
0x2a: {  	[sflag:s26] =	ssyncset.done $0x0;
	(pc) =	sbr.rel @!p0 .LBB2_10-.Ltmp3, $4  }
0x2b: {  	[sflag:s26] =	ssyncadd.s32 $0xFFFFE000  }
0x2c: {  	_ =	swait.ge [sflag:s28], $0x2000  }
0x2d: {  	[sflag:s28] =	ssyncset.done $0x0  }
0x2e: {  	[sflag:s28] =	ssyncadd.s32 $0xFFFFE000  }
.LBB2_2:
0x2f: {  	s1 =	smul.u32 $0x140, s29;
	_ =	sdelay $0x1  }
0x30: {  	s30 =	simm.s32 $0x0;
	s2 =	sadd.s32 s1, s7  }
0x31: {  	[tilespmem:s13], [sflag:$0x5] =	stream.linear.gather [hbm4b:s2+s30], $0xA00, $0x38;
	[tilespmem:$0x1BA00] =	vst v63  }
0x32: {  	_ =	swait.ge [sflag:s12], $0xA00  }
0x33: {  	[sflag:s12] =	ssyncset.done $0x0  }
0x34: {  	s4 =	simm.s32 $0x14600;
	s18 =	sadd.s32 s1, s8;
	[sflag:s12] =	ssyncadd.s32 $0xFFFFF600  }
0x35: {  	[tilespmem:s4], [sflag:$0x5] =	stream.linear.gather [hbm4b:s18+s30], $0xA00, $0x38;
	[tilespmem:$0x1BA00] =	vst v63  }
0x36: {  	_ =	swait.ge [sflag:s12], $0xA00  }
0x37: {  	[sflag:s12] =	ssyncset.done $0x0  }
0x38: {  	s1 =	sadd.s32 s1, s9;
	[sflag:s12] =	ssyncadd.s32 $0xFFFFF600  }
0x39: {  	[tilespmem:s15], [sflag:$0x5] =	stream.linear.gather [hbm4b:s1+s30], $0xA00, $0x38;
	[tilespmem:$0x1BA00] =	vst v63  }
0x3a: {  	_ =	swait.ge [sflag:s12], $0xA00  }
0x3b: {  	[sflag:s12] =	ssyncset.done $0x0  }
0x3c: {  	s23 =	simm.s32 $0x15A00;
	[sflag:s12] =	ssyncadd.s32 $0xFFFFF600  }
0x3d: {  	[tilespmem:s23], [sflag:$0x1] =	stream.indirect.gather [hbm4b:s0+s16], $0x40, s13, s16, $0xb8;
	[tilespmem:$0x1BA00] =	vst v63  }
0x3e: {  	s24 =	simm.s32 $0x13C40;
	s31 =	simm.s32 $0x0  }
0x3f: {  	[tilespmem:s19], [sflag:$0x2] =	stream.indirect.gather [hbm4b:s0+s16], $0x40, s24, s16, $0xb8;
	[tilespmem:$0x1BA00] =	vst v63  }
.LBB2_3:
0x40: {  	s4 =	sadd.s32 $0xFFFFFFFC, s30  }
0x41: {  	s1 =	sadd.s32 $0x6, s4  }
0x42: {  	v0 =	vmov s1  }
0x43: {  	v0 =	vand.u32 $0xFFFFFFFE, v0  }
0x44: {  	v0 =	vbroadcast v0, $0x0;
	_ =	sdelay $0x1  }
0x45: {  	_ =	swait.ge [sflag:s20], $0x1000;
	s17 =	sadd.s32 $0x4, s4  }
0x46: {  	[sflag:s20] =	ssyncset.done $0x0;
	v1 =	vmov s17  }
0x47: {  	s2 =	simm.s32 $0x15A80;
	[sflag:s20] =	ssyncadd.s32 $0xFFFFF000;
	v1 =	vand.u32 $0xFFFFFFFC, v1  }
0x48: {  	s18 =	sadd.s32 $0x5, s4;
	v2 =	vld [tilespmem:s2+$0x0];
	v1 =	vbroadcast v1, $0x0  }
0x49: {  	v3 =	vmov s18;
	v7 =	vld.idx.msk [tilespmem:v0+s15+$0x0], $0xffff  }
0x4a: {  	v0 =	vand.u32 $0xFFFFFFFD, v3  }
0x4b: {  	v0 =	vbroadcast v0, $0x0;
	_ =	sdelay $0x1  }
0x4c: {  	v4 =	vld [tilespmem:s2+$0xFFFFFF80];
	v3 =	vshll.u32 v2, $0x10  }
0x4d: {  	v2 =	vand.u32 $0xFFFF0000, v2;
	v5 =	vld.idx.msk [tilespmem:v1+s15+$0x0], $0xffff;
	v3 =	vmul.f32 v3, v7  }
0x4e: {  	s1 =	simm.s32 $0x17B00;
	v1 =	vmul.f32 v2, v7  }
0x4f: {  	s4 =	sadd.s32 $0x7, s4;
	v2 =	vld [tilespmem:s2+$0xFFFFFFC0];
	[tilespmem:s1+$0x0] =	vst v3  }
0x50: {  	v6 =	vld.idx.msk [tilespmem:v0+s15+$0x0], $0xffff;
	[tilespmem:s1+$0x40] =	vst v1;
	v0 =	vmov s4  }
0x51: {  	v3 =	vshll.u32 v4, $0x10;
	v1 =	vld [tilespmem:s2+$0x10]  }
0x52: {  	v4 =	vand.u32 $0xFFFF0000, v4;
	v3 =	vmul.f32 v3, v5  }
0x53: {  	v4 =	vmul.f32 v4, v5  }
0x54: {  	v9 =	vld [tilespmem:s2+$0x40];
	v8 =	vshll.u32 v2, $0x10;
	[tilespmem:s1+$0xFFFFFF00] =	vst v3  }
0x55: {  	v2 =	vand.u32 $0xFFFF0000, v2;
	[tilespmem:s1+$0xFFFFFF40] =	vst v4;
	v8 =	vmul.f32 v8, v6;
	v0 =	vld.idx.msk [tilespmem:v0+s15+$0x0], $0xffff  }
0x56: {  	v4 =	vld [tilespmem:s2+$0xFFFFFF90];
	v2 =	vmul.f32 v2, v6;
	v3 =	vshll.u32 v1, $0x10  }
0x57: {  	v1 =	vand.u32 $0xFFFF0000, v1;
	[tilespmem:s1+$0xFFFFFF80] =	vst v8;
	v3 =	vmul.f32 v3, v7  }
0x58: {  	[tilespmem:s1+$0xFFFFFFC0] =	vst v2;
	v1 =	vmul.f32 v1, v7  }
0x59: {  	v2 =	vld [tilespmem:s2+$0xFFFFFFD0];
	[tilespmem:s1+$0x10] =	vst v3;
	v3 =	vshll.u32 v9, $0x10  }
0x5a: {  	[tilespmem:s1+$0x50] =	vst v1;
	v1 =	vand.u32 $0xFFFF0000, v9;
	v3 =	vmul.f32 v3, v0  }
0x5b: {  	v9 =	vshll.u32 v4, $0x10;
	v8 =	vld [tilespmem:s2+$0x20];
	v1 =	vmul.f32 v1, v0  }
0x5c: {  	s23 =	sadd.s32 $0x0, s30;
	[tilespmem:s1+$0x80] =	vst v3;
	v3 =	vand.u32 $0xFFFF0000, v4;
	v4 =	vmul.f32 v9, v5  }
0x5d: {  	s5 =	sadd.s32 $0x6, s23;
	[tilespmem:s1+$0xC0] =	vst v1;
	v1 =	vmul.f32 v3, v5  }
0x5e: {  	v3 =	vshll.u32 v2, $0x10;
	[tilespmem:s1+$0xFFFFFF10] =	vst v4;
	v4 =	vmov s5  }
0x5f: {  	v2 =	vand.u32 $0xFFFF0000, v2;
	v9 =	vld [tilespmem:s2+$0x50];
	v3 =	vmul.f32 v3, v6;
	[tilespmem:s1+$0xFFFFFF50] =	vst v1;
	v1 =	vand.u32 $0xFFFFFFFE, v4  }
0x60: {  	v2 =	vmul.f32 v2, v6;
	v4 =	vshll.u32 v8, $0x10;
	v1 =	vbroadcast v1, $0x0  }
0x61: {  	s24 =	sadd.s32 $0x4, s23;
	[tilespmem:s1+$0xFFFFFF90] =	vst v3;
	v3 =	vand.u32 $0xFFFF0000, v8;
	v4 =	vmul.f32 v4, v7;
	v8 =	vld [tilespmem:s2+$0xFFFFFFA0]  }
0x62: {  	s6 =	sadd.s32 $0x5, s23;
	[tilespmem:s1+$0xFFFFFFD0] =	vst v2;
	v2 =	vmul.f32 v3, v7;
	v3 =	vmov s24  }
0x63: {  	s5 =	simm.s32 $0x15B80;
	v10 =	vld [tilespmem:s2+$0xFFFFFFE0];
	[tilespmem:s1+$0x20] =	vst v4;
	v4 =	vmov s6;
	v3 =	vand.u32 $0xFFFFFFFC, v3  }
0x64: {  	v13 =	vld [tilespmem:s5+$0x0];
	[tilespmem:s1+$0x60] =	vst v2;
	v2 =	vshll.u32 v9, $0x10;
	v11 =	vbroadcast v3, $0x0;
	v3 =	vand.u32 $0xFFFFFFFD, v4  }
0x65: {  	v16 =	vld [tilespmem:s5+$0xFFFFFFC0];
	v4 =	vand.u32 $0xFFFF0000, v9;
	v9 =	vbroadcast v3, $0x0;
	v2 =	vmul.f32 v2, v0  }
0x66: {  	s4 =	sadd.s32 $0x7, s23;
	v4 =	vmul.f32 v4, v0;
	v14 =	vshll.u32 v8, $0x10;
	v3 =	vld.idx.msk [tilespmem:v1+s15+$0x0], $0xffff  }
0x67: {  	v15 =	vmov s4;
	v12 =	vld [tilespmem:s2+$0x30];
	v1 =	vand.u32 $0xFFFF0000, v8;
	[tilespmem:s1+$0x90] =	vst v2;
	v2 =	vmul.f32 v14, v5  }
0x68: {  	v8 =	vld [tilespmem:s5+$0xFFFFFF80];
	v14 =	vshll.u32 v10, $0x10;
	[tilespmem:s1+$0xD0] =	vst v4;
	v1 =	vmul.f32 v1, v5  }
0x69: {  	v4 =	vand.u32 $0xFFFF0000, v10;
	v10 =	vmul.f32 v14, v6;
	v14 =	vld [tilespmem:s5+$0x40];
	[tilespmem:s1+$0xFFFFFF20] =	vst v2  }
0x6a: {  	v4 =	vmul.f32 v4, v6;
	[tilespmem:s1+$0xFFFFFF60] =	vst v1;
	v2 =	vld.idx.msk [tilespmem:v11+s15+$0x0], $0xffff;
	v11 =	vshll.u32 v13, $0x10  }
0x6b: {  	[tilespmem:s1+$0xFFFFFFA0] =	vst v10;
	v1 =	vld.idx.msk [tilespmem:v9+s15+$0x0], $0xffff;
	v9 =	vand.u32 $0xFFFF0000, v13;
	v10 =	vmul.f32 v11, v3  }
0x6c: {  	s10 =	simm.s32 $0x17D00;
	[tilespmem:s1+$0xFFFFFFE0] =	vst v4;
	v4 =	vld.idx.msk [tilespmem:v15+s15+$0x0], $0xffff;
	v11 =	vand.u32 $0xFFFF0000, v12;
	v9 =	vmul.f32 v9, v3  }
0x6d: {  	v13 =	vld [tilespmem:s2+$0x60];
	v12 =	vshll.u32 v12, $0x10;
	v11 =	vmul.f32 v11, v7;
	[tilespmem:s10+$0x0] =	vst v10  }
0x6e: {  	v7 =	vmul.f32 v12, v7;
	v12 =	vld [tilespmem:s2+$0xFFFFFFB0];
	v10 =	vshll.u32 v8, $0x10;
	[tilespmem:s10+$0x40] =	vst v9  }
0x6f: {  	v8 =	vand.u32 $0xFFFF0000, v8;
	[tilespmem:s1+$0x70] =	vst v11;
	v9 =	vmul.f32 v10, v2;
	v10 =	vld [tilespmem:s5+$0x10];
	v11 =	vshll.u32 v16, $0x10  }
0x70: {  	[tilespmem:s1+$0x30] =	vst v7;
	v7 =	vmul.f32 v8, v2;
	v8 =	vand.u32 $0xFFFF0000, v16;
	v11 =	vmul.f32 v11, v1  }
0x71: {  	v15 =	vld [tilespmem:s2+$0xFFFFFFF0];
	v8 =	vmul.f32 v8, v1;
	[tilespmem:s10+$0xFFFFFF00] =	vst v9;
	v9 =	vshll.u32 v14, $0x10;
	v14 =	vand.u32 $0xFFFF0000, v14  }
0x72: {  	[tilespmem:s10+$0xFFFFFF40] =	vst v7;
	v7 =	vmul.f32 v9, v4;
	v9 =	vmul.f32 v14, v4  }
0x73: {  	v14 =	vshll.u32 v13, $0x10;
	v63 =	vld [tilespmem:s5+$0xFFFFFF90];
	[tilespmem:s10+$0xFFFFFF80] =	vst v11;
	v11 =	vshll.u32 v12, $0x10;
	v13 =	vand.u32 $0xFFFF0000, v13  }
0x74: {  	[tilespmem:s10+$0xFFFFFFC0] =	vst v8;
	v14 =	vmul.f32 v14, v0;
	v8 =	vshll.u32 v10, $0x10;
	v10 =	vand.u32 $0xFFFF0000, v10  }
0x75: {  	v17 =	vld [tilespmem:s5+$0xFFFFFFD0];
	v19 =	vmul.f32 v13, v0;
	[tilespmem:s10+$0x80] =	vst v7;
	v7 =	vand.u32 $0xFFFF0000, v12;
	v10 =	vmul.f32 v10, v3  }
0x76: {  	v12 =	vshll.u32 v15, $0x10;
	[tilespmem:s10+$0xC0] =	vst v9;
	v18 =	vmul.f32 v8, v3;
	v8 =	vmul.f32 v11, v5  }
0x77: {  	v11 =	vand.u32 $0xFFFF0000, v15;
	v9 =	vmul.f32 v7, v5;
	v7 =	vmul.f32 v12, v6;
	[tilespmem:s10+$0x50] =	vst v10;
	v10 =	vld [tilespmem:s5+$0x50]  }
0x78: {  	v5 =	vmul.f32 v11, v6;
	[tilespmem:s10+$0x10] =	vst v18;
	v12 =	vshll.u32 v63, $0x10;
	v6 =	vand.u32 $0xFFFF0000, v63  }
0x79: {  	[tilespmem:s1+$0xA0] =	vst v14;
	v12 =	vmul.f32 v12, v2;
	v11 =	vmul.f32 v6, v2;
	v6 =	vld [tilespmem:s5+$0x20]  }
0x7a: {  	s11 =	simm.s32 $0x4;
	s6 =	simm.s32 $0x17D00;
	[tilespmem:s1+$0xE0] =	vst v19;
	v13 =	vshll.u32 v17, $0x10;
	v14 =	vand.u32 $0xFFFF0000, v17  }
.LBB2_4:
0x7b: {  	s4 =	sadd.s32 s11, s30;
	[tilespmem:s10+$0xFFFFFF10] =	vst v12;
	v12 =	vmul.f32 v13, v1;
	v13 =	vmul.f32 v14, v1;
	v14 =	vld [tilespmem:s2+$0x70];
	s2 =	smov.u32 s5  }
0x7c: {  	s24 =	sadd.s32 $0x4, s4;
	s14 =	sadd.s32 $0x5, s4;
	s17 =	sadd.s32 $0x6, s4;
	[tilespmem:s10+$0xFFFFFF50] =	vst v11;
	v11 =	vshll.u32 v10, $0x10;
	v10 =	vand.u32 $0xFFFF0000, v10  }
0x7d: {  	s4 =	sadd.s32 $0x7, s4;
	v15 =	vmov s24;
	v16 =	vmov s14;
	v17 =	vmov s17;
	[tilespmem:s10+$0xFFFFFF90] =	vst v12  }
0x7e: {  	s11 =	sadd.s32 $0x4, s11;
	v12 =	vand.u32 $0xFFFFFFFC, v15;
	v15 =	vand.u32 $0xFFFFFFFE, v17;
	v17 =	vld [tilespmem:s5+$0xFFFFFFA0];
	[tilespmem:s10+$0xFFFFFFD0] =	vst v13;
	v13 =	vshll.u32 v6, $0x10  }
0x7f: {  	p0 =	slt.u32 s11, $0x3C;
	v6 =	vand.u32 $0xFFFF0000, v6;
	v15 =	vbroadcast v15, $0x0;
	v18 =	vld [tilespmem:s5+$0xFFFFFFE0];
	v13 =	vmul.f32 v13, v3;
	[tilespmem:s1+$0xFFFFFF30] =	vst v8  }
0x80: {  	v8 =	vbroadcast v12, $0x0;
	v12 =	vand.u32 $0xFFFFFFFD, v16;
	v6 =	vmul.f32 v6, v3;
	[tilespmem:s1+$0xFFFFFF70] =	vst v9  }
0x81: {  	v11 =	vmul.f32 v11, v4;
	v9 =	vbroadcast v12, $0x0;
	v12 =	vmov s4;
	[tilespmem:s10+$0x20] =	vst v13  }
0x82: {  	v13 =	vand.u32 $0xFFFF0000, v14;
	[tilespmem:s10+$0x60] =	vst v6;
	v6 =	vmul.f32 v10, v4;
	v10 =	vshll.u32 v14, $0x10  }
0x83: {  	s5 =	sadd.s32 $0x100, s5;
	v14 =	vshll.u32 v17, $0x10;
	v16 =	vand.u32 $0xFFFF0000, v17;
	v17 =	vld [tilespmem:s2+$0x30];
	[tilespmem:s10+$0x90] =	vst v11;
	v10 =	vmul.f32 v10, v0  }
0x84: {  	v11 =	vld [tilespmem:s5+$0x0];
	v14 =	vmul.f32 v14, v2;
	v19 =	vshll.u32 v18, $0x10;
	v18 =	vand.u32 $0xFFFF0000, v18;
	[tilespmem:s10+$0xD0] =	vst v6  }
0x85: {  	v6 =	vld.idx.msk [tilespmem:v15+s15+$0x0], $0xffff;
	v15 =	vmul.f32 v16, v2;
	v16 =	vmul.f32 v19, v1;
	[tilespmem:s1+$0xFFFFFFB0] =	vst v7  }
0x86: {  	v13 =	vmul.f32 v13, v0;
	v0 =	vmov v4;
	v7 =	vld [tilespmem:s5+$0xFFFFFF80];
	[tilespmem:s10+$0xFFFFFF20] =	vst v14;
	v14 =	vmul.f32 v18, v1  }
0x87: {  	v18 =	vld [tilespmem:s5+$0xFFFFFFC0];
	[tilespmem:s10+$0xFFFFFF60] =	vst v15  }
0x88: {  	v15 =	vld [tilespmem:s5+$0x40];
	[tilespmem:s10+$0xFFFFFFA0] =	vst v16;
	v4 =	vshll.u32 v17, $0x10;
	v16 =	vand.u32 $0xFFFF0000, v17  }
0x89: {  	v17 =	vld.idx.msk [tilespmem:v8+s15+$0x0], $0xffff;
	[tilespmem:s10+$0xFFFFFFE0] =	vst v14;
	v8 =	vmul.f32 v4, v3;
	v16 =	vmul.f32 v16, v3  }
0x8a: {  	v4 =	vshll.u32 v11, $0x10;
	v14 =	vld.idx.msk [tilespmem:v9+s15+$0x0], $0xffff;
	[tilespmem:s1+$0xFFFFFFF0] =	vst v5  }
0x8b: {  	v9 =	vand.u32 $0xFFFF0000, v11;
	v11 =	vmul.f32 v4, v6;
	v3 =	vmovc v6;
	v5 =	vshll.u32 v7, $0x10;
	v4 =	vld.idx.msk [tilespmem:v12+s15+$0x0], $0xffff;
	[tilespmem:s10+$0x70] =	vst v16  }
0x8c: {  	v6 =	vand.u32 $0xFFFF0000, v7;
	v9 =	vmul.f32 v9, v3;
	s10 =	sadd.s32 $0x200, s10;
	v7 =	vshll.u32 v18, $0x10;
	[tilespmem:s6+$0x30] =	vst v8;
	v8 =	vld [tilespmem:s2+$0x60]  }
0x8d: {  	v12 =	vand.u32 $0xFFFF0000, v18;
	[tilespmem:s10+$0x0] =	vst v11;
	v11 =	vshll.u32 v15, $0x10;
	v15 =	vand.u32 $0xFFFF0000, v15;
	v16 =	vld [tilespmem:s2+$0xFFFFFFB0]  }
0x8e: {  	[tilespmem:s10+$0x40] =	vst v9;
	v9 =	vld [tilespmem:s2+$0xFFFFFFF0]  }
0x8f: {  	v5 =	vmul.f32 v5, v17;
	v6 =	vmul.f32 v6, v17;
	v18 =	vld [tilespmem:s5+$0x10];
	[tilespmem:s1+$0xB0] =	vst v10  }
0x90: {  	v7 =	vmul.f32 v7, v14;
	v10 =	vmul.f32 v12, v14;
	[tilespmem:s1+$0xF0] =	vst v13;
	s1 =	smov.u32 s6;
	s6 =	smov.u32 s10  }
0x91: {  	[tilespmem:s10+$0xFFFFFF00] =	vst v5;
	v5 =	vmul.f32 v11, v4;
	v11 =	vmul.f32 v15, v4;
	v12 =	vshll.u32 v8, $0x10  }
0x92: {  	v8 =	vand.u32 $0xFFFF0000, v8;
	[tilespmem:s10+$0xFFFFFF40] =	vst v6;
	v6 =	vshll.u32 v16, $0x10;
	v13 =	vmul.f32 v12, v0  }
0x93: {  	v12 =	vld [tilespmem:s5+$0xFFFFFF90];
	[tilespmem:s10+$0xFFFFFF80] =	vst v7;
	v7 =	vand.u32 $0xFFFF0000, v16;
	v15 =	vshll.u32 v9, $0x10;
	v16 =	vmul.f32 v8, v0  }
0x94: {  	v8 =	vmul.f32 v6, v2;
	v6 =	vand.u32 $0xFFFF0000, v9;
	[tilespmem:s10+$0xFFFFFFC0] =	vst v10;
	v10 =	vshll.u32 v18, $0x10  }
0x95: {  	v18 =	vand.u32 $0xFFFF0000, v18;
	v9 =	vmul.f32 v7, v2;
	v2 =	vmovc v17;
	v19 =	vld [tilespmem:s5+$0xFFFFFFD0];
	v10 =	vmul.f32 v10, v3;
	[tilespmem:s10+$0x80] =	vst v5  }
.Ltmp4:
0x96: {  	v7 =	vmul.f32 v15, v1;
	v17 =	vmul.f32 v18, v3;
	[tilespmem:s10+$0xC0] =	vst v11;
	(pc) =	sbr.rel @p0 .LBB2_4-.Ltmp4, $4  }
0x97: {  	v5 =	vmul.f32 v6, v1;
	v1 =	vmov v14;
	[tilespmem:s10+$0x10] =	vst v10;
	v10 =	vld [tilespmem:s5+$0x50]  }
0x98: {  	v6 =	vshll.u32 v12, $0x10;
	v11 =	vand.u32 $0xFFFF0000, v12;
	[tilespmem:s10+$0x50] =	vst v17  }
0x99: {  	v12 =	vmul.f32 v6, v2;
	v11 =	vmul.f32 v11, v2;
	v6 =	vld [tilespmem:s5+$0x20];
	[tilespmem:s1+$0xA0] =	vst v13  }
0x9a: {  	v13 =	vshll.u32 v19, $0x10;
	v14 =	vand.u32 $0xFFFF0000, v19;
	[tilespmem:s1+$0xE0] =	vst v16  }
0x9b: {  	[tilespmem:s10+$0xFFFFFF10] =	vst v12  }
0x9c: {  	[tilespmem:s10+$0xFFFFFF50] =	vst v11  }
0x9d: {  	v12 =	vmul.f32 v13, v1;
	[tilespmem:s1+$0xFFFFFF30] =	vst v8  }
0x9e: {  	v13 =	vmul.f32 v14, v1;
	[tilespmem:s1+$0xFFFFFF70] =	vst v9;
	v11 =	vshll.u32 v10, $0x10  }
0x9f: {  	v10 =	vand.u32 $0xFFFF0000, v10;
	[tilespmem:s10+$0xFFFFFF90] =	vst v12;
	v12 =	vld [tilespmem:s5+$0xFFFFFFA0];
	v8 =	vmul.f32 v11, v4  }
0xa0: {  	[tilespmem:s10+$0xFFFFFFD0] =	vst v13;
	v9 =	vmul.f32 v10, v4;
	v11 =	vshll.u32 v6, $0x10  }
0xa1: {  	v13 =	vld [tilespmem:s5+$0xFFFFFFE0];
	v6 =	vand.u32 $0xFFFF0000, v6;
	v10 =	vmul.f32 v11, v3;
	[tilespmem:s10+$0x90] =	vst v8  }
0xa2: {  	v6 =	vmul.f32 v6, v3;
	[tilespmem:s10+$0xD0] =	vst v9  }
0xa3: {  	v9 =	vld [tilespmem:s5+$0x60];
	[tilespmem:s10+$0x20] =	vst v10  }
0xa4: {  	[tilespmem:s10+$0x60] =	vst v6;
	v8 =	vshll.u32 v12, $0x10  }
0xa5: {  	[tilespmem:s1+$0xFFFFFFB0] =	vst v7;
	v6 =	vand.u32 $0xFFFF0000, v12;
	v10 =	vld [tilespmem:s5+$0x30];
	v8 =	vmul.f32 v8, v2  }
0xa6: {  	[tilespmem:s1+$0xFFFFFFF0] =	vst v5;
	v6 =	vmul.f32 v6, v2;
	v7 =	vand.u32 $0xFFFF0000, v13  }
0xa7: {  	v11 =	vshll.u32 v13, $0x10;
	v7 =	vmul.f32 v7, v1;
	[tilespmem:s10+$0xFFFFFF20] =	vst v8;
	v8 =	vld [tilespmem:s2+$0x70]  }
0xa8: {  	v11 =	vmul.f32 v11, v1;
	[tilespmem:s10+$0xFFFFFF60] =	vst v6;
	v6 =	vshll.u32 v9, $0x10  }
0xa9: {  	v9 =	vand.u32 $0xFFFF0000, v9;
	[tilespmem:s10+$0xFFFFFFE0] =	vst v7;
	v7 =	vld [tilespmem:s5+$0xFFFFFFB0];
	v6 =	vmul.f32 v6, v4  }
0xaa: {  	[tilespmem:s10+$0xFFFFFFA0] =	vst v11;
	v5 =	vmul.f32 v9, v4;
	v11 =	vand.u32 $0xFFFF0000, v10  }
0xab: {  	v9 =	vshll.u32 v10, $0x10;
	v10 =	vmul.f32 v11, v3;
	v11 =	vld [tilespmem:s5+$0xFFFFFFF0];
	[tilespmem:s6+$0xA0] =	vst v6  }
0xac: {  	v3 =	vmul.f32 v9, v3;
	[tilespmem:s6+$0xE0] =	vst v5;
	v6 =	vshll.u32 v8, $0x10  }
0xad: {  	v5 =	vand.u32 $0xFFFF0000, v8;
	[tilespmem:s10+$0x70] =	vst v10;
	v8 =	vld [tilespmem:s5+$0x70];
	v6 =	vmul.f32 v6, v0  }
0xae: {  	v0 =	vmul.f32 v5, v0;
	[tilespmem:s6+$0x30] =	vst v3;
	v3 =	vshll.u32 v7, $0x10  }
0xaf: {  	v5 =	vand.u32 $0xFFFF0000, v7;
	v3 =	vmul.f32 v3, v2;
	[tilespmem:s1+$0xB0] =	vst v6  }
0xb0: {  	v2 =	vmul.f32 v5, v2;
	[tilespmem:s1+$0xF0] =	vst v0;
	v0 =	vshll.u32 v11, $0x10  }
0xb1: {  	v5 =	vand.u32 $0xFFFF0000, v11;
	v0 =	vmul.f32 v0, v1;
	[tilespmem:s6+$0xFFFFFF30] =	vst v3  }
0xb2: {  	v1 =	vmul.f32 v5, v1;
	[tilespmem:s6+$0xFFFFFF70] =	vst v2;
	v2 =	vshll.u32 v8, $0x10  }
0xb3: {  	p0 =	seq.s32 s31, $0x13;
	v3 =	vand.u32 $0xFFFF0000, v8;
	v2 =	vmul.f32 v2, v4;
	[tilespmem:s6+$0xFFFFFFB0] =	vst v0  }
0xb4: {  	s23 =	sadd.s32 $0xFFFFFFFC, s30;
	s4 =	simm.s32 @!p0 $0x40;
	s1 =	sshll.u32 @!p0 s31, $0x9;
	v0 =	vmul.f32 v3, v4;
	[tilespmem:s6+$0xFFFFFFF0] =	vst v1  }
0xb5: {  	s24 =	sadd.s32 $0x46, s23;
	s2 =	sshrl.u32 @!p0 s1, $0x2;
	s1 =	simm.s32 @p0 $0x2600;
	[tilespmem:s6+$0xB0] =	vst v2  }
0xb6: {  	s5 =	simm.s32 @!p0 $0x15A00;
	s2 =	sadd.s32 @!p0 $0x13C80, s2;
	s1 =	sshrl.u32 s1, $0x2;
	[tilespmem:s6+$0xF0] =	vst v0;
	v0 =	vmov s24  }
0xb7: {  	[tilespmem:s5], [sflag:$0x1] =	stream.indirect.gather @!p0 [hbm4b:s0+s4], $0x40, s2, s4, $0xb8;
	v0 =	vand.u32 $0xFFFFFFFE, v0;
	[tilespmem:$0x1BA00] =	vst v63  }
0xb8: {  	s5 =	sadd.s32 $0x14600, s1;
	v0 =	vbroadcast v0, $0x0  }
0xb9: {  	[spmem:s3] =	stream.indirect.scatter.add.f32 [tilespmem:s21], [sflag:$0x3], $0x80, s5, s16, $0xb8;
	[tilespmem:$0x1BA00] =	vst v63  }
0xba: {  	s6 =	sadd.s32 $0x44, s23;
	_ =	swait.ge [sflag:s22], $0x1000  }
0xbb: {  	v1 =	vmov s6;
	[sflag:s22] =	ssyncset.done $0x0  }
0xbc: {  	v1 =	vand.u32 $0xFFFFFFFC, v1;
	s5 =	simm.s32 $0x16A80;
	[sflag:s22] =	ssyncadd.s32 $0xFFFFF000  }
0xbd: {  	s10 =	sadd.s32 $0x45, s23;
	v1 =	vbroadcast v1, $0x0;
	v2 =	vld [tilespmem:s5+$0x0]  }
0xbe: {  	v3 =	vmov s10;
	v7 =	vld.idx.msk [tilespmem:v0+s15+$0x0], $0xffff  }
0xbf: {  	v0 =	vand.u32 $0xFFFFFFFD, v3  }
0xc0: {  	v0 =	vbroadcast v0, $0x0;
	_ =	sdelay $0x1  }
0xc1: {  	v4 =	vld [tilespmem:s5+$0xFFFFFF80];
	v3 =	vshll.u32 v2, $0x10  }
0xc2: {  	v6 =	vld.idx.msk [tilespmem:v1+s15+$0x0], $0xffff;
	v2 =	vand.u32 $0xFFFF0000, v2;
	v3 =	vmul.f32 v3, v7  }
0xc3: {  	s2 =	simm.s32 $0x19B00;
	v1 =	vmul.f32 v2, v7  }
0xc4: {  	s4 =	sadd.s32 $0x47, s23;
	v2 =	vld [tilespmem:s5+$0xFFFFFFC0];
	[tilespmem:s2+$0x0] =	vst v3  }
0xc5: {  	v5 =	vld.idx.msk [tilespmem:v0+s15+$0x0], $0xffff;
	[tilespmem:s2+$0x40] =	vst v1;
	v0 =	vmov s4  }
0xc6: {  	v3 =	vshll.u32 v4, $0x10;
	v1 =	vld [tilespmem:s5+$0x10]  }
0xc7: {  	v4 =	vand.u32 $0xFFFF0000, v4;
	v3 =	vmul.f32 v3, v6  }
0xc8: {  	v4 =	vmul.f32 v4, v6  }
0xc9: {  	v9 =	vld [tilespmem:s5+$0x40];
	v8 =	vshll.u32 v2, $0x10;
	[tilespmem:s2+$0xFFFFFF00] =	vst v3  }
0xca: {  	v2 =	vand.u32 $0xFFFF0000, v2;
	[tilespmem:s2+$0xFFFFFF40] =	vst v4;
	v8 =	vmul.f32 v8, v5;
	v0 =	vld.idx.msk [tilespmem:v0+s15+$0x0], $0xffff  }
0xcb: {  	v4 =	vld [tilespmem:s5+$0xFFFFFF90];
	v2 =	vmul.f32 v2, v5;
	v3 =	vshll.u32 v1, $0x10  }
0xcc: {  	v1 =	vand.u32 $0xFFFF0000, v1;
	[tilespmem:s2+$0xFFFFFF80] =	vst v8;
	v3 =	vmul.f32 v3, v7  }
0xcd: {  	[tilespmem:s2+$0xFFFFFFC0] =	vst v2;
	v1 =	vmul.f32 v1, v7  }
0xce: {  	v2 =	vld [tilespmem:s5+$0xFFFFFFD0];
	[tilespmem:s2+$0x10] =	vst v3;
	v3 =	vshll.u32 v9, $0x10  }
0xcf: {  	[tilespmem:s2+$0x50] =	vst v1;
	v1 =	vand.u32 $0xFFFF0000, v9;
	v3 =	vmul.f32 v3, v0  }
0xd0: {  	v9 =	vshll.u32 v4, $0x10;
	v8 =	vld [tilespmem:s5+$0x20];
	v1 =	vmul.f32 v1, v0  }
0xd1: {  	s11 =	sadd.s32 $0x0, s30;
	[tilespmem:s2+$0x80] =	vst v3;
	v3 =	vand.u32 $0xFFFF0000, v4;
	v4 =	vmul.f32 v9, v6  }
0xd2: {  	s14 =	sadd.s32 $0x46, s11;
	[tilespmem:s2+$0xC0] =	vst v1;
	v1 =	vmul.f32 v3, v6  }
0xd3: {  	v3 =	vshll.u32 v2, $0x10;
	[tilespmem:s2+$0xFFFFFF10] =	vst v4;
	v4 =	vmov s14  }
0xd4: {  	v2 =	vand.u32 $0xFFFF0000, v2;
	v9 =	vld [tilespmem:s5+$0x50];
	v3 =	vmul.f32 v3, v5;
	[tilespmem:s2+$0xFFFFFF50] =	vst v1;
	v1 =	vand.u32 $0xFFFFFFFE, v4  }
0xd5: {  	v2 =	vmul.f32 v2, v5;
	v4 =	vshll.u32 v8, $0x10;
	v1 =	vbroadcast v1, $0x0  }
0xd6: {  	s17 =	sadd.s32 $0x44, s11;
	[tilespmem:s2+$0xFFFFFF90] =	vst v3;
	v3 =	vand.u32 $0xFFFF0000, v8;
	v4 =	vmul.f32 v4, v7;
	v8 =	vld [tilespmem:s5+$0xFFFFFFA0]  }
0xd7: {  	s18 =	sadd.s32 $0x45, s11;
	[tilespmem:s2+$0xFFFFFFD0] =	vst v2;
	v2 =	vmul.f32 v3, v7;
	v3 =	vmov s17  }
0xd8: {  	s10 =	simm.s32 $0x16B80;
	v10 =	vld [tilespmem:s5+$0xFFFFFFE0];
	[tilespmem:s2+$0x20] =	vst v4;
	v4 =	vmov s18;
	v3 =	vand.u32 $0xFFFFFFFC, v3  }
0xd9: {  	v13 =	vld [tilespmem:s10+$0x0];
	[tilespmem:s2+$0x60] =	vst v2;
	v2 =	vshll.u32 v9, $0x10;
	v11 =	vbroadcast v3, $0x0;
	v3 =	vand.u32 $0xFFFFFFFD, v4  }
0xda: {  	v16 =	vld [tilespmem:s10+$0xFFFFFFC0];
	v4 =	vand.u32 $0xFFFF0000, v9;
	v9 =	vbroadcast v3, $0x0;
	v2 =	vmul.f32 v2, v0  }
0xdb: {  	s4 =	sadd.s32 $0x47, s11;
	v4 =	vmul.f32 v4, v0;
	v14 =	vshll.u32 v8, $0x10;
	v3 =	vld.idx.msk [tilespmem:v1+s15+$0x0], $0xffff  }
0xdc: {  	v15 =	vmov s4;
	v12 =	vld [tilespmem:s5+$0x30];
	v1 =	vand.u32 $0xFFFF0000, v8;
	[tilespmem:s2+$0x90] =	vst v2;
	v2 =	vmul.f32 v14, v6  }
0xdd: {  	v8 =	vld [tilespmem:s10+$0xFFFFFF80];
	v14 =	vshll.u32 v10, $0x10;
	[tilespmem:s2+$0xD0] =	vst v4;
	v1 =	vmul.f32 v1, v6  }
0xde: {  	v4 =	vand.u32 $0xFFFF0000, v10;
	v10 =	vmul.f32 v14, v5;
	v14 =	vld [tilespmem:s10+$0x40];
	[tilespmem:s2+$0xFFFFFF20] =	vst v2  }
0xdf: {  	v4 =	vmul.f32 v4, v5;
	[tilespmem:s2+$0xFFFFFF60] =	vst v1;
	v2 =	vld.idx.msk [tilespmem:v11+s15+$0x0], $0xffff;
	v11 =	vshll.u32 v13, $0x10  }
0xe0: {  	[tilespmem:s2+$0xFFFFFFA0] =	vst v10;
	v1 =	vld.idx.msk [tilespmem:v9+s15+$0x0], $0xffff;
	v9 =	vand.u32 $0xFFFF0000, v13;
	v10 =	vmul.f32 v11, v3  }
0xe1: {  	s24 =	simm.s32 $0x19D00;
	[tilespmem:s2+$0xFFFFFFE0] =	vst v4;
	v4 =	vld.idx.msk [tilespmem:v15+s15+$0x0], $0xffff;
	v11 =	vand.u32 $0xFFFF0000, v12;
	v9 =	vmul.f32 v9, v3  }
0xe2: {  	v13 =	vld [tilespmem:s5+$0x60];
	v12 =	vshll.u32 v12, $0x10;
	v11 =	vmul.f32 v11, v7;
	[tilespmem:s24+$0x0] =	vst v10  }
0xe3: {  	v15 =	vld [tilespmem:s5+$0xFFFFFFF0];
	v7 =	vmul.f32 v12, v7;
	v10 =	vshll.u32 v8, $0x10;
	[tilespmem:s24+$0x40] =	vst v9  }
0xe4: {  	v8 =	vand.u32 $0xFFFF0000, v8;
	[tilespmem:s2+$0x70] =	vst v11;
	v9 =	vmul.f32 v10, v2;
	v10 =	vld [tilespmem:s10+$0x10]  }
0xe5: {  	v12 =	vld [tilespmem:s5+$0xFFFFFFB0];
	v11 =	vshll.u32 v16, $0x10;
	[tilespmem:s2+$0x30] =	vst v7;
	v7 =	vmul.f32 v8, v2  }
0xe6: {  	v8 =	vand.u32 $0xFFFF0000, v16;
	v11 =	vmul.f32 v11, v1;
	[tilespmem:s24+$0xFFFFFF00] =	vst v9  }
0xe7: {  	v8 =	vmul.f32 v8, v1;
	v9 =	vshll.u32 v14, $0x10;
	[tilespmem:s24+$0xFFFFFF40] =	vst v7  }
0xe8: {  	v18 =	vshll.u32 v15, $0x10;
	v14 =	vand.u32 $0xFFFF0000, v14;
	v7 =	vmul.f32 v9, v4;
	[tilespmem:s24+$0xFFFFFF80] =	vst v11  }
0xe9: {  	v9 =	vmul.f32 v14, v4;
	v14 =	vshll.u32 v13, $0x10;
	v63 =	vld [tilespmem:s10+$0xFFFFFF90];
	[tilespmem:s24+$0xFFFFFFC0] =	vst v8;
	v8 =	vshll.u32 v10, $0x10  }
0xea: {  	v11 =	vshll.u32 v12, $0x10;
	v10 =	vand.u32 $0xFFFF0000, v10;
	[tilespmem:s24+$0x80] =	vst v7;
	v8 =	vmul.f32 v8, v3  }
0xeb: {  	v13 =	vand.u32 $0xFFFF0000, v13;
	v14 =	vmul.f32 v14, v0;
	v17 =	vld [tilespmem:s10+$0xFFFFFFD0];
	[tilespmem:s24+$0xC0] =	vst v9;
	v10 =	vmul.f32 v10, v3  }
0xec: {  	v12 =	vand.u32 $0xFFFF0000, v12;
	v19 =	vmul.f32 v13, v0;
	v7 =	vmul.f32 v11, v6;
	[tilespmem:s24+$0x10] =	vst v8  }
0xed: {  	v9 =	vand.u32 $0xFFFF0000, v15;
	v8 =	vmul.f32 v12, v6;
	v6 =	vmul.f32 v18, v5;
	[tilespmem:s24+$0x50] =	vst v10;
	v10 =	vld [tilespmem:s10+$0x50]  }
0xee: {  	v11 =	vshll.u32 v63, $0x10;
	v5 =	vmul.f32 v9, v5;
	v9 =	vand.u32 $0xFFFF0000, v63  }
0xef: {  	s23 =	sshll.u32 s31, $0x1;
	[tilespmem:s2+$0xA0] =	vst v14;
	v12 =	vmul.f32 v11, v2;
	v11 =	vmul.f32 v9, v2;
	v9 =	vld [tilespmem:s10+$0x20]  }
0xf0: {  	s6 =	sor.u32 $0x1, s23;
	s11 =	simm.s32 $0x19D00;
	s4 =	simm.s32 $0x4;
	[tilespmem:s2+$0xE0] =	vst v19;
	v13 =	vshll.u32 v17, $0x10;
	v14 =	vand.u32 $0xFFFF0000, v17  }
.LBB2_6:
0xf1: {  	s14 =	sadd.s32 s4, s30;
	[tilespmem:s24+$0xFFFFFF10] =	vst v12;
	v12 =	vmul.f32 v13, v1;
	v13 =	vmul.f32 v14, v1;
	v14 =	vld [tilespmem:s5+$0x70];
	s5 =	smov.u32 s10  }
0xf2: {  	s17 =	sadd.s32 $0x44, s14;
	s18 =	sadd.s32 $0x45, s14;
	s23 =	sadd.s32 $0x46, s14;
	[tilespmem:s24+$0xFFFFFF50] =	vst v11;
	v11 =	vshll.u32 v10, $0x10;
	v10 =	vand.u32 $0xFFFF0000, v10  }
0xf3: {  	s14 =	sadd.s32 $0x47, s14;
	v15 =	vmov s17;
	v16 =	vmov s18;
	v17 =	vmov s23;
	[tilespmem:s24+$0xFFFFFF90] =	vst v12  }
0xf4: {  	s4 =	sadd.s32 $0x4, s4;
	v12 =	vand.u32 $0xFFFFFFFC, v15;
	v15 =	vand.u32 $0xFFFFFFFE, v17;
	v17 =	vld [tilespmem:s10+$0xFFFFFFA0];
	[tilespmem:s24+$0xFFFFFFD0] =	vst v13;
	v13 =	vshll.u32 v9, $0x10  }
0xf5: {  	p1 =	slt.u32 s4, $0x3C;
	v9 =	vand.u32 $0xFFFF0000, v9;
	v15 =	vbroadcast v15, $0x0;
	v18 =	vld [tilespmem:s10+$0xFFFFFFE0];
	v13 =	vmul.f32 v13, v3;
	[tilespmem:s2+$0xFFFFFF30] =	vst v7  }
0xf6: {  	v7 =	vbroadcast v12, $0x0;
	v12 =	vand.u32 $0xFFFFFFFD, v16;
	v9 =	vmul.f32 v9, v3;
	[tilespmem:s2+$0xFFFFFF70] =	vst v8  }
0xf7: {  	v11 =	vmul.f32 v11, v4;
	v8 =	vbroadcast v12, $0x0;
	v12 =	vmov s14;
	[tilespmem:s24+$0x20] =	vst v13  }
0xf8: {  	v13 =	vand.u32 $0xFFFF0000, v14;
	[tilespmem:s24+$0x60] =	vst v9;
	v9 =	vmul.f32 v10, v4;
	v10 =	vshll.u32 v14, $0x10  }
0xf9: {  	s10 =	sadd.s32 $0x100, s10;
	v14 =	vshll.u32 v17, $0x10;
	v16 =	vand.u32 $0xFFFF0000, v17;
	v17 =	vld [tilespmem:s5+$0x30];
	[tilespmem:s24+$0x90] =	vst v11;
	v10 =	vmul.f32 v10, v0  }
0xfa: {  	v11 =	vld [tilespmem:s10+$0x0];
	v14 =	vmul.f32 v14, v2;
	v19 =	vshll.u32 v18, $0x10;
	v18 =	vand.u32 $0xFFFF0000, v18;
	[tilespmem:s24+$0xD0] =	vst v9  }
0xfb: {  	v9 =	vld.idx.msk [tilespmem:v15+s15+$0x0], $0xffff;
	v15 =	vmul.f32 v16, v2;
	v16 =	vmul.f32 v19, v1;
	[tilespmem:s2+$0xFFFFFFB0] =	vst v6  }
0xfc: {  	v13 =	vmul.f32 v13, v0;
	v0 =	vmov v4;
	v6 =	vld [tilespmem:s10+$0xFFFFFF80];
	[tilespmem:s24+$0xFFFFFF20] =	vst v14;
	v14 =	vmul.f32 v18, v1  }
0xfd: {  	v18 =	vld [tilespmem:s10+$0xFFFFFFC0];
	[tilespmem:s24+$0xFFFFFF60] =	vst v15  }
0xfe: {  	v15 =	vld [tilespmem:s10+$0x40];
	[tilespmem:s24+$0xFFFFFFA0] =	vst v16;
	v4 =	vshll.u32 v17, $0x10;
	v16 =	vand.u32 $0xFFFF0000, v17  }
0xff: {  	v17 =	vld.idx.msk [tilespmem:v7+s15+$0x0], $0xffff;
	[tilespmem:s24+$0xFFFFFFE0] =	vst v14;
	v7 =	vmul.f32 v4, v3;
	v16 =	vmul.f32 v16, v3  }
0x100: {  	v4 =	vshll.u32 v11, $0x10;
	v14 =	vld.idx.msk [tilespmem:v8+s15+$0x0], $0xffff;
	[tilespmem:s2+$0xFFFFFFF0] =	vst v5  }
0x101: {  	v8 =	vand.u32 $0xFFFF0000, v11;
	v11 =	vmul.f32 v4, v9;
	v3 =	vmovc v9;
	v5 =	vshll.u32 v6, $0x10;
	v4 =	vld.idx.msk [tilespmem:v12+s15+$0x0], $0xffff;
	[tilespmem:s24+$0x70] =	vst v16  }
0x102: {  	v6 =	vand.u32 $0xFFFF0000, v6;
	v8 =	vmul.f32 v8, v3;
	s24 =	sadd.s32 $0x200, s24;
	v9 =	vshll.u32 v18, $0x10;
	[tilespmem:s11+$0x30] =	vst v7;
	v7 =	vld [tilespmem:s5+$0x60]  }
0x103: {  	v12 =	vand.u32 $0xFFFF0000, v18;
	[tilespmem:s24+$0x0] =	vst v11;
	v11 =	vshll.u32 v15, $0x10;
	v15 =	vand.u32 $0xFFFF0000, v15;
	v16 =	vld [tilespmem:s5+$0xFFFFFFB0]  }
0x104: {  	[tilespmem:s24+$0x40] =	vst v8;
	v8 =	vld [tilespmem:s5+$0xFFFFFFF0]  }
0x105: {  	v5 =	vmul.f32 v5, v17;
	v6 =	vmul.f32 v6, v17;
	v18 =	vld [tilespmem:s10+$0x10];
	[tilespmem:s2+$0xB0] =	vst v10  }
0x106: {  	v9 =	vmul.f32 v9, v14;
	v10 =	vmul.f32 v12, v14;
	[tilespmem:s2+$0xF0] =	vst v13;
	s2 =	smov.u32 s11;
	s11 =	smov.u32 s24  }
0x107: {  	[tilespmem:s24+$0xFFFFFF00] =	vst v5;
	v5 =	vmul.f32 v11, v4;
	v11 =	vmul.f32 v15, v4;
	v12 =	vshll.u32 v7, $0x10  }
0x108: {  	v7 =	vand.u32 $0xFFFF0000, v7;
	[tilespmem:s24+$0xFFFFFF40] =	vst v6;
	v6 =	vshll.u32 v16, $0x10;
	v13 =	vmul.f32 v12, v0  }
0x109: {  	v12 =	vld [tilespmem:s10+$0xFFFFFF90];
	[tilespmem:s24+$0xFFFFFF80] =	vst v9;
	v9 =	vand.u32 $0xFFFF0000, v16;
	v15 =	vshll.u32 v8, $0x10;
	v16 =	vmul.f32 v7, v0  }
0x10a: {  	v7 =	vmul.f32 v6, v2;
	v19 =	vand.u32 $0xFFFF0000, v8;
	[tilespmem:s24+$0xFFFFFFC0] =	vst v10;
	v10 =	vshll.u32 v18, $0x10  }
0x10b: {  	v6 =	vand.u32 $0xFFFF0000, v18;
	v8 =	vmul.f32 v9, v2;
	v2 =	vmovc v17;
	v20 =	vld [tilespmem:s10+$0xFFFFFFD0];
	v10 =	vmul.f32 v10, v3;
	[tilespmem:s24+$0x80] =	vst v5  }
.Ltmp5:
0x10c: {  	v9 =	vmul.f32 v6, v3;
	v6 =	vmul.f32 v15, v1;
	[tilespmem:s24+$0xC0] =	vst v11;
	(pc) =	sbr.rel @p1 .LBB2_6-.Ltmp5, $4  }
0x10d: {  	v5 =	vmul.f32 v19, v1;
	v1 =	vmov v14;
	[tilespmem:s24+$0x10] =	vst v10;
	v10 =	vld [tilespmem:s10+$0x50]  }
0x10e: {  	v11 =	vshll.u32 v12, $0x10;
	v14 =	vand.u32 $0xFFFF0000, v12;
	[tilespmem:s24+$0x50] =	vst v9  }
0x10f: {  	v12 =	vmul.f32 v11, v2;
	v11 =	vmul.f32 v14, v2;
	v9 =	vld [tilespmem:s10+$0x20];
	[tilespmem:s2+$0xA0] =	vst v13  }
0x110: {  	v13 =	vshll.u32 v20, $0x10;
	v14 =	vand.u32 $0xFFFF0000, v20;
	[tilespmem:s2+$0xE0] =	vst v16  }
0x111: {  	[tilespmem:s24+$0xFFFFFF10] =	vst v12  }
0x112: {  	[tilespmem:s24+$0xFFFFFF50] =	vst v11  }
0x113: {  	v26 =	vmul.f32 v13, v1;
	[tilespmem:s2+$0xFFFFFF30] =	vst v7  }
0x114: {  	v27 =	vmul.f32 v14, v1;
	[tilespmem:s2+$0xFFFFFF70] =	vst v8;
	v28 =	vshll.u32 v10, $0x10  }
0x115: {  	v29 =	vld [tilespmem:s10+$0xFFFFFFA0];
	v30 =	vand.u32 $0xFFFF0000, v10;
	[tilespmem:s24+$0xFFFFFF90] =	vst v26;
	v31 =	vmul.f32 v28, v4  }
0x116: {  	[tilespmem:s24+$0xFFFFFFD0] =	vst v27;
	v33 =	vmul.f32 v30, v4  }
0x117: {  	v32 =	vshll.u32 v9, $0x10;
	v13 =	vld [tilespmem:s10+$0xFFFFFFE0];
	[tilespmem:s24+$0x90] =	vst v31  }
0x118: {  	v34 =	vand.u32 $0xFFFF0000, v9;
	v35 =	vmul.f32 v32, v3;
	[tilespmem:s24+$0xD0] =	vst v33  }
0x119: {  	[tilespmem:s2+$0xFFFFFFB0] =	vst v6;
	v36 =	vmul.f32 v34, v3;
	v38 =	vld [tilespmem:s10+$0x60]  }
0x11a: {  	[tilespmem:s24+$0x20] =	vst v35;
	v37 =	vshll.u32 v29, $0x10  }
0x11b: {  	v42 =	vld [tilespmem:s5+$0x70];
	[tilespmem:s24+$0x60] =	vst v36;
	v39 =	vand.u32 $0xFFFF0000, v29;
	v8 =	vmul.f32 v37, v2  }
0x11c: {  	[tilespmem:s2+$0xFFFFFFF0] =	vst v5;
	v10 =	vld [tilespmem:s10+$0x30];
	v7 =	vmul.f32 v39, v2;
	v40 =	vshll.u32 v13, $0x10  }
0x11d: {  	v41 =	vand.u32 $0xFFFF0000, v13;
	v11 =	vmul.f32 v40, v1;
	[tilespmem:s24+$0xFFFFFF20] =	vst v8  }
0x11e: {  	v6 =	vmul.f32 v41, v1;
	[tilespmem:s24+$0xFFFFFF60] =	vst v7;
	v43 =	vshll.u32 v38, $0x10  }
0x11f: {  	v44 =	vld [tilespmem:s10+$0xFFFFFFB0];
	v9 =	vand.u32 $0xFFFF0000, v38;
	[tilespmem:s24+$0xFFFFFFA0] =	vst v11;
	v7 =	vmul.f32 v43, v4  }
0x120: {  	v52 =	vand.u32 $0xFFFF0000, v42;
	[tilespmem:s24+$0xFFFFFFE0] =	vst v6;
	v46 =	vmul.f32 v9, v4  }
0x121: {  	v54 =	vmul.f32 v52, v0;
	v45 =	vand.u32 $0xFFFF0000, v10;
	v49 =	vld [tilespmem:s10+$0xFFFFFFF0];
	[tilespmem:s11+$0xA0] =	vst v7  }
0x122: {  	v50 =	vshll.u32 v42, $0x10;
	v48 =	vmul.f32 v45, v3;
	[tilespmem:s11+$0xE0] =	vst v46  }
0x123: {  	[tilespmem:s2+$0xF0] =	vst v54;
	v47 =	vshll.u32 v10, $0x10;
	v7 =	vmul.f32 v50, v0;
	v53 =	vld [tilespmem:s10+$0x70]  }
0x124: {  	v51 =	vmul.f32 v47, v3;
	[tilespmem:s24+$0x70] =	vst v48;
	v55 =	vshll.u32 v44, $0x10  }
0x125: {  	[tilespmem:s2+$0xB0] =	vst v7;
	v56 =	vand.u32 $0xFFFF0000, v44;
	v3 =	vmul.f32 v55, v2  }
0x126: {  	[tilespmem:s11+$0x30] =	vst v51;
	v58 =	vmul.f32 v56, v2;
	v57 =	vshll.u32 v49, $0x10  }
0x127: {  	v59 =	vand.u32 $0xFFFF0000, v49;
	v0 =	vmul.f32 v57, v1;
	[tilespmem:s11+$0xFFFFFF30] =	vst v3  }
.Ltmp6:
0x128: {  	v60 =	vmul.f32 v59, v1;
	[tilespmem:s11+$0xFFFFFF70] =	vst v58;
	v61 =	vshll.u32 v53, $0x10;
	(pc) =	sbr.rel @p0 .LBB2_9-.Ltmp6, $4  }
0x129: {  	v62 =	vand.u32 $0xFFFF0000, v53;
	v2 =	vmul.f32 v61, v4;
	[tilespmem:s11+$0xFFFFFFB0] =	vst v0  }
0x12a: {  	v63 =	vmul.f32 v62, v4;
	[tilespmem:s11+$0xFFFFFFF0] =	vst v60  }
0x12b: {  	[tilespmem:s11+$0xB0] =	vst v2  }
0x12c: {  	[tilespmem:s11+$0xF0] =	vst v63  }
.Ltmp7:
0x12d: {  	s1 =	sadd.s32 $0x13CC0, s1;
	s24 =	sshll.u32 s6, $0x6;
	(pc) =	sbr.rel .LBB2_3-.Ltmp7, $4  }
0x12e: {  	[tilespmem:s19], [sflag:$0x2] =	stream.indirect.gather [hbm4b:s0+s16], $0x40, s1, s16, $0xb8;
	[tilespmem:$0x1BA00] =	vst v63  }
0x12f: {  	s1 =	sand.u32 $0x3FFFFFC0, s24  }
0x130: {  	s31 =	sadd.s32 $0x1, s31;
	s30 =	sadd.s32 $0x80, s30;
	s1 =	sadd.s32 $0x14600, s1  }
0x131: {  	[spmem:s3] =	stream.indirect.scatter.add.f32 [tilespmem:s25], [sflag:$0x4], $0x80, s1, s16, $0xb8;
	[tilespmem:$0x1BA00] =	vst v63  }
.LBB2_11:
0x132: {  	_ =	sfence.sel $0x180000  }
0x133: {  	[bflag:$0x0] =	sbarrier.arrive $0xFFFF  }
0x134: {  	_ =	strace $0x90000047  }
0x135: {  	s0 =	stileid.u32;
	[bflag:$0x2] =	sbarrier.arrive $0xFFFF  }
0x136: {  	p0 =	sne.s32 s0, $0x0;
	s0 =	rddreg [dreg:$0x3]  }
0x137: {  	s0 =	sadd.s32 @!p0 $0x100000, s0  }
0x138: {  	[sflag:s0] =	ssyncadd.tile.s32 @!p0 $0x1;
	_ =	shalt  }
.Lfunc_end2:
_tile_overlayer_lowered:
.L_overlay_start_2:
0x139: {  	(tag) =	ssettag $0x2  }
0x13a: {  	s0 =	rddreg [dreg:$0x0];
	s2 =	stileid.u32  }
0x13b: {  	s1 =	rddreg [dreg:$0x1];
	p0 =	sne.s32 s2, $0x0  }
0x13c: {  	s3 =	rddreg [dreg:$0x2];
	[bflag:$0x3] =	sbarrier.arrive $0xFFFF;
	s2 =	simm.s32 @!p0 $0x1C05  }
0x13d: {  	[timem:s3], [sflag:s2] =	dma.local @!p0 [hbm:s0], s1  }
0x13e: {  	s0 =	simm.s32 @!p0 $0x5  }
0x13f: {  	_ =	swait.ge @!p0 [sflag:s0], s1  }
0x140: {  	s1 =	ssub.s32 @!p0 $0x0, s1;
	[sflag:s0] =	ssyncset.done @!p0 $0x0  }
0x141: {  	[sflag:s0] =	ssyncadd.s32 @!p0 s1  }
0x142: {  	[bflag:$0x3] =	sbarrier.arrive $0xFFFF  }
0x143: {  	_ =	shalt  }

// kernel: kernel.9.cloned.1.call-start
scs
__scs_entry_jumppad:
0x0: {  	(pc) =	sbr.rel $0x88, $3  }
0x1: {  	(tag) =	ssettag $0x0;
	lr =	simm.s32 $0x1  }
0x2: {  	[smem:$0x3F98] =	sst lr;
	_ =	strace $0xD0000000  }
0x3: {  	_ = 	snop  }
0x4: {  	_ = 	snop  }
0x5: {  	_ = 	snop  }
0x6: {  	_ = 	snop  }
0x7: {  	_ = 	snop  }
__scs_overlays_trampoline_lowered:
0x8: {  	[smem:$0x3FA7] =	sst s0  }
0x9: {  	[smem:$0x3FA8] =	sst s1  }
0xa: {  	[smem:$0x3FA9] =	sst s2  }
0xb: {  	[smem:$0x3FAA] =	sst s3  }
0xc: {  	[smem:$0x3FAB] =	sst s4  }
0xd: {  	[smem:$0x3FAC] =	sst s5  }
0xe: {  	[smem:$0x3FAD] =	sst s6  }
0xf: {  	[smem:$0x3FAE] =	sst s7  }
0x10: {  	[smem:$0x3FAF] =	sst s8  }
0x11: {  	[smem:$0x3FB0] =	sst s9;
	s0 =	simm.s32 @!p0 $0x0  }
0x12: {  	s1 =	sld [smem:$0x3F96];
	s0 =	simm.s32 @p0 $0x1  }
0x13: {  	[smem:$0x3FB1] =	sst s0;
	s0 =	simm.s32 @!p1 $0x0  }
0x14: {  	s2 =	sld [smem:$0x3F95];
	s0 =	simm.s32 @p1 $0x1  }
0x15: {  	[smem:$0x3FB2] =	sst s0;
	s0 =	simm.s32 @!p2 $0x0  }
0x16: {  	s3 =	sld [smem:$0x3FDB];
	s0 =	simm.s32 @p2 $0x1  }
0x17: {  	s4 =	simm.s32 $0x1BF5;
	[smem:$0x3FB4] =	sst s0  }
0x18: {  	s0 =	sld [smem:$0x3F97];
	_ =	swait.ge [sflag:s4], $0x0  }
0x19: {  	s7 =	sld [smem:$0x3F98]  }
0x1a: {  	s8 =	sadd.s32 $0xFFFFE003, lr  }
0x1b: {  	s9 =	sadd.s32 $0xFFFFFEF7, lr;
	s5 =	simm.s32 $0xFFFFFFFF;
	p2 =	slt.u32 s8, $0xFFFFF086  }
0x1c: {  	p1 =	slt.u32 s9, $0xF7A;
	s5 =	simm.s32 @!p2 $0x0  }
0x1d: {  	s5 =	simm.s32 @p1 $0x1;
	p0 =	seq.s32 s7, s2  }
0x1e: {  	s7 =	smul.u32 @!p0 $0xF7A, s2;
	p2 =	seq.s32 @!p0 s5, $0x0  }
0x1f: {  	s9 =	smul.u32 $0xF7A, s1;
	s8 =	simm.s32 @!p0 $0x1BF5;
	p2 =	por !p2, p0  }
0x20: {  	[sflag:s8] =	ssyncset.s32 @!p0 $0xFFFFF086;
	s6 =	sadd.s32 @!p0 s3, s7;
	s7 =	simm.s32 @!p0 $0x108  }
0x21: {  	s3 =	sadd.s32 s3, s9;
	s6 =	sadd.s32 @!p0 $0x88, s6;
	s7 =	simm.s32 @p2 $0x1082  }
0x22: {  	[simem:s7], [sflag:s8] =	dma.local @!p0 [hbm:s6], $0xF7A  }
0x23: {  	s9 =	sor.u32 $0xD0000000, s2;
	s6 =	simm.s32 $0x108;
	_ =	swait.ge @!p0 [sflag:s8], $0x0  }
0x24: {  	s3 =	sadd.s32 $0x88, s3;
	s6 =	simm.s32 @!p1 $0x1082;
	[sflag:s4] =	ssyncset.s32 $0xFFFFF086  }
0x25: {  	[simem:s6], [sflag:s4] =	dma.local [hbm:s3], $0xF7A  }
0x26: {  	[smem:$0x3F98] =	sst s1;
	(tag) =	ssettag s2;
	_ =	strace s9  }
0x27: {  	s1 =	sld [smem:$0x3FA8]  }
0x28: {  	s2 =	sld [smem:$0x3FA9]  }
0x29: {  	s4 =	sld [smem:$0x3FAB]  }
0x2a: {  	p0 =	seq.s32 s5, $0x0;
	s5 =	sld [smem:$0x3FAC]  }
0x2b: {  	s6 =	sld [smem:$0x3FAD]  }
0x2c: {  	s7 =	sld [smem:$0x3FAE]  }
0x2d: {  	s3 =	simm.s32 $0x108;
	s8 =	sld [smem:$0x3FAF]  }
0x2e: {  	s3 =	simm.s32 @!p0 $0x1082;
	s9 =	sld [smem:$0x3FB0]  }
0x2f: {  	lr =	sadd.s32 s0, s3;
	s0 =	sld [smem:$0x3FA7]  }
0x30: {  	s3 =	sld [smem:$0x3FAA]  }
0x31: {  	[smem:$0x3FB3] =	sst s10  }
0x32: {  	s10 =	sld [smem:$0x3FB1];
	_ =	sdelay $0x3  }
0x33: {  	p0 =	seq.s32 s10, $0x1;
	s10 =	sld [smem:$0x3FB3];
	_ =	sdelay $0x3  }
0x34: {  	[smem:$0x3FB3] =	sst s10  }
0x35: {  	s10 =	sld [smem:$0x3FB2];
	_ =	sdelay $0x3  }
0x36: {  	p1 =	seq.s32 s10, $0x1;
	s10 =	sld [smem:$0x3FB3];
	_ =	sdelay $0x3  }
0x37: {  	[smem:$0x3FB3] =	sst s10  }
0x38: {  	s10 =	sld [smem:$0x3FB4]  }
0x39: {  	_ = 	snop;
	(pc) =	sbr.ind lr, $3  }
0x3a: {  	_ = 	snop  }
0x3b: {  	_ = 	snop  }
0x3c: {  	p2 =	seq.s32 s10, $0x1;
	s10 =	sld [smem:$0x3FB3]  }
0x3d: {  	_ =	shalt  }
0x3e: {  	_ =	shalt  }
0x3f: {  	_ =	shalt  }
0x40: {  	_ =	shalt  }
0x41: {  	_ =	shalt  }
0x42: {  	_ =	shalt  }
0x43: {  	_ =	shalt  }
0x44: {  	_ =	shalt  }
0x45: {  	_ =	shalt  }
0x46: {  	_ =	shalt  }
0x47: {  	_ =	shalt  }
0x48: {  	_ =	shalt  }
0x49: {  	_ =	shalt  }
0x4a: {  	_ =	shalt  }
0x4b: {  	_ =	shalt  }
0x4c: {  	_ =	shalt  }
0x4d: {  	_ =	shalt  }
0x4e: {  	_ =	shalt  }
0x4f: {  	_ =	shalt  }
0x50: {  	_ =	shalt  }
0x51: {  	_ =	shalt  }
0x52: {  	_ =	shalt  }
0x53: {  	_ =	shalt  }
0x54: {  	_ =	shalt  }
0x55: {  	_ =	shalt  }
0x56: {  	_ =	shalt  }
0x57: {  	_ =	shalt  }
0x58: {  	_ =	shalt  }
0x59: {  	_ =	shalt  }
0x5a: {  	_ =	shalt  }
0x5b: {  	_ =	shalt  }
0x5c: {  	_ =	shalt  }
0x5d: {  	_ =	shalt  }
0x5e: {  	_ =	shalt  }
0x5f: {  	_ =	shalt  }
0x60: {  	_ =	shalt  }
0x61: {  	_ =	shalt  }
0x62: {  	_ =	shalt  }
0x63: {  	_ =	shalt  }
0x64: {  	_ =	shalt  }
0x65: {  	_ =	shalt  }
0x66: {  	_ =	shalt  }
0x67: {  	_ =	shalt  }
0x68: {  	_ =	shalt  }
0x69: {  	_ =	shalt  }
0x6a: {  	_ =	shalt  }
0x6b: {  	_ =	shalt  }
0x6c: {  	_ =	shalt  }
0x6d: {  	_ =	shalt  }
0x6e: {  	_ =	shalt  }
0x6f: {  	_ =	shalt  }
0x70: {  	_ =	shalt  }
0x71: {  	_ =	shalt  }
0x72: {  	_ =	shalt  }
0x73: {  	_ =	shalt  }
0x74: {  	_ =	shalt  }
0x75: {  	_ =	shalt  }
0x76: {  	_ =	shalt  }
0x77: {  	_ =	shalt  }
0x78: {  	_ =	shalt  }
0x79: {  	_ =	shalt  }
0x7a: {  	_ =	shalt  }
0x7b: {  	_ =	shalt  }
0x7c: {  	_ =	shalt  }
0x7d: {  	_ =	shalt  }
0x7e: {  	_ =	shalt  }
0x7f: {  	_ =	shalt  }
0x80: {  	_ =	shalt  }
0x81: {  	_ =	shalt  }
0x82: {  	_ =	shalt  }
0x83: {  	_ =	shalt  }
0x84: {  	_ =	shalt  }
0x85: {  	_ =	shalt  }
0x86: {  	_ =	shalt  }
0x87: {  	_ =	shalt  }
.Lfunc_end0:
.L_simem_size_0:
called_computation.1_lowered:
.L_overlay_start_0:
0x88: {  	s2 =	sld [smem:$0x3FD9]  }
0x89: {  	s3 =	sld [smem:$0x3FFE];
	_ =	sdelay $0x1  }
0x8a: {  	s1 =	srdreg.scid  }
0x8b: {  	s0 =	sand.u32 $0x1, s1  }
0x8c: {  	s17 =	sshll.u32 s0, $0xA;
	s2 =	sadd.s32 s3, s2  }
0x8d: {  	s2 =	sadd.s32 s2, s17  }
0x8e: {  	[smem:$0x3FBF] =	sst s2  }
0x8f: {  	_ = 	snop  }
0x90: {  	s2 =	sld [smem:$0x3FD0];
	(tm) =	ssettm $0x1  }
0x91: {  	s18 =	sld [smem:$0x3FFB];
	_ =	sdelay $0x3  }
0x92: {  	_ =	strace s18  }
0x93: {  	s3 =	sld [smem:$0x3FFC];
	_ =	sdelay $0x3  }
0x94: {  	_ =	strace s3  }
0x95: {  	s3 =	sld [smem:$0x3FFD];
	_ =	sdelay $0x3  }
0x96: {  	_ =	strace s3  }
0x97: {  	_ =	strace $0x8FFFFFFF  }
0x98: {  	s19 =	sld [smem:$0x3FDB];
	_ =	sdelay $0x1  }
0x99: {  	s4 =	simm.s32 $_scs_section_size  }
0x9a: {  	s5 =	simm.s32 $_size__tile_overlayer_lowered;
	s6 =	simm.s32 $_tile_overlayer_lowered  }
0x9b: {  	s22 =	simm.s32 $0x1BFF;
	s21 =	sshll.u32 s6, $0x1;
	s3 =	sadd.s32 s4, s19  }
0x9c: {  	s7 =	simm.s32 $0x0;
	s20 =	sshll.u32 s5, $0x1;
	s5 =	sadd.s32 s21, s3  }
0x9d: {  	[timem:s7], [sflag:s22] =	dma.local [hbm:s5], s20  }
0x9e: {  	_ =	swait.ge [sflag:s22], s20  }
0x9f: {  	s4 =	ssub.s32 $0x0, s20;
	[sflag:s22] =	ssyncset.done $0x0  }
0xa0: {  	[sflag:s22] =	ssyncadd.s32 s4;
	_ =	sdelay $0x1  }
0xa1: {  	s23 =	simm.s32 $0x1B8B  }
0xa2: {  	_ =	swait.ge [sflag:s23], $0x1  }
0xa3: {  	[sflag:s23] =	ssyncset.done $0x0  }
0xa4: {  	s25 =	simm.s32 $0x1B8E;
	s24 =	sld [smem:$0x3FFE];
	[sflag:s23] =	ssyncadd.s32 $0xFFFFFFFF  }
0xa5: {  	s26 =	simm.s32 $execute0_lowered;
	[smem:$0x3FD2] =	sst s25  }
0xa6: {  	s5 =	sshll.u32 s26, $0x1;
	_ =	strace $0x80000049;
	[dreg:$0x1] =	wrdreg $0xFFFFFFFF  }
0xa7: {  	s28 =	simm.s32 $_size_execute0_lowered;
	s3 =	sadd.s32 s3, s5;
	[dreg:$0x0] =	wrdreg $0x0  }
0xa8: {  	s5 =	sshll.u32 s28, $0x1;
	[dreg:$0x2] =	wrdreg s3  }
0xa9: {  	[dreg:$0x3] =	wrdreg s5  }
0xaa: {  	[dreg:$0x4] =	wrdreg $0xC0  }
0xab: {  	_ =	task [dreg:s7], $0x5FFFF  }
0xac: {  	[dreg:$0x1] =	wrdreg $0xFFFFFFFF  }
0xad: {  	[dreg:$0x0] =	wrdreg $0x60  }
0xae: {  	[dreg:$0x2] =	wrdreg s2  }
0xaf: {  	[dreg:$0x3] =	wrdreg s24  }
0xb0: {  	[dreg:$0x4] =	wrdreg $0x0  }
0xb1: {  	[dreg:$0x5] =	wrdreg $0x9  }
0xb2: {  	_ =	task.clear_ibuf [dreg:s7], $0x6FFFF;
	_ =	strace $0x90000049  }
0xb3: {  	s29 =	simm.s32 $0x9;
	_ =	strace $0x8000004B  }
0xb4: {  	_ =	swait.ge [sflag:s29], $0x1  }
0xb5: {  	[sflag:s29] =	ssyncadd.s32 $0xFFFFFFFF  }
0xb6: {  	_ =	strace $0x9000004B  }
0xb7: {  	_ =	sfence  }
0xb8: {  	s30 =	sld [smem:$0x0];
	_ =	sdelay $0x2  }
0xb9: {  	s31 =	sshll.u32 s1, $0xD;
	s1 =	sshrl.u32 s1, $0x2  }
0xba: {  	s3 =	sand.u32 $0x4000, s31;
	s1 =	sadd.s32 s1, s30  }
0xbb: {  	s0 =	sor.u32 s3, s0;
	s1 =	sshll.u32 s1, $0x11  }
0xbc: {  	s0 =	sor.u32 s1, s0  }
0xbd: {  	s0 =	sadd.s32 $0x8F2B, s0  }
0xbe: {  	[sflag:s0] =	ssyncadd.remote.s32 $0x1  }
0xbf: {  	_ =	sfence.sel $0xFFFF  }
0xc0: {  	[dreg:$0x0] =	wrdreg $0xFFFFFFFF;
	(pc) =	sbr.abs _section_cstart, $3  }
0xc1: {  	[dreg:$0x1] =	wrdreg $0xFFFFFFFF  }
0xc2: {  	_ =	task.clear_ibuf [dreg:s7], $0x2FFFF;
	_ =	strace $0x9FFFFFFF  }
0xc3: {  	(tm) =	ssettm $0x7FFFFFFF  }
tec
execute0_lowered:
.L_overlay_start_1:
0x0: {  	(tag) =	ssettag $0x1  }
0x1: {  	s0 =	rddreg [dreg:$0x0]  }
0x2: {  	s1 =	srdreg.scid;
	s2 =	rddreg [dreg:$0x1]  }
0x3: {  	s3 =	rddreg [dreg:$0x2];
	s7 =	stileid.u32;
	s10 =	simm.s32 $0x0  }
0x4: {  	s12 =	simm.s32 $0x5;
	s13 =	simm.s32 $0x13C00;
	s15 =	simm.s32 $0x15000  }
0x5: {  	s16 =	simm.s32 $0x40;
	s19 =	simm.s32 $0x16A00;
	s20 =	simm.s32 $0x1  }
0x6: {  	s21 =	simm.s32 $0x17A00;
	s22 =	simm.s32 $0x2;
	s25 =	simm.s32 $0x19A00  }
0x7: {  	s28 =	simm.s32 $0x4;
	s1 =	sand.u32 $0x1, s1;
	[smem:$0x7FF] =	sst s10  }
0x8: {  	s6 =	smul.u32 $0x13C00, s7;
	s8 =	sadd.s32 $0x1F200, s2;
	s4 =	sshll.u32 s1, $0x4  }
0x9: {  	_ =	strace $0x8000004A;
	s5 =	smul.u32 $0x27800, s1;
	s1 =	ssub.s32 $0x2, s1  }
0xa: {  	[dreg:$0x5] =	wrdreg s8;
	s4 =	sor.u32 s7, s4;
	s26 =	sshrl.u32 s1, $0x1  }
0xb: {  	s29 =	sadd.s32 s6, s3;
	s7 =	sshll.u32 s7, $0x6;
	s30 =	sshrl.u32 s6, $0x3  }
0xc: {  	s4 =	smul.u32 $0x500, s4;
	s1 =	ssub.s32 s1, s26;
	s11 =	sor.u32 $0x1C05, s7  }
.Ltmp0:
0xd: {  	s26 =	simm.s32 $0x3;
	s1 =	smax.u32 s1, $0x1;
	(pc) =	sbr.rel .LBB2_1-.Ltmp0, $4  }
0xe: {  	[dreg:$0x6] =	wrdreg s11;
	s4 =	sadd.s32 s4, s2;
	s2 =	sadd.s32 s5, s2  }
0xf: {  	[dreg:$0x7] =	wrdreg s1;
	s5 =	sshrl.u32 s29, $0x3;
	s2 =	sadd.s32 $0x21A00, s2  }
0x10: {  	s7 =	sadd.s32 $0x15200, s4;
	[dreg:$0x8] =	wrdreg s5;
	s31 =	sadd.s32 s30, s2  }
0x11: {  	s8 =	sadd.s32 $0xB200, s4;
	s9 =	sadd.s32 $0x1200, s4;
	[dreg:$0x9] =	wrdreg s31  }
.LBB2_10:
0x12: {  	[bflag:$0x0] =	sbarrier.arrive $0xFFFF  }
0x13: {  	s11 =	rddreg [dreg:$0x6]  }
0x14: {  	s5 =	rddreg [dreg:$0x8]  }
0x15: {  	s1 =	rddreg [dreg:$0x9]  }
0x16: {  	[hbm:s1], [sflag:s11] =	dma.local [spmem:s5], $0x2780  }
0x17: {  	_ =	swait.ge [sflag:s12], $0x2780  }
0x18: {  	s10 =	rddreg [dreg:$0x4]  }
0x19: {  	s31 =	rddreg [dreg:$0x7];
	s10 =	sadd.s32 $0x1, s10  }
0x1a: {  	p0 =	sne.s32 s10, s31  }
.Ltmp1:
0x1b: {  	_ = 	snop;
	(pc) =	sbr.rel @!p0 .LBB2_11-.Ltmp1, $3  }
0x1c: {  	_ =	sdelay $0x1  }
0x1d: {  	[sflag:s12] =	ssyncset.done $0x0  }
0x1e: {  	[sflag:s12] =	ssyncadd.s32 $0xFFFFD880  }
.LBB2_1:
0x1f: {  	[dreg:$0x4] =	wrdreg s10  }
0x20: {  	s1 =	rddreg [dreg:$0x5]  }
0x21: {  	[spmem:s5], [sflag:s11] =	dma.local [hbm:s1], $0x2780  }
.Ltmp2:
0x22: {  	_ =	swait.ge [sflag:s12], $0x2780;
	(pc) =	sbr.rel .LBB2_2-.Ltmp2, $4  }
0x23: {  	[sflag:s12] =	ssyncset.done $0x0  }
0x24: {  	[sflag:s12] =	ssyncadd.s32 $0xFFFFD880  }
0x25: {  	[bflag:$0x0] =	sbarrier.arrive $0xFFFF  }
0x26: {  	s29 =	simm.s32 $0x0  }
.LBB2_9:
0x27: {  	s1 =	simm.s32 $0x14FC0;
	s29 =	sadd.s32 $0x1, s29  }
0x28: {  	[spmem:s3] =	stream.indirect.scatter.add.f32 [tilespmem:s25], [sflag:$0x4], $0x80, s1, s16, $0xb8;
	[tilespmem:$0x1BA00] =	vst v63  }
0x29: {  	p0 =	sne.s32 s29, $0x4;
	_ =	swait.ge [sflag:s26], $0x2000  }
.Ltmp3:
0x2a: {  	[sflag:s26] =	ssyncset.done $0x0;
	(pc) =	sbr.rel @!p0 .LBB2_10-.Ltmp3, $4  }
0x2b: {  	[sflag:s26] =	ssyncadd.s32 $0xFFFFE000  }
0x2c: {  	_ =	swait.ge [sflag:s28], $0x2000  }
0x2d: {  	[sflag:s28] =	ssyncset.done $0x0  }
0x2e: {  	[sflag:s28] =	ssyncadd.s32 $0xFFFFE000  }
.LBB2_2:
0x2f: {  	s1 =	smul.u32 $0x140, s29;
	_ =	sdelay $0x1  }
0x30: {  	s30 =	simm.s32 $0x0;
	s2 =	sadd.s32 s1, s7  }
0x31: {  	[tilespmem:s13], [sflag:$0x5] =	stream.linear.gather [hbm4b:s2+s30], $0xA00, $0x38;
	[tilespmem:$0x1BA00] =	vst v63  }
0x32: {  	_ =	swait.ge [sflag:s12], $0xA00  }
0x33: {  	[sflag:s12] =	ssyncset.done $0x0  }
0x34: {  	s4 =	simm.s32 $0x14600;
	s18 =	sadd.s32 s1, s8;
	[sflag:s12] =	ssyncadd.s32 $0xFFFFF600  }
0x35: {  	[tilespmem:s4], [sflag:$0x5] =	stream.linear.gather [hbm4b:s18+s30], $0xA00, $0x38;
	[tilespmem:$0x1BA00] =	vst v63  }
0x36: {  	_ =	swait.ge [sflag:s12], $0xA00  }
0x37: {  	[sflag:s12] =	ssyncset.done $0x0  }
0x38: {  	s1 =	sadd.s32 s1, s9;
	[sflag:s12] =	ssyncadd.s32 $0xFFFFF600  }
0x39: {  	[tilespmem:s15], [sflag:$0x5] =	stream.linear.gather [hbm4b:s1+s30], $0xA00, $0x38;
	[tilespmem:$0x1BA00] =	vst v63  }
0x3a: {  	_ =	swait.ge [sflag:s12], $0xA00  }
0x3b: {  	[sflag:s12] =	ssyncset.done $0x0  }
0x3c: {  	s23 =	simm.s32 $0x15A00;
	[sflag:s12] =	ssyncadd.s32 $0xFFFFF600  }
0x3d: {  	[tilespmem:s23], [sflag:$0x1] =	stream.indirect.gather [hbm4b:s0+s16], $0x40, s13, s16, $0xb8;
	[tilespmem:$0x1BA00] =	vst v63  }
0x3e: {  	s24 =	simm.s32 $0x13C40;
	s31 =	simm.s32 $0x0  }
0x3f: {  	[tilespmem:s19], [sflag:$0x2] =	stream.indirect.gather [hbm4b:s0+s16], $0x40, s24, s16, $0xb8;
	[tilespmem:$0x1BA00] =	vst v63  }
.LBB2_3:
0x40: {  	s4 =	sadd.s32 $0xFFFFFFFC, s30  }
0x41: {  	s1 =	sadd.s32 $0x6, s4  }
0x42: {  	v0 =	vmov s1  }
0x43: {  	v0 =	vand.u32 $0xFFFFFFFE, v0  }
0x44: {  	v0 =	vbroadcast v0, $0x0;
	_ =	sdelay $0x1  }
0x45: {  	_ =	swait.ge [sflag:s20], $0x1000;
	s17 =	sadd.s32 $0x4, s4  }
0x46: {  	[sflag:s20] =	ssyncset.done $0x0;
	v1 =	vmov s17  }
0x47: {  	s2 =	simm.s32 $0x15A80;
	[sflag:s20] =	ssyncadd.s32 $0xFFFFF000;
	v1 =	vand.u32 $0xFFFFFFFC, v1  }
0x48: {  	s18 =	sadd.s32 $0x5, s4;
	v2 =	vld [tilespmem:s2+$0x0];
	v1 =	vbroadcast v1, $0x0  }
0x49: {  	v3 =	vmov s18;
	v7 =	vld.idx.msk [tilespmem:v0+s15+$0x0], $0xffff  }
0x4a: {  	v0 =	vand.u32 $0xFFFFFFFD, v3  }
0x4b: {  	v0 =	vbroadcast v0, $0x0;
	_ =	sdelay $0x1  }
0x4c: {  	v4 =	vld [tilespmem:s2+$0xFFFFFF80];
	v3 =	vshll.u32 v2, $0x10  }
0x4d: {  	v2 =	vand.u32 $0xFFFF0000, v2;
	v5 =	vld.idx.msk [tilespmem:v1+s15+$0x0], $0xffff;
	v3 =	vmul.f32 v3, v7  }
0x4e: {  	s1 =	simm.s32 $0x17B00;
	v1 =	vmul.f32 v2, v7  }
0x4f: {  	s4 =	sadd.s32 $0x7, s4;
	v2 =	vld [tilespmem:s2+$0xFFFFFFC0];
	[tilespmem:s1+$0x0] =	vst v3  }
0x50: {  	v6 =	vld.idx.msk [tilespmem:v0+s15+$0x0], $0xffff;
	[tilespmem:s1+$0x40] =	vst v1;
	v0 =	vmov s4  }
0x51: {  	v3 =	vshll.u32 v4, $0x10;
	v1 =	vld [tilespmem:s2+$0x10]  }
0x52: {  	v4 =	vand.u32 $0xFFFF0000, v4;
	v3 =	vmul.f32 v3, v5  }
0x53: {  	v4 =	vmul.f32 v4, v5  }
0x54: {  	v9 =	vld [tilespmem:s2+$0x40];
	v8 =	vshll.u32 v2, $0x10;
	[tilespmem:s1+$0xFFFFFF00] =	vst v3  }
0x55: {  	v2 =	vand.u32 $0xFFFF0000, v2;
	[tilespmem:s1+$0xFFFFFF40] =	vst v4;
	v8 =	vmul.f32 v8, v6;
	v0 =	vld.idx.msk [tilespmem:v0+s15+$0x0], $0xffff  }
0x56: {  	v4 =	vld [tilespmem:s2+$0xFFFFFF90];
	v2 =	vmul.f32 v2, v6;
	v3 =	vshll.u32 v1, $0x10  }
0x57: {  	v1 =	vand.u32 $0xFFFF0000, v1;
	[tilespmem:s1+$0xFFFFFF80] =	vst v8;
	v3 =	vmul.f32 v3, v7  }
0x58: {  	[tilespmem:s1+$0xFFFFFFC0] =	vst v2;
	v1 =	vmul.f32 v1, v7  }
0x59: {  	v2 =	vld [tilespmem:s2+$0xFFFFFFD0];
	[tilespmem:s1+$0x10] =	vst v3;
	v3 =	vshll.u32 v9, $0x10  }
0x5a: {  	[tilespmem:s1+$0x50] =	vst v1;
	v1 =	vand.u32 $0xFFFF0000, v9;
	v3 =	vmul.f32 v3, v0  }
0x5b: {  	v9 =	vshll.u32 v4, $0x10;
	v8 =	vld [tilespmem:s2+$0x20];
	v1 =	vmul.f32 v1, v0  }
0x5c: {  	s23 =	sadd.s32 $0x0, s30;
	[tilespmem:s1+$0x80] =	vst v3;
	v3 =	vand.u32 $0xFFFF0000, v4;
	v4 =	vmul.f32 v9, v5  }
0x5d: {  	s5 =	sadd.s32 $0x6, s23;
	[tilespmem:s1+$0xC0] =	vst v1;
	v1 =	vmul.f32 v3, v5  }
0x5e: {  	v3 =	vshll.u32 v2, $0x10;
	[tilespmem:s1+$0xFFFFFF10] =	vst v4;
	v4 =	vmov s5  }
0x5f: {  	v2 =	vand.u32 $0xFFFF0000, v2;
	v9 =	vld [tilespmem:s2+$0x50];
	v3 =	vmul.f32 v3, v6;
	[tilespmem:s1+$0xFFFFFF50] =	vst v1;
	v1 =	vand.u32 $0xFFFFFFFE, v4  }
0x60: {  	v2 =	vmul.f32 v2, v6;
	v4 =	vshll.u32 v8, $0x10;
	v1 =	vbroadcast v1, $0x0  }
0x61: {  	s24 =	sadd.s32 $0x4, s23;
	[tilespmem:s1+$0xFFFFFF90] =	vst v3;
	v3 =	vand.u32 $0xFFFF0000, v8;
	v4 =	vmul.f32 v4, v7;
	v8 =	vld [tilespmem:s2+$0xFFFFFFA0]  }
0x62: {  	s6 =	sadd.s32 $0x5, s23;
	[tilespmem:s1+$0xFFFFFFD0] =	vst v2;
	v2 =	vmul.f32 v3, v7;
	v3 =	vmov s24  }
0x63: {  	s5 =	simm.s32 $0x15B80;
	v10 =	vld [tilespmem:s2+$0xFFFFFFE0];
	[tilespmem:s1+$0x20] =	vst v4;
	v4 =	vmov s6;
	v3 =	vand.u32 $0xFFFFFFFC, v3  }
0x64: {  	v13 =	vld [tilespmem:s5+$0x0];
	[tilespmem:s1+$0x60] =	vst v2;
	v2 =	vshll.u32 v9, $0x10;
	v11 =	vbroadcast v3, $0x0;
	v3 =	vand.u32 $0xFFFFFFFD, v4  }
0x65: {  	v16 =	vld [tilespmem:s5+$0xFFFFFFC0];
	v4 =	vand.u32 $0xFFFF0000, v9;
	v9 =	vbroadcast v3, $0x0;
	v2 =	vmul.f32 v2, v0  }
0x66: {  	s4 =	sadd.s32 $0x7, s23;
	v4 =	vmul.f32 v4, v0;
	v14 =	vshll.u32 v8, $0x10;
	v3 =	vld.idx.msk [tilespmem:v1+s15+$0x0], $0xffff  }
0x67: {  	v15 =	vmov s4;
	v12 =	vld [tilespmem:s2+$0x30];
	v1 =	vand.u32 $0xFFFF0000, v8;
	[tilespmem:s1+$0x90] =	vst v2;
	v2 =	vmul.f32 v14, v5  }
0x68: {  	v8 =	vld [tilespmem:s5+$0xFFFFFF80];
	v14 =	vshll.u32 v10, $0x10;
	[tilespmem:s1+$0xD0] =	vst v4;
	v1 =	vmul.f32 v1, v5  }
0x69: {  	v4 =	vand.u32 $0xFFFF0000, v10;
	v10 =	vmul.f32 v14, v6;
	v14 =	vld [tilespmem:s5+$0x40];
	[tilespmem:s1+$0xFFFFFF20] =	vst v2  }
0x6a: {  	v4 =	vmul.f32 v4, v6;
	[tilespmem:s1+$0xFFFFFF60] =	vst v1;
	v2 =	vld.idx.msk [tilespmem:v11+s15+$0x0], $0xffff;
	v11 =	vshll.u32 v13, $0x10  }
0x6b: {  	[tilespmem:s1+$0xFFFFFFA0] =	vst v10;
	v1 =	vld.idx.msk [tilespmem:v9+s15+$0x0], $0xffff;
	v9 =	vand.u32 $0xFFFF0000, v13;
	v10 =	vmul.f32 v11, v3  }
0x6c: {  	s10 =	simm.s32 $0x17D00;
	[tilespmem:s1+$0xFFFFFFE0] =	vst v4;
	v4 =	vld.idx.msk [tilespmem:v15+s15+$0x0], $0xffff;
	v11 =	vand.u32 $0xFFFF0000, v12;
	v9 =	vmul.f32 v9, v3  }
0x6d: {  	v13 =	vld [tilespmem:s2+$0x60];
	v12 =	vshll.u32 v12, $0x10;
	v11 =	vmul.f32 v11, v7;
	[tilespmem:s10+$0x0] =	vst v10  }
0x6e: {  	v7 =	vmul.f32 v12, v7;
	v12 =	vld [tilespmem:s2+$0xFFFFFFB0];
	v10 =	vshll.u32 v8, $0x10;
	[tilespmem:s10+$0x40] =	vst v9  }
0x6f: {  	v8 =	vand.u32 $0xFFFF0000, v8;
	[tilespmem:s1+$0x70] =	vst v11;
	v9 =	vmul.f32 v10, v2;
	v10 =	vld [tilespmem:s5+$0x10];
	v11 =	vshll.u32 v16, $0x10  }
0x70: {  	[tilespmem:s1+$0x30] =	vst v7;
	v7 =	vmul.f32 v8, v2;
	v8 =	vand.u32 $0xFFFF0000, v16;
	v11 =	vmul.f32 v11, v1  }
0x71: {  	v15 =	vld [tilespmem:s2+$0xFFFFFFF0];
	v8 =	vmul.f32 v8, v1;
	[tilespmem:s10+$0xFFFFFF00] =	vst v9;
	v9 =	vshll.u32 v14, $0x10;
	v14 =	vand.u32 $0xFFFF0000, v14  }
0x72: {  	[tilespmem:s10+$0xFFFFFF40] =	vst v7;
	v7 =	vmul.f32 v9, v4;
	v9 =	vmul.f32 v14, v4  }
0x73: {  	v14 =	vshll.u32 v13, $0x10;
	v63 =	vld [tilespmem:s5+$0xFFFFFF90];
	[tilespmem:s10+$0xFFFFFF80] =	vst v11;
	v11 =	vshll.u32 v12, $0x10;
	v13 =	vand.u32 $0xFFFF0000, v13  }
0x74: {  	[tilespmem:s10+$0xFFFFFFC0] =	vst v8;
	v14 =	vmul.f32 v14, v0;
	v8 =	vshll.u32 v10, $0x10;
	v10 =	vand.u32 $0xFFFF0000, v10  }
0x75: {  	v17 =	vld [tilespmem:s5+$0xFFFFFFD0];
	v19 =	vmul.f32 v13, v0;
	[tilespmem:s10+$0x80] =	vst v7;
	v7 =	vand.u32 $0xFFFF0000, v12;
	v10 =	vmul.f32 v10, v3  }
0x76: {  	v12 =	vshll.u32 v15, $0x10;
	[tilespmem:s10+$0xC0] =	vst v9;
	v18 =	vmul.f32 v8, v3;
	v8 =	vmul.f32 v11, v5  }
0x77: {  	v11 =	vand.u32 $0xFFFF0000, v15;
	v9 =	vmul.f32 v7, v5;
	v7 =	vmul.f32 v12, v6;
	[tilespmem:s10+$0x50] =	vst v10;
	v10 =	vld [tilespmem:s5+$0x50]  }
0x78: {  	v5 =	vmul.f32 v11, v6;
	[tilespmem:s10+$0x10] =	vst v18;
	v12 =	vshll.u32 v63, $0x10;
	v6 =	vand.u32 $0xFFFF0000, v63  }
0x79: {  	[tilespmem:s1+$0xA0] =	vst v14;
	v12 =	vmul.f32 v12, v2;
	v11 =	vmul.f32 v6, v2;
	v6 =	vld [tilespmem:s5+$0x20]  }
0x7a: {  	s11 =	simm.s32 $0x4;
	s6 =	simm.s32 $0x17D00;
	[tilespmem:s1+$0xE0] =	vst v19;
	v13 =	vshll.u32 v17, $0x10;
	v14 =	vand.u32 $0xFFFF0000, v17  }
.LBB2_4:
0x7b: {  	s4 =	sadd.s32 s11, s30;
	[tilespmem:s10+$0xFFFFFF10] =	vst v12;
	v12 =	vmul.f32 v13, v1;
	v13 =	vmul.f32 v14, v1;
	v14 =	vld [tilespmem:s2+$0x70];
	s2 =	smov.u32 s5  }
0x7c: {  	s24 =	sadd.s32 $0x4, s4;
	s14 =	sadd.s32 $0x5, s4;
	s17 =	sadd.s32 $0x6, s4;
	[tilespmem:s10+$0xFFFFFF50] =	vst v11;
	v11 =	vshll.u32 v10, $0x10;
	v10 =	vand.u32 $0xFFFF0000, v10  }
0x7d: {  	s4 =	sadd.s32 $0x7, s4;
	v15 =	vmov s24;
	v16 =	vmov s14;
	v17 =	vmov s17;
	[tilespmem:s10+$0xFFFFFF90] =	vst v12  }
0x7e: {  	s11 =	sadd.s32 $0x4, s11;
	v12 =	vand.u32 $0xFFFFFFFC, v15;
	v15 =	vand.u32 $0xFFFFFFFE, v17;
	v17 =	vld [tilespmem:s5+$0xFFFFFFA0];
	[tilespmem:s10+$0xFFFFFFD0] =	vst v13;
	v13 =	vshll.u32 v6, $0x10  }
0x7f: {  	p0 =	slt.u32 s11, $0x3C;
	v6 =	vand.u32 $0xFFFF0000, v6;
	v15 =	vbroadcast v15, $0x0;
	v18 =	vld [tilespmem:s5+$0xFFFFFFE0];
	v13 =	vmul.f32 v13, v3;
	[tilespmem:s1+$0xFFFFFF30] =	vst v8  }
0x80: {  	v8 =	vbroadcast v12, $0x0;
	v12 =	vand.u32 $0xFFFFFFFD, v16;
	v6 =	vmul.f32 v6, v3;
	[tilespmem:s1+$0xFFFFFF70] =	vst v9  }
0x81: {  	v11 =	vmul.f32 v11, v4;
	v9 =	vbroadcast v12, $0x0;
	v12 =	vmov s4;
	[tilespmem:s10+$0x20] =	vst v13  }
0x82: {  	v13 =	vand.u32 $0xFFFF0000, v14;
	[tilespmem:s10+$0x60] =	vst v6;
	v6 =	vmul.f32 v10, v4;
	v10 =	vshll.u32 v14, $0x10  }
0x83: {  	s5 =	sadd.s32 $0x100, s5;
	v14 =	vshll.u32 v17, $0x10;
	v16 =	vand.u32 $0xFFFF0000, v17;
	v17 =	vld [tilespmem:s2+$0x30];
	[tilespmem:s10+$0x90] =	vst v11;
	v10 =	vmul.f32 v10, v0  }
0x84: {  	v11 =	vld [tilespmem:s5+$0x0];
	v14 =	vmul.f32 v14, v2;
	v19 =	vshll.u32 v18, $0x10;
	v18 =	vand.u32 $0xFFFF0000, v18;
	[tilespmem:s10+$0xD0] =	vst v6  }
0x85: {  	v6 =	vld.idx.msk [tilespmem:v15+s15+$0x0], $0xffff;
	v15 =	vmul.f32 v16, v2;
	v16 =	vmul.f32 v19, v1;
	[tilespmem:s1+$0xFFFFFFB0] =	vst v7  }
0x86: {  	v13 =	vmul.f32 v13, v0;
	v0 =	vmov v4;
	v7 =	vld [tilespmem:s5+$0xFFFFFF80];
	[tilespmem:s10+$0xFFFFFF20] =	vst v14;
	v14 =	vmul.f32 v18, v1  }
0x87: {  	v18 =	vld [tilespmem:s5+$0xFFFFFFC0];
	[tilespmem:s10+$0xFFFFFF60] =	vst v15  }
0x88: {  	v15 =	vld [tilespmem:s5+$0x40];
	[tilespmem:s10+$0xFFFFFFA0] =	vst v16;
	v4 =	vshll.u32 v17, $0x10;
	v16 =	vand.u32 $0xFFFF0000, v17  }
0x89: {  	v17 =	vld.idx.msk [tilespmem:v8+s15+$0x0], $0xffff;
	[tilespmem:s10+$0xFFFFFFE0] =	vst v14;
	v8 =	vmul.f32 v4, v3;
	v16 =	vmul.f32 v16, v3  }
0x8a: {  	v4 =	vshll.u32 v11, $0x10;
	v14 =	vld.idx.msk [tilespmem:v9+s15+$0x0], $0xffff;
	[tilespmem:s1+$0xFFFFFFF0] =	vst v5  }
0x8b: {  	v9 =	vand.u32 $0xFFFF0000, v11;
	v11 =	vmul.f32 v4, v6;
	v3 =	vmovc v6;
	v5 =	vshll.u32 v7, $0x10;
	v4 =	vld.idx.msk [tilespmem:v12+s15+$0x0], $0xffff;
	[tilespmem:s10+$0x70] =	vst v16  }
0x8c: {  	v6 =	vand.u32 $0xFFFF0000, v7;
	v9 =	vmul.f32 v9, v3;
	s10 =	sadd.s32 $0x200, s10;
	v7 =	vshll.u32 v18, $0x10;
	[tilespmem:s6+$0x30] =	vst v8;
	v8 =	vld [tilespmem:s2+$0x60]  }
0x8d: {  	v12 =	vand.u32 $0xFFFF0000, v18;
	[tilespmem:s10+$0x0] =	vst v11;
	v11 =	vshll.u32 v15, $0x10;
	v15 =	vand.u32 $0xFFFF0000, v15;
	v16 =	vld [tilespmem:s2+$0xFFFFFFB0]  }
0x8e: {  	[tilespmem:s10+$0x40] =	vst v9;
	v9 =	vld [tilespmem:s2+$0xFFFFFFF0]  }
0x8f: {  	v5 =	vmul.f32 v5, v17;
	v6 =	vmul.f32 v6, v17;
	v18 =	vld [tilespmem:s5+$0x10];
	[tilespmem:s1+$0xB0] =	vst v10  }
0x90: {  	v7 =	vmul.f32 v7, v14;
	v10 =	vmul.f32 v12, v14;
	[tilespmem:s1+$0xF0] =	vst v13;
	s1 =	smov.u32 s6;
	s6 =	smov.u32 s10  }
0x91: {  	[tilespmem:s10+$0xFFFFFF00] =	vst v5;
	v5 =	vmul.f32 v11, v4;
	v11 =	vmul.f32 v15, v4;
	v12 =	vshll.u32 v8, $0x10  }
0x92: {  	v8 =	vand.u32 $0xFFFF0000, v8;
	[tilespmem:s10+$0xFFFFFF40] =	vst v6;
	v6 =	vshll.u32 v16, $0x10;
	v13 =	vmul.f32 v12, v0  }
0x93: {  	v12 =	vld [tilespmem:s5+$0xFFFFFF90];
	[tilespmem:s10+$0xFFFFFF80] =	vst v7;
	v7 =	vand.u32 $0xFFFF0000, v16;
	v15 =	vshll.u32 v9, $0x10;
	v16 =	vmul.f32 v8, v0  }
0x94: {  	v8 =	vmul.f32 v6, v2;
	v6 =	vand.u32 $0xFFFF0000, v9;
	[tilespmem:s10+$0xFFFFFFC0] =	vst v10;
	v10 =	vshll.u32 v18, $0x10  }
0x95: {  	v18 =	vand.u32 $0xFFFF0000, v18;
	v9 =	vmul.f32 v7, v2;
	v2 =	vmovc v17;
	v19 =	vld [tilespmem:s5+$0xFFFFFFD0];
	v10 =	vmul.f32 v10, v3;
	[tilespmem:s10+$0x80] =	vst v5  }
.Ltmp4:
0x96: {  	v7 =	vmul.f32 v15, v1;
	v17 =	vmul.f32 v18, v3;
	[tilespmem:s10+$0xC0] =	vst v11;
	(pc) =	sbr.rel @p0 .LBB2_4-.Ltmp4, $4  }
0x97: {  	v5 =	vmul.f32 v6, v1;
	v1 =	vmov v14;
	[tilespmem:s10+$0x10] =	vst v10;
	v10 =	vld [tilespmem:s5+$0x50]  }
0x98: {  	v6 =	vshll.u32 v12, $0x10;
	v11 =	vand.u32 $0xFFFF0000, v12;
	[tilespmem:s10+$0x50] =	vst v17  }
0x99: {  	v12 =	vmul.f32 v6, v2;
	v11 =	vmul.f32 v11, v2;
	v6 =	vld [tilespmem:s5+$0x20];
	[tilespmem:s1+$0xA0] =	vst v13  }
0x9a: {  	v13 =	vshll.u32 v19, $0x10;
	v14 =	vand.u32 $0xFFFF0000, v19;
	[tilespmem:s1+$0xE0] =	vst v16  }
0x9b: {  	[tilespmem:s10+$0xFFFFFF10] =	vst v12  }
0x9c: {  	[tilespmem:s10+$0xFFFFFF50] =	vst v11  }
0x9d: {  	v12 =	vmul.f32 v13, v1;
	[tilespmem:s1+$0xFFFFFF30] =	vst v8  }
0x9e: {  	v13 =	vmul.f32 v14, v1;
	[tilespmem:s1+$0xFFFFFF70] =	vst v9;
	v11 =	vshll.u32 v10, $0x10  }
0x9f: {  	v10 =	vand.u32 $0xFFFF0000, v10;
	[tilespmem:s10+$0xFFFFFF90] =	vst v12;
	v12 =	vld [tilespmem:s5+$0xFFFFFFA0];
	v8 =	vmul.f32 v11, v4  }
0xa0: {  	[tilespmem:s10+$0xFFFFFFD0] =	vst v13;
	v9 =	vmul.f32 v10, v4;
	v11 =	vshll.u32 v6, $0x10  }
0xa1: {  	v13 =	vld [tilespmem:s5+$0xFFFFFFE0];
	v6 =	vand.u32 $0xFFFF0000, v6;
	v10 =	vmul.f32 v11, v3;
	[tilespmem:s10+$0x90] =	vst v8  }
0xa2: {  	v6 =	vmul.f32 v6, v3;
	[tilespmem:s10+$0xD0] =	vst v9  }
0xa3: {  	v9 =	vld [tilespmem:s5+$0x60];
	[tilespmem:s10+$0x20] =	vst v10  }
0xa4: {  	[tilespmem:s10+$0x60] =	vst v6;
	v8 =	vshll.u32 v12, $0x10  }
0xa5: {  	[tilespmem:s1+$0xFFFFFFB0] =	vst v7;
	v6 =	vand.u32 $0xFFFF0000, v12;
	v10 =	vld [tilespmem:s5+$0x30];
	v8 =	vmul.f32 v8, v2  }
0xa6: {  	[tilespmem:s1+$0xFFFFFFF0] =	vst v5;
	v6 =	vmul.f32 v6, v2;
	v7 =	vand.u32 $0xFFFF0000, v13  }
0xa7: {  	v11 =	vshll.u32 v13, $0x10;
	v7 =	vmul.f32 v7, v1;
	[tilespmem:s10+$0xFFFFFF20] =	vst v8;
	v8 =	vld [tilespmem:s2+$0x70]  }
0xa8: {  	v11 =	vmul.f32 v11, v1;
	[tilespmem:s10+$0xFFFFFF60] =	vst v6;
	v6 =	vshll.u32 v9, $0x10  }
0xa9: {  	v9 =	vand.u32 $0xFFFF0000, v9;
	[tilespmem:s10+$0xFFFFFFE0] =	vst v7;
	v7 =	vld [tilespmem:s5+$0xFFFFFFB0];
	v6 =	vmul.f32 v6, v4  }
0xaa: {  	[tilespmem:s10+$0xFFFFFFA0] =	vst v11;
	v5 =	vmul.f32 v9, v4;
	v11 =	vand.u32 $0xFFFF0000, v10  }
0xab: {  	v9 =	vshll.u32 v10, $0x10;
	v10 =	vmul.f32 v11, v3;
	v11 =	vld [tilespmem:s5+$0xFFFFFFF0];
	[tilespmem:s6+$0xA0] =	vst v6  }
0xac: {  	v3 =	vmul.f32 v9, v3;
	[tilespmem:s6+$0xE0] =	vst v5;
	v6 =	vshll.u32 v8, $0x10  }
0xad: {  	v5 =	vand.u32 $0xFFFF0000, v8;
	[tilespmem:s10+$0x70] =	vst v10;
	v8 =	vld [tilespmem:s5+$0x70];
	v6 =	vmul.f32 v6, v0  }
0xae: {  	v0 =	vmul.f32 v5, v0;
	[tilespmem:s6+$0x30] =	vst v3;
	v3 =	vshll.u32 v7, $0x10  }
0xaf: {  	v5 =	vand.u32 $0xFFFF0000, v7;
	v3 =	vmul.f32 v3, v2;
	[tilespmem:s1+$0xB0] =	vst v6  }
0xb0: {  	v2 =	vmul.f32 v5, v2;
	[tilespmem:s1+$0xF0] =	vst v0;
	v0 =	vshll.u32 v11, $0x10  }
0xb1: {  	v5 =	vand.u32 $0xFFFF0000, v11;
	v0 =	vmul.f32 v0, v1;
	[tilespmem:s6+$0xFFFFFF30] =	vst v3  }
0xb2: {  	v1 =	vmul.f32 v5, v1;
	[tilespmem:s6+$0xFFFFFF70] =	vst v2;
	v2 =	vshll.u32 v8, $0x10  }
0xb3: {  	p0 =	seq.s32 s31, $0x13;
	v3 =	vand.u32 $0xFFFF0000, v8;
	v2 =	vmul.f32 v2, v4;
	[tilespmem:s6+$0xFFFFFFB0] =	vst v0  }
0xb4: {  	s23 =	sadd.s32 $0xFFFFFFFC, s30;
	s4 =	simm.s32 @!p0 $0x40;
	s1 =	sshll.u32 @!p0 s31, $0x9;
	v0 =	vmul.f32 v3, v4;
	[tilespmem:s6+$0xFFFFFFF0] =	vst v1  }
0xb5: {  	s24 =	sadd.s32 $0x46, s23;
	s2 =	sshrl.u32 @!p0 s1, $0x2;
	s1 =	simm.s32 @p0 $0x2600;
	[tilespmem:s6+$0xB0] =	vst v2  }
0xb6: {  	s5 =	simm.s32 @!p0 $0x15A00;
	s2 =	sadd.s32 @!p0 $0x13C80, s2;
	s1 =	sshrl.u32 s1, $0x2;
	[tilespmem:s6+$0xF0] =	vst v0;
	v0 =	vmov s24  }
0xb7: {  	[tilespmem:s5], [sflag:$0x1] =	stream.indirect.gather @!p0 [hbm4b:s0+s4], $0x40, s2, s4, $0xb8;
	v0 =	vand.u32 $0xFFFFFFFE, v0;
	[tilespmem:$0x1BA00] =	vst v63  }
0xb8: {  	s5 =	sadd.s32 $0x14600, s1;
	v0 =	vbroadcast v0, $0x0  }
0xb9: {  	[spmem:s3] =	stream.indirect.scatter.add.f32 [tilespmem:s21], [sflag:$0x3], $0x80, s5, s16, $0xb8;
	[tilespmem:$0x1BA00] =	vst v63  }
0xba: {  	s6 =	sadd.s32 $0x44, s23;
	_ =	swait.ge [sflag:s22], $0x1000  }
0xbb: {  	v1 =	vmov s6;
	[sflag:s22] =	ssyncset.done $0x0  }
0xbc: {  	v1 =	vand.u32 $0xFFFFFFFC, v1;
	s5 =	simm.s32 $0x16A80;
	[sflag:s22] =	ssyncadd.s32 $0xFFFFF000  }
0xbd: {  	s10 =	sadd.s32 $0x45, s23;
	v1 =	vbroadcast v1, $0x0;
	v2 =	vld [tilespmem:s5+$0x0]  }
0xbe: {  	v3 =	vmov s10;
	v7 =	vld.idx.msk [tilespmem:v0+s15+$0x0], $0xffff  }
0xbf: {  	v0 =	vand.u32 $0xFFFFFFFD, v3  }
0xc0: {  	v0 =	vbroadcast v0, $0x0;
	_ =	sdelay $0x1  }
0xc1: {  	v4 =	vld [tilespmem:s5+$0xFFFFFF80];
	v3 =	vshll.u32 v2, $0x10  }
0xc2: {  	v6 =	vld.idx.msk [tilespmem:v1+s15+$0x0], $0xffff;
	v2 =	vand.u32 $0xFFFF0000, v2;
	v3 =	vmul.f32 v3, v7  }
0xc3: {  	s2 =	simm.s32 $0x19B00;
	v1 =	vmul.f32 v2, v7  }
0xc4: {  	s4 =	sadd.s32 $0x47, s23;
	v2 =	vld [tilespmem:s5+$0xFFFFFFC0];
	[tilespmem:s2+$0x0] =	vst v3  }
0xc5: {  	v5 =	vld.idx.msk [tilespmem:v0+s15+$0x0], $0xffff;
	[tilespmem:s2+$0x40] =	vst v1;
	v0 =	vmov s4  }
0xc6: {  	v3 =	vshll.u32 v4, $0x10;
	v1 =	vld [tilespmem:s5+$0x10]  }
0xc7: {  	v4 =	vand.u32 $0xFFFF0000, v4;
	v3 =	vmul.f32 v3, v6  }
0xc8: {  	v4 =	vmul.f32 v4, v6  }
0xc9: {  	v9 =	vld [tilespmem:s5+$0x40];
	v8 =	vshll.u32 v2, $0x10;
	[tilespmem:s2+$0xFFFFFF00] =	vst v3  }
0xca: {  	v2 =	vand.u32 $0xFFFF0000, v2;
	[tilespmem:s2+$0xFFFFFF40] =	vst v4;
	v8 =	vmul.f32 v8, v5;
	v0 =	vld.idx.msk [tilespmem:v0+s15+$0x0], $0xffff  }
0xcb: {  	v4 =	vld [tilespmem:s5+$0xFFFFFF90];
	v2 =	vmul.f32 v2, v5;
	v3 =	vshll.u32 v1, $0x10  }
0xcc: {  	v1 =	vand.u32 $0xFFFF0000, v1;
	[tilespmem:s2+$0xFFFFFF80] =	vst v8;
	v3 =	vmul.f32 v3, v7  }
0xcd: {  	[tilespmem:s2+$0xFFFFFFC0] =	vst v2;
	v1 =	vmul.f32 v1, v7  }
0xce: {  	v2 =	vld [tilespmem:s5+$0xFFFFFFD0];
	[tilespmem:s2+$0x10] =	vst v3;
	v3 =	vshll.u32 v9, $0x10  }
0xcf: {  	[tilespmem:s2+$0x50] =	vst v1;
	v1 =	vand.u32 $0xFFFF0000, v9;
	v3 =	vmul.f32 v3, v0  }
0xd0: {  	v9 =	vshll.u32 v4, $0x10;
	v8 =	vld [tilespmem:s5+$0x20];
	v1 =	vmul.f32 v1, v0  }
0xd1: {  	s11 =	sadd.s32 $0x0, s30;
	[tilespmem:s2+$0x80] =	vst v3;
	v3 =	vand.u32 $0xFFFF0000, v4;
	v4 =	vmul.f32 v9, v6  }
0xd2: {  	s14 =	sadd.s32 $0x46, s11;
	[tilespmem:s2+$0xC0] =	vst v1;
	v1 =	vmul.f32 v3, v6  }
0xd3: {  	v3 =	vshll.u32 v2, $0x10;
	[tilespmem:s2+$0xFFFFFF10] =	vst v4;
	v4 =	vmov s14  }
0xd4: {  	v2 =	vand.u32 $0xFFFF0000, v2;
	v9 =	vld [tilespmem:s5+$0x50];
	v3 =	vmul.f32 v3, v5;
	[tilespmem:s2+$0xFFFFFF50] =	vst v1;
	v1 =	vand.u32 $0xFFFFFFFE, v4  }
0xd5: {  	v2 =	vmul.f32 v2, v5;
	v4 =	vshll.u32 v8, $0x10;
	v1 =	vbroadcast v1, $0x0  }
0xd6: {  	s17 =	sadd.s32 $0x44, s11;
	[tilespmem:s2+$0xFFFFFF90] =	vst v3;
	v3 =	vand.u32 $0xFFFF0000, v8;
	v4 =	vmul.f32 v4, v7;
	v8 =	vld [tilespmem:s5+$0xFFFFFFA0]  }
0xd7: {  	s18 =	sadd.s32 $0x45, s11;
	[tilespmem:s2+$0xFFFFFFD0] =	vst v2;
	v2 =	vmul.f32 v3, v7;
	v3 =	vmov s17  }
0xd8: {  	s10 =	simm.s32 $0x16B80;
	v10 =	vld [tilespmem:s5+$0xFFFFFFE0];
	[tilespmem:s2+$0x20] =	vst v4;
	v4 =	vmov s18;
	v3 =	vand.u32 $0xFFFFFFFC, v3  }
0xd9: {  	v13 =	vld [tilespmem:s10+$0x0];
	[tilespmem:s2+$0x60] =	vst v2;
	v2 =	vshll.u32 v9, $0x10;
	v11 =	vbroadcast v3, $0x0;
	v3 =	vand.u32 $0xFFFFFFFD, v4  }
0xda: {  	v16 =	vld [tilespmem:s10+$0xFFFFFFC0];
	v4 =	vand.u32 $0xFFFF0000, v9;
	v9 =	vbroadcast v3, $0x0;
	v2 =	vmul.f32 v2, v0  }
0xdb: {  	s4 =	sadd.s32 $0x47, s11;
	v4 =	vmul.f32 v4, v0;
	v14 =	vshll.u32 v8, $0x10;
	v3 =	vld.idx.msk [tilespmem:v1+s15+$0x0], $0xffff  }
0xdc: {  	v15 =	vmov s4;
	v12 =	vld [tilespmem:s5+$0x30];
	v1 =	vand.u32 $0xFFFF0000, v8;
	[tilespmem:s2+$0x90] =	vst v2;
	v2 =	vmul.f32 v14, v6  }
0xdd: {  	v8 =	vld [tilespmem:s10+$0xFFFFFF80];
	v14 =	vshll.u32 v10, $0x10;
	[tilespmem:s2+$0xD0] =	vst v4;
	v1 =	vmul.f32 v1, v6  }
0xde: {  	v4 =	vand.u32 $0xFFFF0000, v10;
	v10 =	vmul.f32 v14, v5;
	v14 =	vld [tilespmem:s10+$0x40];
	[tilespmem:s2+$0xFFFFFF20] =	vst v2  }
0xdf: {  	v4 =	vmul.f32 v4, v5;
	[tilespmem:s2+$0xFFFFFF60] =	vst v1;
	v2 =	vld.idx.msk [tilespmem:v11+s15+$0x0], $0xffff;
	v11 =	vshll.u32 v13, $0x10  }
0xe0: {  	[tilespmem:s2+$0xFFFFFFA0] =	vst v10;
	v1 =	vld.idx.msk [tilespmem:v9+s15+$0x0], $0xffff;
	v9 =	vand.u32 $0xFFFF0000, v13;
	v10 =	vmul.f32 v11, v3  }
0xe1: {  	s24 =	simm.s32 $0x19D00;
	[tilespmem:s2+$0xFFFFFFE0] =	vst v4;
	v4 =	vld.idx.msk [tilespmem:v15+s15+$0x0], $0xffff;
	v11 =	vand.u32 $0xFFFF0000, v12;
	v9 =	vmul.f32 v9, v3  }
0xe2: {  	v13 =	vld [tilespmem:s5+$0x60];
	v12 =	vshll.u32 v12, $0x10;
	v11 =	vmul.f32 v11, v7;
	[tilespmem:s24+$0x0] =	vst v10  }
0xe3: {  	v15 =	vld [tilespmem:s5+$0xFFFFFFF0];
	v7 =	vmul.f32 v12, v7;
	v10 =	vshll.u32 v8, $0x10;
	[tilespmem:s24+$0x40] =	vst v9  }
0xe4: {  	v8 =	vand.u32 $0xFFFF0000, v8;
	[tilespmem:s2+$0x70] =	vst v11;
	v9 =	vmul.f32 v10, v2;
	v10 =	vld [tilespmem:s10+$0x10]  }
0xe5: {  	v12 =	vld [tilespmem:s5+$0xFFFFFFB0];
	v11 =	vshll.u32 v16, $0x10;
	[tilespmem:s2+$0x30] =	vst v7;
	v7 =	vmul.f32 v8, v2  }
0xe6: {  	v8 =	vand.u32 $0xFFFF0000, v16;
	v11 =	vmul.f32 v11, v1;
	[tilespmem:s24+$0xFFFFFF00] =	vst v9  }
0xe7: {  	v8 =	vmul.f32 v8, v1;
	v9 =	vshll.u32 v14, $0x10;
	[tilespmem:s24+$0xFFFFFF40] =	vst v7  }
0xe8: {  	v18 =	vshll.u32 v15, $0x10;
	v14 =	vand.u32 $0xFFFF0000, v14;
	v7 =	vmul.f32 v9, v4;
	[tilespmem:s24+$0xFFFFFF80] =	vst v11  }
0xe9: {  	v9 =	vmul.f32 v14, v4;
	v14 =	vshll.u32 v13, $0x10;
	v63 =	vld [tilespmem:s10+$0xFFFFFF90];
	[tilespmem:s24+$0xFFFFFFC0] =	vst v8;
	v8 =	vshll.u32 v10, $0x10  }
0xea: {  	v11 =	vshll.u32 v12, $0x10;
	v10 =	vand.u32 $0xFFFF0000, v10;
	[tilespmem:s24+$0x80] =	vst v7;
	v8 =	vmul.f32 v8, v3  }
0xeb: {  	v13 =	vand.u32 $0xFFFF0000, v13;
	v14 =	vmul.f32 v14, v0;
	v17 =	vld [tilespmem:s10+$0xFFFFFFD0];
	[tilespmem:s24+$0xC0] =	vst v9;
	v10 =	vmul.f32 v10, v3  }
0xec: {  	v12 =	vand.u32 $0xFFFF0000, v12;
	v19 =	vmul.f32 v13, v0;
	v7 =	vmul.f32 v11, v6;
	[tilespmem:s24+$0x10] =	vst v8  }
0xed: {  	v9 =	vand.u32 $0xFFFF0000, v15;
	v8 =	vmul.f32 v12, v6;
	v6 =	vmul.f32 v18, v5;
	[tilespmem:s24+$0x50] =	vst v10;
	v10 =	vld [tilespmem:s10+$0x50]  }
0xee: {  	v11 =	vshll.u32 v63, $0x10;
	v5 =	vmul.f32 v9, v5;
	v9 =	vand.u32 $0xFFFF0000, v63  }
0xef: {  	s23 =	sshll.u32 s31, $0x1;
	[tilespmem:s2+$0xA0] =	vst v14;
	v12 =	vmul.f32 v11, v2;
	v11 =	vmul.f32 v9, v2;
	v9 =	vld [tilespmem:s10+$0x20]  }
0xf0: {  	s6 =	sor.u32 $0x1, s23;
	s11 =	simm.s32 $0x19D00;
	s4 =	simm.s32 $0x4;
	[tilespmem:s2+$0xE0] =	vst v19;
	v13 =	vshll.u32 v17, $0x10;
	v14 =	vand.u32 $0xFFFF0000, v17  }
.LBB2_6:
0xf1: {  	s14 =	sadd.s32 s4, s30;
	[tilespmem:s24+$0xFFFFFF10] =	vst v12;
	v12 =	vmul.f32 v13, v1;
	v13 =	vmul.f32 v14, v1;
	v14 =	vld [tilespmem:s5+$0x70];
	s5 =	smov.u32 s10  }
0xf2: {  	s17 =	sadd.s32 $0x44, s14;
	s18 =	sadd.s32 $0x45, s14;
	s23 =	sadd.s32 $0x46, s14;
	[tilespmem:s24+$0xFFFFFF50] =	vst v11;
	v11 =	vshll.u32 v10, $0x10;
	v10 =	vand.u32 $0xFFFF0000, v10  }
0xf3: {  	s14 =	sadd.s32 $0x47, s14;
	v15 =	vmov s17;
	v16 =	vmov s18;
	v17 =	vmov s23;
	[tilespmem:s24+$0xFFFFFF90] =	vst v12  }
0xf4: {  	s4 =	sadd.s32 $0x4, s4;
	v12 =	vand.u32 $0xFFFFFFFC, v15;
	v15 =	vand.u32 $0xFFFFFFFE, v17;
	v17 =	vld [tilespmem:s10+$0xFFFFFFA0];
	[tilespmem:s24+$0xFFFFFFD0] =	vst v13;
	v13 =	vshll.u32 v9, $0x10  }
0xf5: {  	p1 =	slt.u32 s4, $0x3C;
	v9 =	vand.u32 $0xFFFF0000, v9;
	v15 =	vbroadcast v15, $0x0;
	v18 =	vld [tilespmem:s10+$0xFFFFFFE0];
	v13 =	vmul.f32 v13, v3;
	[tilespmem:s2+$0xFFFFFF30] =	vst v7  }
0xf6: {  	v7 =	vbroadcast v12, $0x0;
	v12 =	vand.u32 $0xFFFFFFFD, v16;
	v9 =	vmul.f32 v9, v3;
	[tilespmem:s2+$0xFFFFFF70] =	vst v8  }
0xf7: {  	v11 =	vmul.f32 v11, v4;
	v8 =	vbroadcast v12, $0x0;
	v12 =	vmov s14;
	[tilespmem:s24+$0x20] =	vst v13  }
0xf8: {  	v13 =	vand.u32 $0xFFFF0000, v14;
	[tilespmem:s24+$0x60] =	vst v9;
	v9 =	vmul.f32 v10, v4;
	v10 =	vshll.u32 v14, $0x10  }
0xf9: {  	s10 =	sadd.s32 $0x100, s10;
	v14 =	vshll.u32 v17, $0x10;
	v16 =	vand.u32 $0xFFFF0000, v17;
	v17 =	vld [tilespmem:s5+$0x30];
	[tilespmem:s24+$0x90] =	vst v11;
	v10 =	vmul.f32 v10, v0  }
0xfa: {  	v11 =	vld [tilespmem:s10+$0x0];
	v14 =	vmul.f32 v14, v2;
	v19 =	vshll.u32 v18, $0x10;
	v18 =	vand.u32 $0xFFFF0000, v18;
	[tilespmem:s24+$0xD0] =	vst v9  }
0xfb: {  	v9 =	vld.idx.msk [tilespmem:v15+s15+$0x0], $0xffff;
	v15 =	vmul.f32 v16, v2;
	v16 =	vmul.f32 v19, v1;
	[tilespmem:s2+$0xFFFFFFB0] =	vst v6  }
0xfc: {  	v13 =	vmul.f32 v13, v0;
	v0 =	vmov v4;
	v6 =	vld [tilespmem:s10+$0xFFFFFF80];
	[tilespmem:s24+$0xFFFFFF20] =	vst v14;
	v14 =	vmul.f32 v18, v1  }
0xfd: {  	v18 =	vld [tilespmem:s10+$0xFFFFFFC0];
	[tilespmem:s24+$0xFFFFFF60] =	vst v15  }
0xfe: {  	v15 =	vld [tilespmem:s10+$0x40];
	[tilespmem:s24+$0xFFFFFFA0] =	vst v16;
	v4 =	vshll.u32 v17, $0x10;
	v16 =	vand.u32 $0xFFFF0000, v17  }
0xff: {  	v17 =	vld.idx.msk [tilespmem:v7+s15+$0x0], $0xffff;
	[tilespmem:s24+$0xFFFFFFE0] =	vst v14;
	v7 =	vmul.f32 v4, v3;
	v16 =	vmul.f32 v16, v3  }
0x100: {  	v4 =	vshll.u32 v11, $0x10;
	v14 =	vld.idx.msk [tilespmem:v8+s15+$0x0], $0xffff;
	[tilespmem:s2+$0xFFFFFFF0] =	vst v5  }
0x101: {  	v8 =	vand.u32 $0xFFFF0000, v11;
	v11 =	vmul.f32 v4, v9;
	v3 =	vmovc v9;
	v5 =	vshll.u32 v6, $0x10;
	v4 =	vld.idx.msk [tilespmem:v12+s15+$0x0], $0xffff;
	[tilespmem:s24+$0x70] =	vst v16  }
0x102: {  	v6 =	vand.u32 $0xFFFF0000, v6;
	v8 =	vmul.f32 v8, v3;
	s24 =	sadd.s32 $0x200, s24;
	v9 =	vshll.u32 v18, $0x10;
	[tilespmem:s11+$0x30] =	vst v7;
	v7 =	vld [tilespmem:s5+$0x60]  }
0x103: {  	v12 =	vand.u32 $0xFFFF0000, v18;
	[tilespmem:s24+$0x0] =	vst v11;
	v11 =	vshll.u32 v15, $0x10;
	v15 =	vand.u32 $0xFFFF0000, v15;
	v16 =	vld [tilespmem:s5+$0xFFFFFFB0]  }
0x104: {  	[tilespmem:s24+$0x40] =	vst v8;
	v8 =	vld [tilespmem:s5+$0xFFFFFFF0]  }
0x105: {  	v5 =	vmul.f32 v5, v17;
	v6 =	vmul.f32 v6, v17;
	v18 =	vld [tilespmem:s10+$0x10];
	[tilespmem:s2+$0xB0] =	vst v10  }
0x106: {  	v9 =	vmul.f32 v9, v14;
	v10 =	vmul.f32 v12, v14;
	[tilespmem:s2+$0xF0] =	vst v13;
	s2 =	smov.u32 s11;
	s11 =	smov.u32 s24  }
0x107: {  	[tilespmem:s24+$0xFFFFFF00] =	vst v5;
	v5 =	vmul.f32 v11, v4;
	v11 =	vmul.f32 v15, v4;
	v12 =	vshll.u32 v7, $0x10  }
0x108: {  	v7 =	vand.u32 $0xFFFF0000, v7;
	[tilespmem:s24+$0xFFFFFF40] =	vst v6;
	v6 =	vshll.u32 v16, $0x10;
	v13 =	vmul.f32 v12, v0  }
0x109: {  	v12 =	vld [tilespmem:s10+$0xFFFFFF90];
	[tilespmem:s24+$0xFFFFFF80] =	vst v9;
	v9 =	vand.u32 $0xFFFF0000, v16;
	v15 =	vshll.u32 v8, $0x10;
	v16 =	vmul.f32 v7, v0  }
0x10a: {  	v7 =	vmul.f32 v6, v2;
	v19 =	vand.u32 $0xFFFF0000, v8;
	[tilespmem:s24+$0xFFFFFFC0] =	vst v10;
	v10 =	vshll.u32 v18, $0x10  }
0x10b: {  	v6 =	vand.u32 $0xFFFF0000, v18;
	v8 =	vmul.f32 v9, v2;
	v2 =	vmovc v17;
	v20 =	vld [tilespmem:s10+$0xFFFFFFD0];
	v10 =	vmul.f32 v10, v3;
	[tilespmem:s24+$0x80] =	vst v5  }
.Ltmp5:
0x10c: {  	v9 =	vmul.f32 v6, v3;
	v6 =	vmul.f32 v15, v1;
	[tilespmem:s24+$0xC0] =	vst v11;
	(pc) =	sbr.rel @p1 .LBB2_6-.Ltmp5, $4  }
0x10d: {  	v5 =	vmul.f32 v19, v1;
	v1 =	vmov v14;
	[tilespmem:s24+$0x10] =	vst v10;
	v10 =	vld [tilespmem:s10+$0x50]  }
0x10e: {  	v11 =	vshll.u32 v12, $0x10;
	v14 =	vand.u32 $0xFFFF0000, v12;
	[tilespmem:s24+$0x50] =	vst v9  }
0x10f: {  	v12 =	vmul.f32 v11, v2;
	v11 =	vmul.f32 v14, v2;
	v9 =	vld [tilespmem:s10+$0x20];
	[tilespmem:s2+$0xA0] =	vst v13  }
0x110: {  	v13 =	vshll.u32 v20, $0x10;
	v14 =	vand.u32 $0xFFFF0000, v20;
	[tilespmem:s2+$0xE0] =	vst v16  }
0x111: {  	[tilespmem:s24+$0xFFFFFF10] =	vst v12  }
0x112: {  	[tilespmem:s24+$0xFFFFFF50] =	vst v11  }
0x113: {  	v26 =	vmul.f32 v13, v1;
	[tilespmem:s2+$0xFFFFFF30] =	vst v7  }
0x114: {  	v27 =	vmul.f32 v14, v1;
	[tilespmem:s2+$0xFFFFFF70] =	vst v8;
	v28 =	vshll.u32 v10, $0x10  }
0x115: {  	v29 =	vld [tilespmem:s10+$0xFFFFFFA0];
	v30 =	vand.u32 $0xFFFF0000, v10;
	[tilespmem:s24+$0xFFFFFF90] =	vst v26;
	v31 =	vmul.f32 v28, v4  }
0x116: {  	[tilespmem:s24+$0xFFFFFFD0] =	vst v27;
	v33 =	vmul.f32 v30, v4  }
0x117: {  	v32 =	vshll.u32 v9, $0x10;
	v13 =	vld [tilespmem:s10+$0xFFFFFFE0];
	[tilespmem:s24+$0x90] =	vst v31  }
0x118: {  	v34 =	vand.u32 $0xFFFF0000, v9;
	v35 =	vmul.f32 v32, v3;
	[tilespmem:s24+$0xD0] =	vst v33  }
0x119: {  	[tilespmem:s2+$0xFFFFFFB0] =	vst v6;
	v36 =	vmul.f32 v34, v3;
	v38 =	vld [tilespmem:s10+$0x60]  }
0x11a: {  	[tilespmem:s24+$0x20] =	vst v35;
	v37 =	vshll.u32 v29, $0x10  }
0x11b: {  	v42 =	vld [tilespmem:s5+$0x70];
	[tilespmem:s24+$0x60] =	vst v36;
	v39 =	vand.u32 $0xFFFF0000, v29;
	v8 =	vmul.f32 v37, v2  }
0x11c: {  	[tilespmem:s2+$0xFFFFFFF0] =	vst v5;
	v10 =	vld [tilespmem:s10+$0x30];
	v7 =	vmul.f32 v39, v2;
	v40 =	vshll.u32 v13, $0x10  }
0x11d: {  	v41 =	vand.u32 $0xFFFF0000, v13;
	v11 =	vmul.f32 v40, v1;
	[tilespmem:s24+$0xFFFFFF20] =	vst v8  }
0x11e: {  	v6 =	vmul.f32 v41, v1;
	[tilespmem:s24+$0xFFFFFF60] =	vst v7;
	v43 =	vshll.u32 v38, $0x10  }
0x11f: {  	v44 =	vld [tilespmem:s10+$0xFFFFFFB0];
	v9 =	vand.u32 $0xFFFF0000, v38;
	[tilespmem:s24+$0xFFFFFFA0] =	vst v11;
	v7 =	vmul.f32 v43, v4  }
0x120: {  	v52 =	vand.u32 $0xFFFF0000, v42;
	[tilespmem:s24+$0xFFFFFFE0] =	vst v6;
	v46 =	vmul.f32 v9, v4  }
0x121: {  	v54 =	vmul.f32 v52, v0;
	v45 =	vand.u32 $0xFFFF0000, v10;
	v49 =	vld [tilespmem:s10+$0xFFFFFFF0];
	[tilespmem:s11+$0xA0] =	vst v7  }
0x122: {  	v50 =	vshll.u32 v42, $0x10;
	v48 =	vmul.f32 v45, v3;
	[tilespmem:s11+$0xE0] =	vst v46  }
0x123: {  	[tilespmem:s2+$0xF0] =	vst v54;
	v47 =	vshll.u32 v10, $0x10;
	v7 =	vmul.f32 v50, v0;
	v53 =	vld [tilespmem:s10+$0x70]  }
0x124: {  	v51 =	vmul.f32 v47, v3;
	[tilespmem:s24+$0x70] =	vst v48;
	v55 =	vshll.u32 v44, $0x10  }
0x125: {  	[tilespmem:s2+$0xB0] =	vst v7;
	v56 =	vand.u32 $0xFFFF0000, v44;
	v3 =	vmul.f32 v55, v2  }
0x126: {  	[tilespmem:s11+$0x30] =	vst v51;
	v58 =	vmul.f32 v56, v2;
	v57 =	vshll.u32 v49, $0x10  }
0x127: {  	v59 =	vand.u32 $0xFFFF0000, v49;
	v0 =	vmul.f32 v57, v1;
	[tilespmem:s11+$0xFFFFFF30] =	vst v3  }
.Ltmp6:
0x128: {  	v60 =	vmul.f32 v59, v1;
	[tilespmem:s11+$0xFFFFFF70] =	vst v58;
	v61 =	vshll.u32 v53, $0x10;
	(pc) =	sbr.rel @p0 .LBB2_9-.Ltmp6, $4  }
0x129: {  	v62 =	vand.u32 $0xFFFF0000, v53;
	v2 =	vmul.f32 v61, v4;
	[tilespmem:s11+$0xFFFFFFB0] =	vst v0  }
0x12a: {  	v63 =	vmul.f32 v62, v4;
	[tilespmem:s11+$0xFFFFFFF0] =	vst v60  }
0x12b: {  	[tilespmem:s11+$0xB0] =	vst v2  }
0x12c: {  	[tilespmem:s11+$0xF0] =	vst v63  }
.Ltmp7:
0x12d: {  	s1 =	sadd.s32 $0x13CC0, s1;
	s24 =	sshll.u32 s6, $0x6;
	(pc) =	sbr.rel .LBB2_3-.Ltmp7, $4  }
0x12e: {  	[tilespmem:s19], [sflag:$0x2] =	stream.indirect.gather [hbm4b:s0+s16], $0x40, s1, s16, $0xb8;
	[tilespmem:$0x1BA00] =	vst v63  }
0x12f: {  	s1 =	sand.u32 $0x3FFFFFC0, s24  }
0x130: {  	s31 =	sadd.s32 $0x1, s31;
	s30 =	sadd.s32 $0x80, s30;
	s1 =	sadd.s32 $0x14600, s1  }
0x131: {  	[spmem:s3] =	stream.indirect.scatter.add.f32 [tilespmem:s25], [sflag:$0x4], $0x80, s1, s16, $0xb8;
	[tilespmem:$0x1BA00] =	vst v63  }
.LBB2_11:
0x132: {  	_ =	sfence.sel $0x180000  }
0x133: {  	[bflag:$0x0] =	sbarrier.arrive $0xFFFF  }
0x134: {  	_ =	strace $0x9000004A  }
0x135: {  	s0 =	stileid.u32;
	[bflag:$0x2] =	sbarrier.arrive $0xFFFF  }
0x136: {  	p0 =	sne.s32 s0, $0x0;
	s0 =	rddreg [dreg:$0x3]  }
0x137: {  	s0 =	sadd.s32 @!p0 $0x100000, s0  }
0x138: {  	[sflag:s0] =	ssyncadd.tile.s32 @!p0 $0x1;
	_ =	shalt  }
.Lfunc_end2:
_tile_overlayer_lowered:
.L_overlay_start_2:
0x139: {  	(tag) =	ssettag $0x2  }
0x13a: {  	s0 =	rddreg [dreg:$0x0];
	s2 =	stileid.u32  }
0x13b: {  	s1 =	rddreg [dreg:$0x1];
	p0 =	sne.s32 s2, $0x0  }
0x13c: {  	s3 =	rddreg [dreg:$0x2];
	[bflag:$0x3] =	sbarrier.arrive $0xFFFF;
	s2 =	simm.s32 @!p0 $0x1C05  }
0x13d: {  	[timem:s3], [sflag:s2] =	dma.local @!p0 [hbm:s0], s1  }
0x13e: {  	s0 =	simm.s32 @!p0 $0x5  }
0x13f: {  	_ =	swait.ge @!p0 [sflag:s0], s1  }
0x140: {  	s1 =	ssub.s32 @!p0 $0x0, s1;
	[sflag:s0] =	ssyncset.done @!p0 $0x0  }
0x141: {  	[sflag:s0] =	ssyncadd.s32 @!p0 s1  }
0x142: {  	[bflag:$0x3] =	sbarrier.arrive $0xFFFF  }
0x143: {  	_ =	shalt  }

</sc_bundles>
